<compile_context>
chip_gen: v7x
topology: tpu7x:2x2x1
jax: 0.10.2.dev20260603
libtpu: 0.0.44.dev20260713+nightly
codegen_flags: <defaults>
</compile_context>

<pallas_src>
import dataclasses
import functools

import jax
import jax.numpy as jnp
from jax import lax
from jax.experimental import pallas as pl
from jax.experimental.pallas import tpu as pltpu
from jax.experimental.pallas import tpu_sc as plsc

E_CNT = 100000
R_CNT = 1000
DIM = 128
B = 16384

NC = 2
NS = 16
L = 16
NW = NC * NS
PER_W = B // NW
C = 16
NCHUNK = PER_W // C


def _sin_poly(x):
    x2 = x * x
    p = x2 * (1.0 / 362880.0) - (1.0 / 5040.0)
    p = x2 * p + (1.0 / 120.0)
    p = x2 * p - (1.0 / 6.0)
    return x + x * (x2 * p)


def _sc_scores(s, o, r, t, e_embed, r_embed, d_frq, h_frq, d_phi, h_phi,
               d_amp, h_amp):
    mesh = plsc.VectorSubcoreMesh(core_axis_name="c", subcore_axis_name="s")

    cp = pltpu.CompilerParams()
    if "needs_layout_passes" in pltpu.CompilerParams.__dataclass_fields__:
        cp = dataclasses.replace(cp, needs_layout_passes=False)

    row_buf = pltpu.VMEM((C, DIM), jnp.float32)
    rel_buf = pltpu.VMEM((C, 2 * DIM), jnp.float32)
    buf_set = [row_buf, row_buf, rel_buf] + [row_buf] * 12
    idx_buf = pltpu.VMEM((C,), jnp.int32)
    t_buf = pltpu.VMEM((C, 2), jnp.float32)

    @functools.partial(
        pl.kernel,
        out_type=jax.ShapeDtypeStruct((B,), jnp.float32),
        mesh=mesh,
        compiler_params=cp,
        scratch_types=[
            *buf_set, *buf_set,
            idx_buf, idx_buf, idx_buf, t_buf,
            idx_buf, idx_buf, idx_buf, t_buf,
            pltpu.VMEM((C,), jnp.float32),
            pltpu.SemaphoreType.DMA,
            pltpu.SemaphoreType.DMA,
        ],
    )
    def k(s_hbm, o_hbm, r_hbm, t_hbm, e_hbm, re_hbm, dfrq_hbm, hfrq_hbm,
          dphi_hbm, hphi_hbm, damp_hbm, hamp_hbm, out_hbm, *rest):
        buf_a = rest[0:15]
        buf_b = rest[15:30]
        quad_a = rest[30:34]
        quad_b = rest[34:38]
        out_c = rest[38]
        sem_g, sem_x = rest[39], rest[40]
        tables = [e_hbm, e_hbm, re_hbm,
                  dfrq_hbm, dphi_hbm, damp_hbm, hfrq_hbm, hphi_hbm, hamp_hbm,
                  dfrq_hbm, dphi_hbm, damp_hbm, hfrq_hbm, hphi_hbm, hamp_hbm]
        sel = [0, 1, 2, 0, 0, 0, 0, 0, 0, 1, 1, 1, 1, 1, 1]

        cid = lax.axis_index("c")
        sid = lax.axis_index("s")
        wid = sid * NC + cid
        base = wid * PER_W

        eidx = lax.iota(jnp.int32, L)

        def load_idx(cb, quad):
            gb = base + cb
            pltpu.async_copy(s_hbm.at[pl.ds(gb, C)], quad[0], sem_x).wait()
            pltpu.async_copy(o_hbm.at[pl.ds(gb, C)], quad[1], sem_x).wait()
            pltpu.async_copy(r_hbm.at[pl.ds(gb, C)], quad[2], sem_x).wait()
            pltpu.async_copy(t_hbm.at[pl.ds(gb, C)], quad[3], sem_x).wait()

        def fire(quad, bufs):
            for tbl, sl, buf in zip(tables, sel, bufs):
                pltpu.async_copy(tbl.at[quad[sl]], buf, sem_g)

        def drain(quad, bufs):
            for tbl, sl, buf in zip(tables, sel, bufs):
                pltpu.make_async_copy(tbl.at[quad[sl]], buf, sem_g).wait()

        def compute(cb, quad, bufs):
            (se_b, oe_b, re_b, sdf_b, sdp_b, sda_b, shf_b, shp_b, sha_b,
             odf_b, odp_b, oda_b, ohf_b, ohp_b, oha_b) = bufs
            t_c = quad[3]
            d_vec = plsc.load_gather(t_c, [eidx, jnp.zeros((L,), jnp.int32)])
            h_vec = plsc.load_gather(t_c, [eidx, jnp.ones((L,), jnp.int32)])

            def body(j, acc):
                jj = jnp.full((L,), j, jnp.int32)
                se = plsc.load_gather(se_b, [eidx, jj])
                oe = plsc.load_gather(oe_b, [eidx, jj])
                r1 = plsc.load_gather(re_b, [eidx, jj])
                r2 = plsc.load_gather(re_b, [eidx, jj + DIM])
                t_s = (plsc.load_gather(sda_b, [eidx, jj])
                       * _sin_poly(plsc.load_gather(sdf_b, [eidx, jj]) * d_vec
                                   + plsc.load_gather(sdp_b, [eidx, jj]))
                       + plsc.load_gather(sha_b, [eidx, jj])
                       * _sin_poly(plsc.load_gather(shf_b, [eidx, jj]) * h_vec
                                   + plsc.load_gather(shp_b, [eidx, jj])))
                t_o = (plsc.load_gather(oda_b, [eidx, jj])
                       * _sin_poly(plsc.load_gather(odf_b, [eidx, jj]) * d_vec
                                   + plsc.load_gather(odp_b, [eidx, jj]))
                       + plsc.load_gather(oha_b, [eidx, jj])
                       * _sin_poly(plsc.load_gather(ohf_b, [eidx, jj]) * h_vec
                                   + plsc.load_gather(ohp_b, [eidx, jj])))
                return (acc + jnp.abs(se + r1 - oe)
                        + jnp.abs(t_s + r2 - t_o))

            acc = plsc.parallel_loop(
                0, DIM, unroll=2, carry=jnp.zeros((L,), jnp.float32))(body)
            out_c[...] = -acc
            pltpu.async_copy(out_c, out_hbm.at[pl.ds(base + cb, C)],
                             sem_x).wait()

        load_idx(0, quad_a)
        fire(quad_a, buf_a)

        @pl.loop(0, NCHUNK - 2, step=2)
        def _chunk(g):
            cb = pl.multiple_of(g * C, C)
            drain(quad_a, buf_a)
            load_idx(cb + C, quad_b)
            fire(quad_b, buf_b)
            compute(cb, quad_a, buf_a)
            drain(quad_b, buf_b)
            load_idx(cb + 2 * C, quad_a)
            fire(quad_a, buf_a)
            compute(cb + C, quad_b, buf_b)

        drain(quad_a, buf_a)
        load_idx((NCHUNK - 1) * C, quad_b)
        fire(quad_b, buf_b)
        compute((NCHUNK - 2) * C, quad_a, buf_a)
        drain(quad_b, buf_b)
        compute((NCHUNK - 1) * C, quad_b, buf_b)

    return k(s, o, r, t, e_embed, r_embed, d_frq, h_frq, d_phi, h_phi,
             d_amp, h_amp)


def kernel(s, o, r, t, e_embed, r_embed, d_frq_embed, h_frq_embed,
           d_phi_embed, h_phi_embed, d_amp_embed, h_amp_embed):
    s = s.astype(jnp.int32)
    o = o.astype(jnp.int32)
    r = r.astype(jnp.int32)
    return _sc_scores(s, o, r, t, e_embed, r_embed, d_frq_embed,
                      h_frq_embed, d_phi_embed, h_phi_embed,
                      d_amp_embed, h_amp_embed)

# --- scband reference (transcript-rebuilt; emitter-appended) ---
"""Pipeline reference for scband-abstract-de-59579786330647 (READ-ONLY COPY).

The authoritative reference and input builder live on the scoring server;
editing this copy changes nothing except your own understanding.
"""

import jax, jax.numpy as jnp
import numpy as np

E_CNT = 100000
R_CNT = 1000
DIM = 128
B = 16384


def setup_inputs(seed: int = 0) -> dict:
    key = jax.random.key(seed)
    ks = jax.random.split(key, 12)
    inp = {
        "s": jax.random.randint(ks[0], (B,), 0, E_CNT, dtype=jnp.int64) if jax.config.jax_enable_x64 else jax.random.randint(ks[0], (B,), 0, E_CNT, dtype=jnp.int32),
        "o": jax.random.randint(ks[1], (B,), 0, E_CNT, dtype=jnp.int32),
        "r": jax.random.randint(ks[2], (B,), 0, R_CNT, dtype=jnp.int32),
        "t": jax.random.uniform(ks[3], (B, 2), dtype=jnp.float32),
        # learned parameters (xavier-ish scale)
        "e_embed": jax.random.normal(ks[4], (E_CNT, DIM), dtype=jnp.float32) * 0.05,
        "r_embed": jax.random.normal(ks[5], (R_CNT, 2 * DIM), dtype=jnp.float32) * 0.05,
        "d_frq_embed": jax.random.normal(ks[6], (E_CNT, DIM), dtype=jnp.float32) * 0.05,
        "h_frq_embed": jax.random.normal(ks[7], (E_CNT, DIM), dtype=jnp.float32) * 0.05,
        "d_phi_embed": jax.random.normal(ks[8], (E_CNT, DIM), dtype=jnp.float32) * 0.05,
        "h_phi_embed": jax.random.normal(ks[9], (E_CNT, DIM), dtype=jnp.float32) * 0.05,
        "d_amp_embed": jax.random.normal(ks[10], (E_CNT, DIM), dtype=jnp.float32) * 0.05,
        "h_amp_embed": jax.random.normal(ks[11], (E_CNT, DIM), dtype=jnp.float32) * 0.05,
    }
    return inp


def reference(s, o, r, t, e_embed, r_embed, d_frq_embed, h_frq_embed,
              d_phi_embed, h_phi_embed, d_amp_embed, h_amp_embed):
    # t = [day, hour] per example; keepdims so it broadcasts over the embed dim
    d = t[:, 0:1]
    h = t[:, 1:2]

    def _t_embed(e):
        _d = jnp.take(d_amp_embed, e, axis=0) * jnp.sin(jnp.take(d_frq_embed, e, axis=0) * d + jnp.take(d_phi_embed, e, axis=0))
        _h = jnp.take(h_amp_embed, e, axis=0) * jnp.sin(jnp.take(h_frq_embed, e, axis=0) * h + jnp.take(h_phi_embed, e, axis=0))
        return _d + _h

    s_e = jnp.take(e_embed, s, axis=0)
    o_e = jnp.take(e_embed, o, axis=0)
    r_e = jnp.take(r_embed, r, axis=0)
    t_s = _t_embed(s)
    t_o = _t_embed(o)
    s_t = jnp.concatenate((s_e, t_s), axis=1)
    o_t = jnp.concatenate((o_e, t_o), axis=1)
    # _score is abstract in AbstractDE; use the standard TransE L1 score
    # (self.l1 flag in args indicates L1 norm scoring in the concrete subclasses)
    score = -jnp.sum(jnp.abs(s_t + r_e - o_t), axis=1)
    return score

if __name__ == "__main__":
    import jax
    _d = setup_inputs()
    print(jax.jit(kernel)(*tuple(_d.values())))

</pallas_src>

<mosaic_0001>
#map = affine_map<(d0, d1) -> (0)>
#map1 = affine_map<(d0, d1) -> (0, 0)>
module attributes {stable_mosaic.version = 14 : i64} {
  func.func @k(%arg0: i32, %arg1: i32, %arg2: memref<16384xi32, #tpu.memory_space<hbm>>, %arg3: memref<16384xi32, #tpu.memory_space<hbm>>, %arg4: memref<16384xi32, #tpu.memory_space<hbm>>, %arg5: memref<16384x2xf32, #tpu.memory_space<hbm>>, %arg6: memref<100000x128xf32, #tpu.memory_space<hbm>>, %arg7: memref<1000x256xf32, #tpu.memory_space<hbm>>, %arg8: memref<100000x128xf32, #tpu.memory_space<hbm>>, %arg9: memref<100000x128xf32, #tpu.memory_space<hbm>>, %arg10: memref<100000x128xf32, #tpu.memory_space<hbm>>, %arg11: memref<100000x128xf32, #tpu.memory_space<hbm>>, %arg12: memref<100000x128xf32, #tpu.memory_space<hbm>>, %arg13: memref<100000x128xf32, #tpu.memory_space<hbm>>, %arg14: memref<16384xf32, #tpu.memory_space<hbm>>, %arg15: memref<16x128xf32, #tpu.memory_space<vmem>>, %arg16: memref<16x128xf32, #tpu.memory_space<vmem>>, %arg17: memref<16x256xf32, #tpu.memory_space<vmem>>, %arg18: memref<16x128xf32, #tpu.memory_space<vmem>>, %arg19: memref<16x128xf32, #tpu.memory_space<vmem>>, %arg20: memref<16x128xf32, #tpu.memory_space<vmem>>, %arg21: memref<16x128xf32, #tpu.memory_space<vmem>>, %arg22: memref<16x128xf32, #tpu.memory_space<vmem>>, %arg23: memref<16x128xf32, #tpu.memory_space<vmem>>, %arg24: memref<16x128xf32, #tpu.memory_space<vmem>>, %arg25: memref<16x128xf32, #tpu.memory_space<vmem>>, %arg26: memref<16x128xf32, #tpu.memory_space<vmem>>, %arg27: memref<16x128xf32, #tpu.memory_space<vmem>>, %arg28: memref<16x128xf32, #tpu.memory_space<vmem>>, %arg29: memref<16x128xf32, #tpu.memory_space<vmem>>, %arg30: memref<16x128xf32, #tpu.memory_space<vmem>>, %arg31: memref<16x128xf32, #tpu.memory_space<vmem>>, %arg32: memref<16x256xf32, #tpu.memory_space<vmem>>, %arg33: memref<16x128xf32, #tpu.memory_space<vmem>>, %arg34: memref<16x128xf32, #tpu.memory_space<vmem>>, %arg35: memref<16x128xf32, #tpu.memory_space<vmem>>, %arg36: memref<16x128xf32, #tpu.memory_space<vmem>>, %arg37: memref<16x128xf32, #tpu.memory_space<vmem>>, %arg38: memref<16x128xf32, #tpu.memory_space<vmem>>, %arg39: memref<16x128xf32, #tpu.memory_space<vmem>>, %arg40: memref<16x128xf32, #tpu.memory_space<vmem>>, %arg41: memref<16x128xf32, #tpu.memory_space<vmem>>, %arg42: memref<16x128xf32, #tpu.memory_space<vmem>>, %arg43: memref<16x128xf32, #tpu.memory_space<vmem>>, %arg44: memref<16x128xf32, #tpu.memory_space<vmem>>, %arg45: memref<16xi32, #tpu.memory_space<vmem>>, %arg46: memref<16xi32, #tpu.memory_space<vmem>>, %arg47: memref<16xi32, #tpu.memory_space<vmem>>, %arg48: memref<16x2xf32, #tpu.memory_space<vmem>>, %arg49: memref<16xi32, #tpu.memory_space<vmem>>, %arg50: memref<16xi32, #tpu.memory_space<vmem>>, %arg51: memref<16xi32, #tpu.memory_space<vmem>>, %arg52: memref<16x2xf32, #tpu.memory_space<vmem>>, %arg53: memref<16xf32, #tpu.memory_space<vmem>>, %arg54: memref<!tpu.dma_semaphore, #tpu.memory_space<semaphore_mem>>, %arg55: memref<!tpu.dma_semaphore, #tpu.memory_space<semaphore_mem>>) attributes {dimension_semantics = [#tpu.dimension_semantics<core_parallel>, #tpu.dimension_semantics<subcore_parallel>], iteration_bounds = array<i64: 2, 16>, scalar_prefetch = 0 : i64, scratch_operands = 41 : i64, tpu.core_type = #tpu.core_type<sc_vector_subcore>, window_params = [{transform_indices = #map}, {transform_indices = #map}, {transform_indices = #map}, {transform_indices = #map1}, {transform_indices = #map1}, {transform_indices = #map1}, {transform_indices = #map1}, {transform_indices = #map1}, {transform_indices = #map1}, {transform_indices = #map1}, {transform_indices = #map1}, {transform_indices = #map1}, {transform_indices = #map}]} {
    %mul3A = arith.constant 2 : i32
    %mul3A_0 = arith.muli %arg1, %mul3A : i32
    %add3A = arith.addi %mul3A_0, %arg0 : i32
    %mul3A_1 = arith.constant 512 : i32
    %mul3A_2 = arith.muli %add3A, %mul3A_1 : i32
    %iota3A = tpu.iota {dimensions = array<i32: 0>} : vector<16xi32>
    %add3A_3 = arith.constant 0 : i32
    %add3A_4 = arith.addi %mul3A_2, %add3A_3 : i32
    %dma_start3A = tpu.memref_slice %arg2[%add3A_4] : memref<16384xi32, #tpu.memory_space<hbm>> -> memref<16xi32, #tpu.memory_space<hbm>>
    %dma_start3A_5 = tpu.memref_slice %arg2[%add3A_4] : memref<16384xi32, #tpu.memory_space<hbm>> -> memref<16xi32, #tpu.memory_space<hbm>>
    tpu.enqueue_dma source(%dma_start3A_5 : memref<16xi32, #tpu.memory_space<hbm>>) target(%arg45 : memref<16xi32, #tpu.memory_space<vmem>>) target_semaphore(%arg55 : memref<!tpu.dma_semaphore, #tpu.memory_space<semaphore_mem>>)
    %dma_wait3A = tpu.memref_slice %arg2[%add3A_4] : memref<16384xi32, #tpu.memory_space<hbm>> -> memref<16xi32, #tpu.memory_space<hbm>>
    %dma_wait3A_6 = tpu.memref_slice %arg2[%add3A_4] : memref<16384xi32, #tpu.memory_space<hbm>> -> memref<16xi32, #tpu.memory_space<hbm>>
    tpu.wait_dma2 semaphore(%arg55 : memref<!tpu.dma_semaphore, #tpu.memory_space<semaphore_mem>>) src(%dma_wait3A_6 : memref<16xi32, #tpu.memory_space<hbm>>) dst(%arg45 : memref<16xi32, #tpu.memory_space<vmem>>)
    %dma_start3A_7 = tpu.memref_slice %arg3[%add3A_4] : memref<16384xi32, #tpu.memory_space<hbm>> -> memref<16xi32, #tpu.memory_space<hbm>>
    %dma_start3A_8 = tpu.memref_slice %arg3[%add3A_4] : memref<16384xi32, #tpu.memory_space<hbm>> -> memref<16xi32, #tpu.memory_space<hbm>>
    tpu.enqueue_dma source(%dma_start3A_8 : memref<16xi32, #tpu.memory_space<hbm>>) target(%arg46 : memref<16xi32, #tpu.memory_space<vmem>>) target_semaphore(%arg55 : memref<!tpu.dma_semaphore, #tpu.memory_space<semaphore_mem>>)
    %dma_wait3A_9 = tpu.memref_slice %arg3[%add3A_4] : memref<16384xi32, #tpu.memory_space<hbm>> -> memref<16xi32, #tpu.memory_space<hbm>>
    %dma_wait3A_10 = tpu.memref_slice %arg3[%add3A_4] : memref<16384xi32, #tpu.memory_space<hbm>> -> memref<16xi32, #tpu.memory_space<hbm>>
    tpu.wait_dma2 semaphore(%arg55 : memref<!tpu.dma_semaphore, #tpu.memory_space<semaphore_mem>>) src(%dma_wait3A_10 : memref<16xi32, #tpu.memory_space<hbm>>) dst(%arg46 : memref<16xi32, #tpu.memory_space<vmem>>)
    %dma_start3A_11 = tpu.memref_slice %arg4[%add3A_4] : memref<16384xi32, #tpu.memory_space<hbm>> -> memref<16xi32, #tpu.memory_space<hbm>>
    %dma_start3A_12 = tpu.memref_slice %arg4[%add3A_4] : memref<16384xi32, #tpu.memory_space<hbm>> -> memref<16xi32, #tpu.memory_space<hbm>>
    tpu.enqueue_dma source(%dma_start3A_12 : memref<16xi32, #tpu.memory_space<hbm>>) target(%arg47 : memref<16xi32, #tpu.memory_space<vmem>>) target_semaphore(%arg55 : memref<!tpu.dma_semaphore, #tpu.memory_space<semaphore_mem>>)
    %dma_wait3A_13 = tpu.memref_slice %arg4[%add3A_4] : memref<16384xi32, #tpu.memory_space<hbm>> -> memref<16xi32, #tpu.memory_space<hbm>>
    %dma_wait3A_14 = tpu.memref_slice %arg4[%add3A_4] : memref<16384xi32, #tpu.memory_space<hbm>> -> memref<16xi32, #tpu.memory_space<hbm>>
    tpu.wait_dma2 semaphore(%arg55 : memref<!tpu.dma_semaphore, #tpu.memory_space<semaphore_mem>>) src(%dma_wait3A_14 : memref<16xi32, #tpu.memory_space<hbm>>) dst(%arg47 : memref<16xi32, #tpu.memory_space<vmem>>)
    %dma_start3A_15 = arith.constant 0 : i32
    %dma_start3A_16 = tpu.memref_slice %arg5[%add3A_4, %dma_start3A_15] : memref<16384x2xf32, #tpu.memory_space<hbm>> -> memref<16x2xf32, #tpu.memory_space<hbm>>
    %dma_start3A_17 = arith.constant 0 : i32
    %dma_start3A_18 = tpu.memref_slice %arg5[%add3A_4, %dma_start3A_17] : memref<16384x2xf32, #tpu.memory_space<hbm>> -> memref<16x2xf32, #tpu.memory_space<hbm>>
    tpu.enqueue_dma source(%dma_start3A_18 : memref<16x2xf32, #tpu.memory_space<hbm>>) target(%arg48 : memref<16x2xf32, #tpu.memory_space<vmem>>) target_semaphore(%arg55 : memref<!tpu.dma_semaphore, #tpu.memory_space<semaphore_mem>>)
    %dma_wait3A_19 = arith.constant 0 : i32
    %dma_wait3A_20 = tpu.memref_slice %arg5[%add3A_4, %dma_wait3A_19] : memref<16384x2xf32, #tpu.memory_space<hbm>> -> memref<16x2xf32, #tpu.memory_space<hbm>>
    %dma_wait3A_21 = arith.constant 0 : i32
    %dma_wait3A_22 = tpu.memref_slice %arg5[%add3A_4, %dma_wait3A_21] : memref<16384x2xf32, #tpu.memory_space<hbm>> -> memref<16x2xf32, #tpu.memory_space<hbm>>
    tpu.wait_dma2 semaphore(%arg55 : memref<!tpu.dma_semaphore, #tpu.memory_space<semaphore_mem>>) src(%dma_wait3A_22 : memref<16x2xf32, #tpu.memory_space<hbm>>) dst(%arg48 : memref<16x2xf32, #tpu.memory_space<vmem>>)
    %dma_start3A_23 = arith.constant 0 : i32
    %dma_start3A_24 = arith.constant 0 : i32
    %dma_start3A_25 = tpu.memref_slice %arg6[%dma_start3A_23, %dma_start3A_24] : memref<100000x128xf32, #tpu.memory_space<hbm>> -> memref<100000x128xf32, #tpu.memory_space<hbm>>
    tpu.enqueue_indirect_dma source(%dma_start3A_25 : memref<100000x128xf32, #tpu.memory_space<hbm>>) target(%arg15 : memref<16x128xf32, #tpu.memory_space<vmem>>) offsets(%arg45 : memref<16xi32, #tpu.memory_space<vmem>>) semaphore(%arg54 : memref<!tpu.dma_semaphore, #tpu.memory_space<semaphore_mem>>)
    %dma_start3A_26 = arith.constant 0 : i32
    %dma_start3A_27 = arith.constant 0 : i32
    %dma_start3A_28 = tpu.memref_slice %arg6[%dma_start3A_26, %dma_start3A_27] : memref<100000x128xf32, #tpu.memory_space<hbm>> -> memref<100000x128xf32, #tpu.memory_space<hbm>>
    tpu.enqueue_indirect_dma source(%dma_start3A_28 : memref<100000x128xf32, #tpu.memory_space<hbm>>) target(%arg16 : memref<16x128xf32, #tpu.memory_space<vmem>>) offsets(%arg46 : memref<16xi32, #tpu.memory_space<vmem>>) semaphore(%arg54 : memref<!tpu.dma_semaphore, #tpu.memory_space<semaphore_mem>>)
    %dma_start3A_29 = arith.constant 0 : i32
    %dma_start3A_30 = arith.constant 0 : i32
    %dma_start3A_31 = tpu.memref_slice %arg7[%dma_start3A_29, %dma_start3A_30] : memref<1000x256xf32, #tpu.memory_space<hbm>> -> memref<1000x256xf32, #tpu.memory_space<hbm>>
    tpu.enqueue_indirect_dma source(%dma_start3A_31 : memref<1000x256xf32, #tpu.memory_space<hbm>>) target(%arg17 : memref<16x256xf32, #tpu.memory_space<vmem>>) offsets(%arg47 : memref<16xi32, #tpu.memory_space<vmem>>) semaphore(%arg54 : memref<!tpu.dma_semaphore, #tpu.memory_space<semaphore_mem>>)
    %dma_start3A_32 = arith.constant 0 : i32
    %dma_start3A_33 = arith.constant 0 : i32
    %dma_start3A_34 = tpu.memref_slice %arg8[%dma_start3A_32, %dma_start3A_33] : memref<100000x128xf32, #tpu.memory_space<hbm>> -> memref<100000x128xf32, #tpu.memory_space<hbm>>
    tpu.enqueue_indirect_dma source(%dma_start3A_34 : memref<100000x128xf32, #tpu.memory_space<hbm>>) target(%arg18 : memref<16x128xf32, #tpu.memory_space<vmem>>) offsets(%arg45 : memref<16xi32, #tpu.memory_space<vmem>>) semaphore(%arg54 : memref<!tpu.dma_semaphore, #tpu.memory_space<semaphore_mem>>)
    %dma_start3A_35 = arith.constant 0 : i32
    %dma_start3A_36 = arith.constant 0 : i32
    %dma_start3A_37 = tpu.memref_slice %arg10[%dma_start3A_35, %dma_start3A_36] : memref<100000x128xf32, #tpu.memory_space<hbm>> -> memref<100000x128xf32, #tpu.memory_space<hbm>>
    tpu.enqueue_indirect_dma source(%dma_start3A_37 : memref<100000x128xf32, #tpu.memory_space<hbm>>) target(%arg19 : memref<16x128xf32, #tpu.memory_space<vmem>>) offsets(%arg45 : memref<16xi32, #tpu.memory_space<vmem>>) semaphore(%arg54 : memref<!tpu.dma_semaphore, #tpu.memory_space<semaphore_mem>>)
    %dma_start3A_38 = arith.constant 0 : i32
    %dma_start3A_39 = arith.constant 0 : i32
    %dma_start3A_40 = tpu.memref_slice %arg12[%dma_start3A_38, %dma_start3A_39] : memref<100000x128xf32, #tpu.memory_space<hbm>> -> memref<100000x128xf32, #tpu.memory_space<hbm>>
    tpu.enqueue_indirect_dma source(%dma_start3A_40 : memref<100000x128xf32, #tpu.memory_space<hbm>>) target(%arg20 : memref<16x128xf32, #tpu.memory_space<vmem>>) offsets(%arg45 : memref<16xi32, #tpu.memory_space<vmem>>) semaphore(%arg54 : memref<!tpu.dma_semaphore, #tpu.memory_space<semaphore_mem>>)
    %dma_start3A_41 = arith.constant 0 : i32
    %dma_start3A_42 = arith.constant 0 : i32
    %dma_start3A_43 = tpu.memref_slice %arg9[%dma_start3A_41, %dma_start3A_42] : memref<100000x128xf32, #tpu.memory_space<hbm>> -> memref<100000x128xf32, #tpu.memory_space<hbm>>
    tpu.enqueue_indirect_dma source(%dma_start3A_43 : memref<100000x128xf32, #tpu.memory_space<hbm>>) target(%arg21 : memref<16x128xf32, #tpu.memory_space<vmem>>) offsets(%arg45 : memref<16xi32, #tpu.memory_space<vmem>>) semaphore(%arg54 : memref<!tpu.dma_semaphore, #tpu.memory_space<semaphore_mem>>)
    %dma_start3A_44 = arith.constant 0 : i32
    %dma_start3A_45 = arith.constant 0 : i32
    %dma_start3A_46 = tpu.memref_slice %arg11[%dma_start3A_44, %dma_start3A_45] : memref<100000x128xf32, #tpu.memory_space<hbm>> -> memref<100000x128xf32, #tpu.memory_space<hbm>>
    tpu.enqueue_indirect_dma source(%dma_start3A_46 : memref<100000x128xf32, #tpu.memory_space<hbm>>) target(%arg22 : memref<16x128xf32, #tpu.memory_space<vmem>>) offsets(%arg45 : memref<16xi32, #tpu.memory_space<vmem>>) semaphore(%arg54 : memref<!tpu.dma_semaphore, #tpu.memory_space<semaphore_mem>>)
    %dma_start3A_47 = arith.constant 0 : i32
    %dma_start3A_48 = arith.constant 0 : i32
    %dma_start3A_49 = tpu.memref_slice %arg13[%dma_start3A_47, %dma_start3A_48] : memref<100000x128xf32, #tpu.memory_space<hbm>> -> memref<100000x128xf32, #tpu.memory_space<hbm>>
    tpu.enqueue_indirect_dma source(%dma_start3A_49 : memref<100000x128xf32, #tpu.memory_space<hbm>>) target(%arg23 : memref<16x128xf32, #tpu.memory_space<vmem>>) offsets(%arg45 : memref<16xi32, #tpu.memory_space<vmem>>) semaphore(%arg54 : memref<!tpu.dma_semaphore, #tpu.memory_space<semaphore_mem>>)
    %dma_start3A_50 = arith.constant 0 : i32
    %dma_start3A_51 = arith.constant 0 : i32
    %dma_start3A_52 = tpu.memref_slice %arg8[%dma_start3A_50, %dma_start3A_51] : memref<100000x128xf32, #tpu.memory_space<hbm>> -> memref<100000x128xf32, #tpu.memory_space<hbm>>
    tpu.enqueue_indirect_dma source(%dma_start3A_52 : memref<100000x128xf32, #tpu.memory_space<hbm>>) target(%arg24 : memref<16x128xf32, #tpu.memory_space<vmem>>) offsets(%arg46 : memref<16xi32, #tpu.memory_space<vmem>>) semaphore(%arg54 : memref<!tpu.dma_semaphore, #tpu.memory_space<semaphore_mem>>)
    %dma_start3A_53 = arith.constant 0 : i32
    %dma_start3A_54 = arith.constant 0 : i32
    %dma_start3A_55 = tpu.memref_slice %arg10[%dma_start3A_53, %dma_start3A_54] : memref<100000x128xf32, #tpu.memory_space<hbm>> -> memref<100000x128xf32, #tpu.memory_space<hbm>>
    tpu.enqueue_indirect_dma source(%dma_start3A_55 : memref<100000x128xf32, #tpu.memory_space<hbm>>) target(%arg25 : memref<16x128xf32, #tpu.memory_space<vmem>>) offsets(%arg46 : memref<16xi32, #tpu.memory_space<vmem>>) semaphore(%arg54 : memref<!tpu.dma_semaphore, #tpu.memory_space<semaphore_mem>>)
    %dma_start3A_56 = arith.constant 0 : i32
    %dma_start3A_57 = arith.constant 0 : i32
    %dma_start3A_58 = tpu.memref_slice %arg12[%dma_start3A_56, %dma_start3A_57] : memref<100000x128xf32, #tpu.memory_space<hbm>> -> memref<100000x128xf32, #tpu.memory_space<hbm>>
    tpu.enqueue_indirect_dma source(%dma_start3A_58 : memref<100000x128xf32, #tpu.memory_space<hbm>>) target(%arg26 : memref<16x128xf32, #tpu.memory_space<vmem>>) offsets(%arg46 : memref<16xi32, #tpu.memory_space<vmem>>) semaphore(%arg54 : memref<!tpu.dma_semaphore, #tpu.memory_space<semaphore_mem>>)
    %dma_start3A_59 = arith.constant 0 : i32
    %dma_start3A_60 = arith.constant 0 : i32
    %dma_start3A_61 = tpu.memref_slice %arg9[%dma_start3A_59, %dma_start3A_60] : memref<100000x128xf32, #tpu.memory_space<hbm>> -> memref<100000x128xf32, #tpu.memory_space<hbm>>
    tpu.enqueue_indirect_dma source(%dma_start3A_61 : memref<100000x128xf32, #tpu.memory_space<hbm>>) target(%arg27 : memref<16x128xf32, #tpu.memory_space<vmem>>) offsets(%arg46 : memref<16xi32, #tpu.memory_space<vmem>>) semaphore(%arg54 : memref<!tpu.dma_semaphore, #tpu.memory_space<semaphore_mem>>)
    %dma_start3A_62 = arith.constant 0 : i32
    %dma_start3A_63 = arith.constant 0 : i32
    %dma_start3A_64 = tpu.memref_slice %arg11[%dma_start3A_62, %dma_start3A_63] : memref<100000x128xf32, #tpu.memory_space<hbm>> -> memref<100000x128xf32, #tpu.memory_space<hbm>>
    tpu.enqueue_indirect_dma source(%dma_start3A_64 : memref<100000x128xf32, #tpu.memory_space<hbm>>) target(%arg28 : memref<16x128xf32, #tpu.memory_space<vmem>>) offsets(%arg46 : memref<16xi32, #tpu.memory_space<vmem>>) semaphore(%arg54 : memref<!tpu.dma_semaphore, #tpu.memory_space<semaphore_mem>>)
    %dma_start3A_65 = arith.constant 0 : i32
    %dma_start3A_66 = arith.constant 0 : i32
    %dma_start3A_67 = tpu.memref_slice %arg13[%dma_start3A_65, %dma_start3A_66] : memref<100000x128xf32, #tpu.memory_space<hbm>> -> memref<100000x128xf32, #tpu.memory_space<hbm>>
    tpu.enqueue_indirect_dma source(%dma_start3A_67 : memref<100000x128xf32, #tpu.memory_space<hbm>>) target(%arg29 : memref<16x128xf32, #tpu.memory_space<vmem>>) offsets(%arg46 : memref<16xi32, #tpu.memory_space<vmem>>) semaphore(%arg54 : memref<!tpu.dma_semaphore, #tpu.memory_space<semaphore_mem>>)
    %scan3A = arith.constant 0 : i32
    %scan3A_68 = arith.constant 15 : i32
    %scan3A_69 = arith.addi %scan3A, %scan3A_68 : i32
    %scan3A_70 = arith.constant 1 : i32
    scf.for %scan3A_270 = %scan3A to %scan3A_69 step %scan3A_70  : i32 {
      %mul3A_271 = arith.constant 2 : i32
      %mul3A_272 = arith.muli %scan3A_270, %mul3A_271 : i32
      %add3A_273 = arith.constant 0 : i32
      %add3A_274 = arith.addi %add3A_273, %mul3A_272 : i32
      %mul3A_275 = arith.constant 16 : i32
      %mul3A_276 = arith.muli %add3A_274, %mul3A_275 : i32
      %multiple_of3A = tpu.assume_multiple %mul3A_276, 16 : i32
      %dma_wait3A_277 = arith.constant 0 : i32
      %dma_wait3A_278 = arith.constant 0 : i32
      %dma_wait3A_279 = tpu.memref_slice %arg6[%dma_wait3A_277, %dma_wait3A_278] : memref<100000x128xf32, #tpu.memory_space<hbm>> -> memref<100000x128xf32, #tpu.memory_space<hbm>>
      tpu.wait_indirect_dma semaphore(%arg54 : memref<!tpu.dma_semaphore, #tpu.memory_space<semaphore_mem>>) src(%dma_wait3A_279 : memref<100000x128xf32, #tpu.memory_space<hbm>>) dst(%arg15 : memref<16x128xf32, #tpu.memory_space<vmem>>)
      %dma_wait3A_280 = arith.constant 0 : i32
      %dma_wait3A_281 = arith.constant 0 : i32
      %dma_wait3A_282 = tpu.memref_slice %arg6[%dma_wait3A_280, %dma_wait3A_281] : memref<100000x128xf32, #tpu.memory_space<hbm>> -> memref<100000x128xf32, #tpu.memory_space<hbm>>
      tpu.wait_indirect_dma semaphore(%arg54 : memref<!tpu.dma_semaphore, #tpu.memory_space<semaphore_mem>>) src(%dma_wait3A_282 : memref<100000x128xf32, #tpu.memory_space<hbm>>) dst(%arg16 : memref<16x128xf32, #tpu.memory_space<vmem>>)
      %dma_wait3A_283 = arith.constant 0 : i32
      %dma_wait3A_284 = arith.constant 0 : i32
      %dma_wait3A_285 = tpu.memref_slice %arg7[%dma_wait3A_283, %dma_wait3A_284] : memref<1000x256xf32, #tpu.memory_space<hbm>> -> memref<1000x256xf32, #tpu.memory_space<hbm>>
      tpu.wait_indirect_dma semaphore(%arg54 : memref<!tpu.dma_semaphore, #tpu.memory_space<semaphore_mem>>) src(%dma_wait3A_285 : memref<1000x256xf32, #tpu.memory_space<hbm>>) dst(%arg17 : memref<16x256xf32, #tpu.memory_space<vmem>>)
      %dma_wait3A_286 = arith.constant 0 : i32
      %dma_wait3A_287 = arith.constant 0 : i32
      %dma_wait3A_288 = tpu.memref_slice %arg8[%dma_wait3A_286, %dma_wait3A_287] : memref<100000x128xf32, #tpu.memory_space<hbm>> -> memref<100000x128xf32, #tpu.memory_space<hbm>>
      tpu.wait_indirect_dma semaphore(%arg54 : memref<!tpu.dma_semaphore, #tpu.memory_space<semaphore_mem>>) src(%dma_wait3A_288 : memref<100000x128xf32, #tpu.memory_space<hbm>>) dst(%arg18 : memref<16x128xf32, #tpu.memory_space<vmem>>)
      %dma_wait3A_289 = arith.constant 0 : i32
      %dma_wait3A_290 = arith.constant 0 : i32
      %dma_wait3A_291 = tpu.memref_slice %arg10[%dma_wait3A_289, %dma_wait3A_290] : memref<100000x128xf32, #tpu.memory_space<hbm>> -> memref<100000x128xf32, #tpu.memory_space<hbm>>
      tpu.wait_indirect_dma semaphore(%arg54 : memref<!tpu.dma_semaphore, #tpu.memory_space<semaphore_mem>>) src(%dma_wait3A_291 : memref<100000x128xf32, #tpu.memory_space<hbm>>) dst(%arg19 : memref<16x128xf32, #tpu.memory_space<vmem>>)
      %dma_wait3A_292 = arith.constant 0 : i32
      %dma_wait3A_293 = arith.constant 0 : i32
      %dma_wait3A_294 = tpu.memref_slice %arg12[%dma_wait3A_292, %dma_wait3A_293] : memref<100000x128xf32, #tpu.memory_space<hbm>> -> memref<100000x128xf32, #tpu.memory_space<hbm>>
      tpu.wait_indirect_dma semaphore(%arg54 : memref<!tpu.dma_semaphore, #tpu.memory_space<semaphore_mem>>) src(%dma_wait3A_294 : memref<100000x128xf32, #tpu.memory_space<hbm>>) dst(%arg20 : memref<16x128xf32, #tpu.memory_space<vmem>>)
      %dma_wait3A_295 = arith.constant 0 : i32
      %dma_wait3A_296 = arith.constant 0 : i32
      %dma_wait3A_297 = tpu.memref_slice %arg9[%dma_wait3A_295, %dma_wait3A_296] : memref<100000x128xf32, #tpu.memory_space<hbm>> -> memref<100000x128xf32, #tpu.memory_space<hbm>>
      tpu.wait_indirect_dma semaphore(%arg54 : memref<!tpu.dma_semaphore, #tpu.memory_space<semaphore_mem>>) src(%dma_wait3A_297 : memref<100000x128xf32, #tpu.memory_space<hbm>>) dst(%arg21 : memref<16x128xf32, #tpu.memory_space<vmem>>)
      %dma_wait3A_298 = arith.constant 0 : i32
      %dma_wait3A_299 = arith.constant 0 : i32
      %dma_wait3A_300 = tpu.memref_slice %arg11[%dma_wait3A_298, %dma_wait3A_299] : memref<100000x128xf32, #tpu.memory_space<hbm>> -> memref<100000x128xf32, #tpu.memory_space<hbm>>
      tpu.wait_indirect_dma semaphore(%arg54 : memref<!tpu.dma_semaphore, #tpu.memory_space<semaphore_mem>>) src(%dma_wait3A_300 : memref<100000x128xf32, #tpu.memory_space<hbm>>) dst(%arg22 : memref<16x128xf32, #tpu.memory_space<vmem>>)
      %dma_wait3A_301 = arith.constant 0 : i32
      %dma_wait3A_302 = arith.constant 0 : i32
      %dma_wait3A_303 = tpu.memref_slice %arg13[%dma_wait3A_301, %dma_wait3A_302] : memref<100000x128xf32, #tpu.memory_space<hbm>> -> memref<100000x128xf32, #tpu.memory_space<hbm>>
      tpu.wait_indirect_dma semaphore(%arg54 : memref<!tpu.dma_semaphore, #tpu.memory_space<semaphore_mem>>) src(%dma_wait3A_303 : memref<100000x128xf32, #tpu.memory_space<hbm>>) dst(%arg23 : memref<16x128xf32, #tpu.memory_space<vmem>>)
      %dma_wait3A_304 = arith.constant 0 : i32
      %dma_wait3A_305 = arith.constant 0 : i32
      %dma_wait3A_306 = tpu.memref_slice %arg8[%dma_wait3A_304, %dma_wait3A_305] : memref<100000x128xf32, #tpu.memory_space<hbm>> -> memref<100000x128xf32, #tpu.memory_space<hbm>>
      tpu.wait_indirect_dma semaphore(%arg54 : memref<!tpu.dma_semaphore, #tpu.memory_space<semaphore_mem>>) src(%dma_wait3A_306 : memref<100000x128xf32, #tpu.memory_space<hbm>>) dst(%arg24 : memref<16x128xf32, #tpu.memory_space<vmem>>)
      %dma_wait3A_307 = arith.constant 0 : i32
      %dma_wait3A_308 = arith.constant 0 : i32
      %dma_wait3A_309 = tpu.memref_slice %arg10[%dma_wait3A_307, %dma_wait3A_308] : memref<100000x128xf32, #tpu.memory_space<hbm>> -> memref<100000x128xf32, #tpu.memory_space<hbm>>
      tpu.wait_indirect_dma semaphore(%arg54 : memref<!tpu.dma_semaphore, #tpu.memory_space<semaphore_mem>>) src(%dma_wait3A_309 : memref<100000x128xf32, #tpu.memory_space<hbm>>) dst(%arg25 : memref<16x128xf32, #tpu.memory_space<vmem>>)
      %dma_wait3A_310 = arith.constant 0 : i32
      %dma_wait3A_311 = arith.constant 0 : i32
      %dma_wait3A_312 = tpu.memref_slice %arg12[%dma_wait3A_310, %dma_wait3A_311] : memref<100000x128xf32, #tpu.memory_space<hbm>> -> memref<100000x128xf32, #tpu.memory_space<hbm>>
      tpu.wait_indirect_dma semaphore(%arg54 : memref<!tpu.dma_semaphore, #tpu.memory_space<semaphore_mem>>) src(%dma_wait3A_312 : memref<100000x128xf32, #tpu.memory_space<hbm>>) dst(%arg26 : memref<16x128xf32, #tpu.memory_space<vmem>>)
      %dma_wait3A_313 = arith.constant 0 : i32
      %dma_wait3A_314 = arith.constant 0 : i32
      %dma_wait3A_315 = tpu.memref_slice %arg9[%dma_wait3A_313, %dma_wait3A_314] : memref<100000x128xf32, #tpu.memory_space<hbm>> -> memref<100000x128xf32, #tpu.memory_space<hbm>>
      tpu.wait_indirect_dma semaphore(%arg54 : memref<!tpu.dma_semaphore, #tpu.memory_space<semaphore_mem>>) src(%dma_wait3A_315 : memref<100000x128xf32, #tpu.memory_space<hbm>>) dst(%arg27 : memref<16x128xf32, #tpu.memory_space<vmem>>)
      %dma_wait3A_316 = arith.constant 0 : i32
      %dma_wait3A_317 = arith.constant 0 : i32
      %dma_wait3A_318 = tpu.memref_slice %arg11[%dma_wait3A_316, %dma_wait3A_317] : memref<100000x128xf32, #tpu.memory_space<hbm>> -> memref<100000x128xf32, #tpu.memory_space<hbm>>
      tpu.wait_indirect_dma semaphore(%arg54 : memref<!tpu.dma_semaphore, #tpu.memory_space<semaphore_mem>>) src(%dma_wait3A_318 : memref<100000x128xf32, #tpu.memory_space<hbm>>) dst(%arg28 : memref<16x128xf32, #tpu.memory_space<vmem>>)
      %dma_wait3A_319 = arith.constant 0 : i32
      %dma_wait3A_320 = arith.constant 0 : i32
      %dma_wait3A_321 = tpu.memref_slice %arg13[%dma_wait3A_319, %dma_wait3A_320] : memref<100000x128xf32, #tpu.memory_space<hbm>> -> memref<100000x128xf32, #tpu.memory_space<hbm>>
      tpu.wait_indirect_dma semaphore(%arg54 : memref<!tpu.dma_semaphore, #tpu.memory_space<semaphore_mem>>) src(%dma_wait3A_321 : memref<100000x128xf32, #tpu.memory_space<hbm>>) dst(%arg29 : memref<16x128xf32, #tpu.memory_space<vmem>>)
      %add3A_322 = arith.constant 16 : i32
      %add3A_323 = arith.addi %multiple_of3A, %add3A_322 : i32
      %add3A_324 = arith.addi %mul3A_2, %add3A_323 : i32
      %dma_start3A_325 = tpu.memref_slice %arg2[%add3A_324] : memref<16384xi32, #tpu.memory_space<hbm>> -> memref<16xi32, #tpu.memory_space<hbm>>
      %dma_start3A_326 = tpu.memref_slice %arg2[%add3A_324] : memref<16384xi32, #tpu.memory_space<hbm>> -> memref<16xi32, #tpu.memory_space<hbm>>
      tpu.enqueue_dma source(%dma_start3A_326 : memref<16xi32, #tpu.memory_space<hbm>>) target(%arg49 : memref<16xi32, #tpu.memory_space<vmem>>) target_semaphore(%arg55 : memref<!tpu.dma_semaphore, #tpu.memory_space<semaphore_mem>>)
      %dma_wait3A_327 = tpu.memref_slice %arg2[%add3A_324] : memref<16384xi32, #tpu.memory_space<hbm>> -> memref<16xi32, #tpu.memory_space<hbm>>
      %dma_wait3A_328 = tpu.memref_slice %arg2[%add3A_324] : memref<16384xi32, #tpu.memory_space<hbm>> -> memref<16xi32, #tpu.memory_space<hbm>>
      tpu.wait_dma2 semaphore(%arg55 : memref<!tpu.dma_semaphore, #tpu.memory_space<semaphore_mem>>) src(%dma_wait3A_328 : memref<16xi32, #tpu.memory_space<hbm>>) dst(%arg49 : memref<16xi32, #tpu.memory_space<vmem>>)
      %dma_start3A_329 = tpu.memref_slice %arg3[%add3A_324] : memref<16384xi32, #tpu.memory_space<hbm>> -> memref<16xi32, #tpu.memory_space<hbm>>
      %dma_start3A_330 = tpu.memref_slice %arg3[%add3A_324] : memref<16384xi32, #tpu.memory_space<hbm>> -> memref<16xi32, #tpu.memory_space<hbm>>
      tpu.enqueue_dma source(%dma_start3A_330 : memref<16xi32, #tpu.memory_space<hbm>>) target(%arg50 : memref<16xi32, #tpu.memory_space<vmem>>) target_semaphore(%arg55 : memref<!tpu.dma_semaphore, #tpu.memory_space<semaphore_mem>>)
      %dma_wait3A_331 = tpu.memref_slice %arg3[%add3A_324] : memref<16384xi32, #tpu.memory_space<hbm>> -> memref<16xi32, #tpu.memory_space<hbm>>
      %dma_wait3A_332 = tpu.memref_slice %arg3[%add3A_324] : memref<16384xi32, #tpu.memory_space<hbm>> -> memref<16xi32, #tpu.memory_space<hbm>>
      tpu.wait_dma2 semaphore(%arg55 : memref<!tpu.dma_semaphore, #tpu.memory_space<semaphore_mem>>) src(%dma_wait3A_332 : memref<16xi32, #tpu.memory_space<hbm>>) dst(%arg50 : memref<16xi32, #tpu.memory_space<vmem>>)
      %dma_start3A_333 = tpu.memref_slice %arg4[%add3A_324] : memref<16384xi32, #tpu.memory_space<hbm>> -> memref<16xi32, #tpu.memory_space<hbm>>
      %dma_start3A_334 = tpu.memref_slice %arg4[%add3A_324] : memref<16384xi32, #tpu.memory_space<hbm>> -> memref<16xi32, #tpu.memory_space<hbm>>
      tpu.enqueue_dma source(%dma_start3A_334 : memref<16xi32, #tpu.memory_space<hbm>>) target(%arg51 : memref<16xi32, #tpu.memory_space<vmem>>) target_semaphore(%arg55 : memref<!tpu.dma_semaphore, #tpu.memory_space<semaphore_mem>>)
      %dma_wait3A_335 = tpu.memref_slice %arg4[%add3A_324] : memref<16384xi32, #tpu.memory_space<hbm>> -> memref<16xi32, #tpu.memory_space<hbm>>
      %dma_wait3A_336 = tpu.memref_slice %arg4[%add3A_324] : memref<16384xi32, #tpu.memory_space<hbm>> -> memref<16xi32, #tpu.memory_space<hbm>>
      tpu.wait_dma2 semaphore(%arg55 : memref<!tpu.dma_semaphore, #tpu.memory_space<semaphore_mem>>) src(%dma_wait3A_336 : memref<16xi32, #tpu.memory_space<hbm>>) dst(%arg51 : memref<16xi32, #tpu.memory_space<vmem>>)
      %dma_start3A_337 = arith.constant 0 : i32
      %dma_start3A_338 = tpu.memref_slice %arg5[%add3A_324, %dma_start3A_337] : memref<16384x2xf32, #tpu.memory_space<hbm>> -> memref<16x2xf32, #tpu.memory_space<hbm>>
      %dma_start3A_339 = arith.constant 0 : i32
      %dma_start3A_340 = tpu.memref_slice %arg5[%add3A_324, %dma_start3A_339] : memref<16384x2xf32, #tpu.memory_space<hbm>> -> memref<16x2xf32, #tpu.memory_space<hbm>>
      tpu.enqueue_dma source(%dma_start3A_340 : memref<16x2xf32, #tpu.memory_space<hbm>>) target(%arg52 : memref<16x2xf32, #tpu.memory_space<vmem>>) target_semaphore(%arg55 : memref<!tpu.dma_semaphore, #tpu.memory_space<semaphore_mem>>)
      %dma_wait3A_341 = arith.constant 0 : i32
      %dma_wait3A_342 = tpu.memref_slice %arg5[%add3A_324, %dma_wait3A_341] : memref<16384x2xf32, #tpu.memory_space<hbm>> -> memref<16x2xf32, #tpu.memory_space<hbm>>
      %dma_wait3A_343 = arith.constant 0 : i32
      %dma_wait3A_344 = tpu.memref_slice %arg5[%add3A_324, %dma_wait3A_343] : memref<16384x2xf32, #tpu.memory_space<hbm>> -> memref<16x2xf32, #tpu.memory_space<hbm>>
      tpu.wait_dma2 semaphore(%arg55 : memref<!tpu.dma_semaphore, #tpu.memory_space<semaphore_mem>>) src(%dma_wait3A_344 : memref<16x2xf32, #tpu.memory_space<hbm>>) dst(%arg52 : memref<16x2xf32, #tpu.memory_space<vmem>>)
      %dma_start3A_345 = arith.constant 0 : i32
      %dma_start3A_346 = arith.constant 0 : i32
      %dma_start3A_347 = tpu.memref_slice %arg6[%dma_start3A_345, %dma_start3A_346] : memref<100000x128xf32, #tpu.memory_space<hbm>> -> memref<100000x128xf32, #tpu.memory_space<hbm>>
      tpu.enqueue_indirect_dma source(%dma_start3A_347 : memref<100000x128xf32, #tpu.memory_space<hbm>>) target(%arg30 : memref<16x128xf32, #tpu.memory_space<vmem>>) offsets(%arg49 : memref<16xi32, #tpu.memory_space<vmem>>) semaphore(%arg54 : memref<!tpu.dma_semaphore, #tpu.memory_space<semaphore_mem>>)
      %dma_start3A_348 = arith.constant 0 : i32
      %dma_start3A_349 = arith.constant 0 : i32
      %dma_start3A_350 = tpu.memref_slice %arg6[%dma_start3A_348, %dma_start3A_349] : memref<100000x128xf32, #tpu.memory_space<hbm>> -> memref<100000x128xf32, #tpu.memory_space<hbm>>
      tpu.enqueue_indirect_dma source(%dma_start3A_350 : memref<100000x128xf32, #tpu.memory_space<hbm>>) target(%arg31 : memref<16x128xf32, #tpu.memory_space<vmem>>) offsets(%arg50 : memref<16xi32, #tpu.memory_space<vmem>>) semaphore(%arg54 : memref<!tpu.dma_semaphore, #tpu.memory_space<semaphore_mem>>)
      %dma_start3A_351 = arith.constant 0 : i32
      %dma_start3A_352 = arith.constant 0 : i32
      %dma_start3A_353 = tpu.memref_slice %arg7[%dma_start3A_351, %dma_start3A_352] : memref<1000x256xf32, #tpu.memory_space<hbm>> -> memref<1000x256xf32, #tpu.memory_space<hbm>>
      tpu.enqueue_indirect_dma source(%dma_start3A_353 : memref<1000x256xf32, #tpu.memory_space<hbm>>) target(%arg32 : memref<16x256xf32, #tpu.memory_space<vmem>>) offsets(%arg51 : memref<16xi32, #tpu.memory_space<vmem>>) semaphore(%arg54 : memref<!tpu.dma_semaphore, #tpu.memory_space<semaphore_mem>>)
      %dma_start3A_354 = arith.constant 0 : i32
      %dma_start3A_355 = arith.constant 0 : i32
      %dma_start3A_356 = tpu.memref_slice %arg8[%dma_start3A_354, %dma_start3A_355] : memref<100000x128xf32, #tpu.memory_space<hbm>> -> memref<100000x128xf32, #tpu.memory_space<hbm>>
      tpu.enqueue_indirect_dma source(%dma_start3A_356 : memref<100000x128xf32, #tpu.memory_space<hbm>>) target(%arg33 : memref<16x128xf32, #tpu.memory_space<vmem>>) offsets(%arg49 : memref<16xi32, #tpu.memory_space<vmem>>) semaphore(%arg54 : memref<!tpu.dma_semaphore, #tpu.memory_space<semaphore_mem>>)
      %dma_start3A_357 = arith.constant 0 : i32
      %dma_start3A_358 = arith.constant 0 : i32
      %dma_start3A_359 = tpu.memref_slice %arg10[%dma_start3A_357, %dma_start3A_358] : memref<100000x128xf32, #tpu.memory_space<hbm>> -> memref<100000x128xf32, #tpu.memory_space<hbm>>
      tpu.enqueue_indirect_dma source(%dma_start3A_359 : memref<100000x128xf32, #tpu.memory_space<hbm>>) target(%arg34 : memref<16x128xf32, #tpu.memory_space<vmem>>) offsets(%arg49 : memref<16xi32, #tpu.memory_space<vmem>>) semaphore(%arg54 : memref<!tpu.dma_semaphore, #tpu.memory_space<semaphore_mem>>)
      %dma_start3A_360 = arith.constant 0 : i32
      %dma_start3A_361 = arith.constant 0 : i32
      %dma_start3A_362 = tpu.memref_slice %arg12[%dma_start3A_360, %dma_start3A_361] : memref<100000x128xf32, #tpu.memory_space<hbm>> -> memref<100000x128xf32, #tpu.memory_space<hbm>>
      tpu.enqueue_indirect_dma source(%dma_start3A_362 : memref<100000x128xf32, #tpu.memory_space<hbm>>) target(%arg35 : memref<16x128xf32, #tpu.memory_space<vmem>>) offsets(%arg49 : memref<16xi32, #tpu.memory_space<vmem>>) semaphore(%arg54 : memref<!tpu.dma_semaphore, #tpu.memory_space<semaphore_mem>>)
      %dma_start3A_363 = arith.constant 0 : i32
      %dma_start3A_364 = arith.constant 0 : i32
      %dma_start3A_365 = tpu.memref_slice %arg9[%dma_start3A_363, %dma_start3A_364] : memref<100000x128xf32, #tpu.memory_space<hbm>> -> memref<100000x128xf32, #tpu.memory_space<hbm>>
      tpu.enqueue_indirect_dma source(%dma_start3A_365 : memref<100000x128xf32, #tpu.memory_space<hbm>>) target(%arg36 : memref<16x128xf32, #tpu.memory_space<vmem>>) offsets(%arg49 : memref<16xi32, #tpu.memory_space<vmem>>) semaphore(%arg54 : memref<!tpu.dma_semaphore, #tpu.memory_space<semaphore_mem>>)
      %dma_start3A_366 = arith.constant 0 : i32
      %dma_start3A_367 = arith.constant 0 : i32
      %dma_start3A_368 = tpu.memref_slice %arg11[%dma_start3A_366, %dma_start3A_367] : memref<100000x128xf32, #tpu.memory_space<hbm>> -> memref<100000x128xf32, #tpu.memory_space<hbm>>
      tpu.enqueue_indirect_dma source(%dma_start3A_368 : memref<100000x128xf32, #tpu.memory_space<hbm>>) target(%arg37 : memref<16x128xf32, #tpu.memory_space<vmem>>) offsets(%arg49 : memref<16xi32, #tpu.memory_space<vmem>>) semaphore(%arg54 : memref<!tpu.dma_semaphore, #tpu.memory_space<semaphore_mem>>)
      %dma_start3A_369 = arith.constant 0 : i32
      %dma_start3A_370 = arith.constant 0 : i32
      %dma_start3A_371 = tpu.memref_slice %arg13[%dma_start3A_369, %dma_start3A_370] : memref<100000x128xf32, #tpu.memory_space<hbm>> -> memref<100000x128xf32, #tpu.memory_space<hbm>>
      tpu.enqueue_indirect_dma source(%dma_start3A_371 : memref<100000x128xf32, #tpu.memory_space<hbm>>) target(%arg38 : memref<16x128xf32, #tpu.memory_space<vmem>>) offsets(%arg49 : memref<16xi32, #tpu.memory_space<vmem>>) semaphore(%arg54 : memref<!tpu.dma_semaphore, #tpu.memory_space<semaphore_mem>>)
      %dma_start3A_372 = arith.constant 0 : i32
      %dma_start3A_373 = arith.constant 0 : i32
      %dma_start3A_374 = tpu.memref_slice %arg8[%dma_start3A_372, %dma_start3A_373] : memref<100000x128xf32, #tpu.memory_space<hbm>> -> memref<100000x128xf32, #tpu.memory_space<hbm>>
      tpu.enqueue_indirect_dma source(%dma_start3A_374 : memref<100000x128xf32, #tpu.memory_space<hbm>>) target(%arg39 : memref<16x128xf32, #tpu.memory_space<vmem>>) offsets(%arg50 : memref<16xi32, #tpu.memory_space<vmem>>) semaphore(%arg54 : memref<!tpu.dma_semaphore, #tpu.memory_space<semaphore_mem>>)
      %dma_start3A_375 = arith.constant 0 : i32
      %dma_start3A_376 = arith.constant 0 : i32
      %dma_start3A_377 = tpu.memref_slice %arg10[%dma_start3A_375, %dma_start3A_376] : memref<100000x128xf32, #tpu.memory_space<hbm>> -> memref<100000x128xf32, #tpu.memory_space<hbm>>
      tpu.enqueue_indirect_dma source(%dma_start3A_377 : memref<100000x128xf32, #tpu.memory_space<hbm>>) target(%arg40 : memref<16x128xf32, #tpu.memory_space<vmem>>) offsets(%arg50 : memref<16xi32, #tpu.memory_space<vmem>>) semaphore(%arg54 : memref<!tpu.dma_semaphore, #tpu.memory_space<semaphore_mem>>)
      %dma_start3A_378 = arith.constant 0 : i32
      %dma_start3A_379 = arith.constant 0 : i32
      %dma_start3A_380 = tpu.memref_slice %arg12[%dma_start3A_378, %dma_start3A_379] : memref<100000x128xf32, #tpu.memory_space<hbm>> -> memref<100000x128xf32, #tpu.memory_space<hbm>>
      tpu.enqueue_indirect_dma source(%dma_start3A_380 : memref<100000x128xf32, #tpu.memory_space<hbm>>) target(%arg41 : memref<16x128xf32, #tpu.memory_space<vmem>>) offsets(%arg50 : memref<16xi32, #tpu.memory_space<vmem>>) semaphore(%arg54 : memref<!tpu.dma_semaphore, #tpu.memory_space<semaphore_mem>>)
      %dma_start3A_381 = arith.constant 0 : i32
      %dma_start3A_382 = arith.constant 0 : i32
      %dma_start3A_383 = tpu.memref_slice %arg9[%dma_start3A_381, %dma_start3A_382] : memref<100000x128xf32, #tpu.memory_space<hbm>> -> memref<100000x128xf32, #tpu.memory_space<hbm>>
      tpu.enqueue_indirect_dma source(%dma_start3A_383 : memref<100000x128xf32, #tpu.memory_space<hbm>>) target(%arg42 : memref<16x128xf32, #tpu.memory_space<vmem>>) offsets(%arg50 : memref<16xi32, #tpu.memory_space<vmem>>) semaphore(%arg54 : memref<!tpu.dma_semaphore, #tpu.memory_space<semaphore_mem>>)
      %dma_start3A_384 = arith.constant 0 : i32
      %dma_start3A_385 = arith.constant 0 : i32
      %dma_start3A_386 = tpu.memref_slice %arg11[%dma_start3A_384, %dma_start3A_385] : memref<100000x128xf32, #tpu.memory_space<hbm>> -> memref<100000x128xf32, #tpu.memory_space<hbm>>
      tpu.enqueue_indirect_dma source(%dma_start3A_386 : memref<100000x128xf32, #tpu.memory_space<hbm>>) target(%arg43 : memref<16x128xf32, #tpu.memory_space<vmem>>) offsets(%arg50 : memref<16xi32, #tpu.memory_space<vmem>>) semaphore(%arg54 : memref<!tpu.dma_semaphore, #tpu.memory_space<semaphore_mem>>)
      %dma_start3A_387 = arith.constant 0 : i32
      %dma_start3A_388 = arith.constant 0 : i32
      %dma_start3A_389 = tpu.memref_slice %arg13[%dma_start3A_387, %dma_start3A_388] : memref<100000x128xf32, #tpu.memory_space<hbm>> -> memref<100000x128xf32, #tpu.memory_space<hbm>>
      tpu.enqueue_indirect_dma source(%dma_start3A_389 : memref<100000x128xf32, #tpu.memory_space<hbm>>) target(%arg44 : memref<16x128xf32, #tpu.memory_space<vmem>>) offsets(%arg50 : memref<16xi32, #tpu.memory_space<vmem>>) semaphore(%arg54 : memref<!tpu.dma_semaphore, #tpu.memory_space<semaphore_mem>>)
      %broadcast_in_dim3A_390 = arith.constant 0 : i32
      %broadcast_in_dim3A_391 = vector.broadcast %broadcast_in_dim3A_390 : i32 to vector<16xi32>
      %gather3A_392 = tpu.vector_load_idx %arg48[%iota3A, %broadcast_in_dim3A_391] : memref<16x2xf32, #tpu.memory_space<vmem>>[vector<16xi32>, vector<16xi32>], vector<16xf32>,
      %broadcast_in_dim3A_393 = arith.constant 1 : i32
      %broadcast_in_dim3A_394 = vector.broadcast %broadcast_in_dim3A_393 : i32 to vector<16xi32>
      %gather3A_395 = tpu.vector_load_idx %arg48[%iota3A, %broadcast_in_dim3A_394] : memref<16x2xf32, #tpu.memory_space<vmem>>[vector<16xi32>, vector<16xi32>], vector<16xf32>,
      %broadcast_in_dim3A_396 = arith.constant 0.000000e+00 : f32
      %broadcast_in_dim3A_397 = vector.broadcast %broadcast_in_dim3A_396 : f32 to vector<16xf32>
      %parallel_loop3A_398 = arith.constant 0 : i32
      %parallel_loop3A_399 = arith.constant 128 : i32
      %parallel_loop3A_400 = arith.constant 1 : i32
      %parallel_loop3A_401 = scf.for %parallel_loop3A_549 = %parallel_loop3A_398 to %parallel_loop3A_399 step %parallel_loop3A_400 iter_args(%parallel_loop3A_550 = %broadcast_in_dim3A_397) -> (vector<16xf32>)  : i32 {
        %parallel_loop3A_551 = vector.broadcast %parallel_loop3A_549 : i32 to vector<16xi32>
        %parallel_loop3A_552 = tpu.vector_load_idx %arg15[%iota3A, %parallel_loop3A_551] : memref<16x128xf32, #tpu.memory_space<vmem>>[vector<16xi32>, vector<16xi32>], vector<16xf32>,
        %parallel_loop3A_553 = tpu.vector_load_idx %arg16[%iota3A, %parallel_loop3A_551] : memref<16x128xf32, #tpu.memory_space<vmem>>[vector<16xi32>, vector<16xi32>], vector<16xf32>,
        %parallel_loop3A_554 = tpu.vector_load_idx %arg17[%iota3A, %parallel_loop3A_551] : memref<16x256xf32, #tpu.memory_space<vmem>>[vector<16xi32>, vector<16xi32>], vector<16xf32>,
        %parallel_loop3A_555 = arith.constant 128 : i32
        %parallel_loop3A_556 = vector.broadcast %parallel_loop3A_555 : i32 to vector<16xi32>
        %parallel_loop3A_557 = arith.addi %parallel_loop3A_551, %parallel_loop3A_556 : vector<16xi32>
        %parallel_loop3A_558 = tpu.vector_load_idx %arg17[%iota3A, %parallel_loop3A_557] : memref<16x256xf32, #tpu.memory_space<vmem>>[vector<16xi32>, vector<16xi32>], vector<16xf32>,
        %parallel_loop3A_559 = tpu.vector_load_idx %arg20[%iota3A, %parallel_loop3A_551] : memref<16x128xf32, #tpu.memory_space<vmem>>[vector<16xi32>, vector<16xi32>], vector<16xf32>,
        %parallel_loop3A_560 = tpu.vector_load_idx %arg18[%iota3A, %parallel_loop3A_551] : memref<16x128xf32, #tpu.memory_space<vmem>>[vector<16xi32>, vector<16xi32>], vector<16xf32>,
        %parallel_loop3A_561 = arith.mulf %parallel_loop3A_560, %gather3A_392 : vector<16xf32>
        %parallel_loop3A_562 = tpu.vector_load_idx %arg19[%iota3A, %parallel_loop3A_551] : memref<16x128xf32, #tpu.memory_space<vmem>>[vector<16xi32>, vector<16xi32>], vector<16xf32>,
        %parallel_loop3A_563 = arith.addf %parallel_loop3A_561, %parallel_loop3A_562 : vector<16xf32>
        %parallel_loop3A_564 = arith.mulf %parallel_loop3A_563, %parallel_loop3A_563 : vector<16xf32>
        %parallel_loop3A_565 = arith.constant 2.75573188E-6 : f32
        %parallel_loop3A_566 = vector.broadcast %parallel_loop3A_565 : f32 to vector<16xf32>
        %parallel_loop3A_567 = arith.mulf %parallel_loop3A_564, %parallel_loop3A_566 : vector<16xf32>
        %parallel_loop3A_568 = arith.constant 1.98412701E-4 : f32
        %parallel_loop3A_569 = vector.broadcast %parallel_loop3A_568 : f32 to vector<16xf32>
        %parallel_loop3A_570 = arith.subf %parallel_loop3A_567, %parallel_loop3A_569 : vector<16xf32>
        %parallel_loop3A_571 = arith.mulf %parallel_loop3A_564, %parallel_loop3A_570 : vector<16xf32>
        %parallel_loop3A_572 = arith.constant 0.00833333377 : f32
        %parallel_loop3A_573 = vector.broadcast %parallel_loop3A_572 : f32 to vector<16xf32>
        %parallel_loop3A_574 = arith.addf %parallel_loop3A_571, %parallel_loop3A_573 : vector<16xf32>
        %parallel_loop3A_575 = arith.mulf %parallel_loop3A_564, %parallel_loop3A_574 : vector<16xf32>
        %parallel_loop3A_576 = arith.constant 0.166666672 : f32
        %parallel_loop3A_577 = vector.broadcast %parallel_loop3A_576 : f32 to vector<16xf32>
        %parallel_loop3A_578 = arith.subf %parallel_loop3A_575, %parallel_loop3A_577 : vector<16xf32>
        %parallel_loop3A_579 = arith.mulf %parallel_loop3A_564, %parallel_loop3A_578 : vector<16xf32>
        %parallel_loop3A_580 = arith.mulf %parallel_loop3A_563, %parallel_loop3A_579 : vector<16xf32>
        %parallel_loop3A_581 = arith.addf %parallel_loop3A_563, %parallel_loop3A_580 : vector<16xf32>
        %parallel_loop3A_582 = arith.mulf %parallel_loop3A_559, %parallel_loop3A_581 : vector<16xf32>
        %parallel_loop3A_583 = tpu.vector_load_idx %arg23[%iota3A, %parallel_loop3A_551] : memref<16x128xf32, #tpu.memory_space<vmem>>[vector<16xi32>, vector<16xi32>], vector<16xf32>,
        %parallel_loop3A_584 = tpu.vector_load_idx %arg21[%iota3A, %parallel_loop3A_551] : memref<16x128xf32, #tpu.memory_space<vmem>>[vector<16xi32>, vector<16xi32>], vector<16xf32>,
        %parallel_loop3A_585 = arith.mulf %parallel_loop3A_584, %gather3A_395 : vector<16xf32>
        %parallel_loop3A_586 = tpu.vector_load_idx %arg22[%iota3A, %parallel_loop3A_551] : memref<16x128xf32, #tpu.memory_space<vmem>>[vector<16xi32>, vector<16xi32>], vector<16xf32>,
        %parallel_loop3A_587 = arith.addf %parallel_loop3A_585, %parallel_loop3A_586 : vector<16xf32>
        %parallel_loop3A_588 = arith.mulf %parallel_loop3A_587, %parallel_loop3A_587 : vector<16xf32>
        %parallel_loop3A_589 = arith.constant 2.75573188E-6 : f32
        %parallel_loop3A_590 = vector.broadcast %parallel_loop3A_589 : f32 to vector<16xf32>
        %parallel_loop3A_591 = arith.mulf %parallel_loop3A_588, %parallel_loop3A_590 : vector<16xf32>
        %parallel_loop3A_592 = arith.constant 1.98412701E-4 : f32
        %parallel_loop3A_593 = vector.broadcast %parallel_loop3A_592 : f32 to vector<16xf32>
        %parallel_loop3A_594 = arith.subf %parallel_loop3A_591, %parallel_loop3A_593 : vector<16xf32>
        %parallel_loop3A_595 = arith.mulf %parallel_loop3A_588, %parallel_loop3A_594 : vector<16xf32>
        %parallel_loop3A_596 = arith.constant 0.00833333377 : f32
        %parallel_loop3A_597 = vector.broadcast %parallel_loop3A_596 : f32 to vector<16xf32>
        %parallel_loop3A_598 = arith.addf %parallel_loop3A_595, %parallel_loop3A_597 : vector<16xf32>
        %parallel_loop3A_599 = arith.mulf %parallel_loop3A_588, %parallel_loop3A_598 : vector<16xf32>
        %parallel_loop3A_600 = arith.constant 0.166666672 : f32
        %parallel_loop3A_601 = vector.broadcast %parallel_loop3A_600 : f32 to vector<16xf32>
        %parallel_loop3A_602 = arith.subf %parallel_loop3A_599, %parallel_loop3A_601 : vector<16xf32>
        %parallel_loop3A_603 = arith.mulf %parallel_loop3A_588, %parallel_loop3A_602 : vector<16xf32>
        %parallel_loop3A_604 = arith.mulf %parallel_loop3A_587, %parallel_loop3A_603 : vector<16xf32>
        %parallel_loop3A_605 = arith.addf %parallel_loop3A_587, %parallel_loop3A_604 : vector<16xf32>
        %parallel_loop3A_606 = arith.mulf %parallel_loop3A_583, %parallel_loop3A_605 : vector<16xf32>
        %parallel_loop3A_607 = arith.addf %parallel_loop3A_582, %parallel_loop3A_606 : vector<16xf32>
        %parallel_loop3A_608 = tpu.vector_load_idx %arg26[%iota3A, %parallel_loop3A_551] : memref<16x128xf32, #tpu.memory_space<vmem>>[vector<16xi32>, vector<16xi32>], vector<16xf32>,
        %parallel_loop3A_609 = tpu.vector_load_idx %arg24[%iota3A, %parallel_loop3A_551] : memref<16x128xf32, #tpu.memory_space<vmem>>[vector<16xi32>, vector<16xi32>], vector<16xf32>,
        %parallel_loop3A_610 = arith.mulf %parallel_loop3A_609, %gather3A_392 : vector<16xf32>
        %parallel_loop3A_611 = tpu.vector_load_idx %arg25[%iota3A, %parallel_loop3A_551] : memref<16x128xf32, #tpu.memory_space<vmem>>[vector<16xi32>, vector<16xi32>], vector<16xf32>,
        %parallel_loop3A_612 = arith.addf %parallel_loop3A_610, %parallel_loop3A_611 : vector<16xf32>
        %parallel_loop3A_613 = arith.mulf %parallel_loop3A_612, %parallel_loop3A_612 : vector<16xf32>
        %parallel_loop3A_614 = arith.constant 2.75573188E-6 : f32
        %parallel_loop3A_615 = vector.broadcast %parallel_loop3A_614 : f32 to vector<16xf32>
        %parallel_loop3A_616 = arith.mulf %parallel_loop3A_613, %parallel_loop3A_615 : vector<16xf32>
        %parallel_loop3A_617 = arith.constant 1.98412701E-4 : f32
        %parallel_loop3A_618 = vector.broadcast %parallel_loop3A_617 : f32 to vector<16xf32>
        %parallel_loop3A_619 = arith.subf %parallel_loop3A_616, %parallel_loop3A_618 : vector<16xf32>
        %parallel_loop3A_620 = arith.mulf %parallel_loop3A_613, %parallel_loop3A_619 : vector<16xf32>
        %parallel_loop3A_621 = arith.constant 0.00833333377 : f32
        %parallel_loop3A_622 = vector.broadcast %parallel_loop3A_621 : f32 to vector<16xf32>
        %parallel_loop3A_623 = arith.addf %parallel_loop3A_620, %parallel_loop3A_622 : vector<16xf32>
        %parallel_loop3A_624 = arith.mulf %parallel_loop3A_613, %parallel_loop3A_623 : vector<16xf32>
        %parallel_loop3A_625 = arith.constant 0.166666672 : f32
        %parallel_loop3A_626 = vector.broadcast %parallel_loop3A_625 : f32 to vector<16xf32>
        %parallel_loop3A_627 = arith.subf %parallel_loop3A_624, %parallel_loop3A_626 : vector<16xf32>
        %parallel_loop3A_628 = arith.mulf %parallel_loop3A_613, %parallel_loop3A_627 : vector<16xf32>
        %parallel_loop3A_629 = arith.mulf %parallel_loop3A_612, %parallel_loop3A_628 : vector<16xf32>
        %parallel_loop3A_630 = arith.addf %parallel_loop3A_612, %parallel_loop3A_629 : vector<16xf32>
        %parallel_loop3A_631 = arith.mulf %parallel_loop3A_608, %parallel_loop3A_630 : vector<16xf32>
        %parallel_loop3A_632 = tpu.vector_load_idx %arg29[%iota3A, %parallel_loop3A_551] : memref<16x128xf32, #tpu.memory_space<vmem>>[vector<16xi32>, vector<16xi32>], vector<16xf32>,
        %parallel_loop3A_633 = tpu.vector_load_idx %arg27[%iota3A, %parallel_loop3A_551] : memref<16x128xf32, #tpu.memory_space<vmem>>[vector<16xi32>, vector<16xi32>], vector<16xf32>,
        %parallel_loop3A_634 = arith.mulf %parallel_loop3A_633, %gather3A_395 : vector<16xf32>
        %parallel_loop3A_635 = tpu.vector_load_idx %arg28[%iota3A, %parallel_loop3A_551] : memref<16x128xf32, #tpu.memory_space<vmem>>[vector<16xi32>, vector<16xi32>], vector<16xf32>,
        %parallel_loop3A_636 = arith.addf %parallel_loop3A_634, %parallel_loop3A_635 : vector<16xf32>
        %parallel_loop3A_637 = arith.mulf %parallel_loop3A_636, %parallel_loop3A_636 : vector<16xf32>
        %parallel_loop3A_638 = arith.constant 2.75573188E-6 : f32
        %parallel_loop3A_639 = vector.broadcast %parallel_loop3A_638 : f32 to vector<16xf32>
        %parallel_loop3A_640 = arith.mulf %parallel_loop3A_637, %parallel_loop3A_639 : vector<16xf32>
        %parallel_loop3A_641 = arith.constant 1.98412701E-4 : f32
        %parallel_loop3A_642 = vector.broadcast %parallel_loop3A_641 : f32 to vector<16xf32>
        %parallel_loop3A_643 = arith.subf %parallel_loop3A_640, %parallel_loop3A_642 : vector<16xf32>
        %parallel_loop3A_644 = arith.mulf %parallel_loop3A_637, %parallel_loop3A_643 : vector<16xf32>
        %parallel_loop3A_645 = arith.constant 0.00833333377 : f32
        %parallel_loop3A_646 = vector.broadcast %parallel_loop3A_645 : f32 to vector<16xf32>
        %parallel_loop3A_647 = arith.addf %parallel_loop3A_644, %parallel_loop3A_646 : vector<16xf32>
        %parallel_loop3A_648 = arith.mulf %parallel_loop3A_637, %parallel_loop3A_647 : vector<16xf32>
        %parallel_loop3A_649 = arith.constant 0.166666672 : f32
        %parallel_loop3A_650 = vector.broadcast %parallel_loop3A_649 : f32 to vector<16xf32>
        %parallel_loop3A_651 = arith.subf %parallel_loop3A_648, %parallel_loop3A_650 : vector<16xf32>
        %parallel_loop3A_652 = arith.mulf %parallel_loop3A_637, %parallel_loop3A_651 : vector<16xf32>
        %parallel_loop3A_653 = arith.mulf %parallel_loop3A_636, %parallel_loop3A_652 : vector<16xf32>
        %parallel_loop3A_654 = arith.addf %parallel_loop3A_636, %parallel_loop3A_653 : vector<16xf32>
        %parallel_loop3A_655 = arith.mulf %parallel_loop3A_632, %parallel_loop3A_654 : vector<16xf32>
        %parallel_loop3A_656 = arith.addf %parallel_loop3A_631, %parallel_loop3A_655 : vector<16xf32>
        %parallel_loop3A_657 = arith.addf %parallel_loop3A_552, %parallel_loop3A_554 : vector<16xf32>
        %parallel_loop3A_658 = arith.subf %parallel_loop3A_657, %parallel_loop3A_553 : vector<16xf32>
        %parallel_loop3A_659 = math.absf %parallel_loop3A_658 : vector<16xf32>
        %parallel_loop3A_660 = arith.addf %parallel_loop3A_550, %parallel_loop3A_659 : vector<16xf32>
        %parallel_loop3A_661 = arith.addf %parallel_loop3A_607, %parallel_loop3A_558 : vector<16xf32>
        %parallel_loop3A_662 = arith.subf %parallel_loop3A_661, %parallel_loop3A_656 : vector<16xf32>
        %parallel_loop3A_663 = math.absf %parallel_loop3A_662 : vector<16xf32>
        %parallel_loop3A_664 = arith.addf %parallel_loop3A_660, %parallel_loop3A_663 : vector<16xf32>
        scf.yield %parallel_loop3A_664 : vector<16xf32>
      } {sc.loop_unroll_factor = 2 : i64, sc.parallel_access}
      %neg3A_402 = arith.constant 0.000000e+00 : f32
      %neg3A_403 = vector.broadcast %neg3A_402 : f32 to vector<16xf32>
      %neg3A_404 = arith.subf %neg3A_403, %parallel_loop3A_401 : vector<16xf32>
      %swap3A_405 = arith.constant 0 : index
      %swap3A_406 = tpu.vector_load %arg53[%swap3A_405] {strides = array<i32>} : memref<16xf32, #tpu.memory_space<vmem>>, vector<16xf32>,
      tpu.vector_store %arg53[%swap3A_405], %neg3A_404 {strides = array<i32>} : memref<16xf32, #tpu.memory_space<vmem>>, vector<16xf32>,
      %add3A_407 = arith.addi %mul3A_2, %multiple_of3A : i32
      %dma_start3A_408 = tpu.memref_slice %arg14[%add3A_407] : memref<16384xf32, #tpu.memory_space<hbm>> -> memref<16xf32, #tpu.memory_space<hbm>>
      %dma_start3A_409 = tpu.memref_slice %arg14[%add3A_407] : memref<16384xf32, #tpu.memory_space<hbm>> -> memref<16xf32, #tpu.memory_space<hbm>>
      tpu.enqueue_dma source(%arg53 : memref<16xf32, #tpu.memory_space<vmem>>) target(%dma_start3A_409 : memref<16xf32, #tpu.memory_space<hbm>>) target_semaphore(%arg55 : memref<!tpu.dma_semaphore, #tpu.memory_space<semaphore_mem>>)
      %dma_wait3A_410 = tpu.memref_slice %arg14[%add3A_407] : memref<16384xf32, #tpu.memory_space<hbm>> -> memref<16xf32, #tpu.memory_space<hbm>>
      %dma_wait3A_411 = tpu.memref_slice %arg14[%add3A_407] : memref<16384xf32, #tpu.memory_space<hbm>> -> memref<16xf32, #tpu.memory_space<hbm>>
      tpu.wait_dma2 semaphore(%arg55 : memref<!tpu.dma_semaphore, #tpu.memory_space<semaphore_mem>>) src(%arg53 : memref<16xf32, #tpu.memory_space<vmem>>) dst(%dma_wait3A_411 : memref<16xf32, #tpu.memory_space<hbm>>)
      %dma_wait3A_412 = arith.constant 0 : i32
      %dma_wait3A_413 = arith.constant 0 : i32
      %dma_wait3A_414 = tpu.memref_slice %arg6[%dma_wait3A_412, %dma_wait3A_413] : memref<100000x128xf32, #tpu.memory_space<hbm>> -> memref<100000x128xf32, #tpu.memory_space<hbm>>
      tpu.wait_indirect_dma semaphore(%arg54 : memref<!tpu.dma_semaphore, #tpu.memory_space<semaphore_mem>>) src(%dma_wait3A_414 : memref<100000x128xf32, #tpu.memory_space<hbm>>) dst(%arg30 : memref<16x128xf32, #tpu.memory_space<vmem>>)
      %dma_wait3A_415 = arith.constant 0 : i32
      %dma_wait3A_416 = arith.constant 0 : i32
      %dma_wait3A_417 = tpu.memref_slice %arg6[%dma_wait3A_415, %dma_wait3A_416] : memref<100000x128xf32, #tpu.memory_space<hbm>> -> memref<100000x128xf32, #tpu.memory_space<hbm>>
      tpu.wait_indirect_dma semaphore(%arg54 : memref<!tpu.dma_semaphore, #tpu.memory_space<semaphore_mem>>) src(%dma_wait3A_417 : memref<100000x128xf32, #tpu.memory_space<hbm>>) dst(%arg31 : memref<16x128xf32, #tpu.memory_space<vmem>>)
      %dma_wait3A_418 = arith.constant 0 : i32
      %dma_wait3A_419 = arith.constant 0 : i32
      %dma_wait3A_420 = tpu.memref_slice %arg7[%dma_wait3A_418, %dma_wait3A_419] : memref<1000x256xf32, #tpu.memory_space<hbm>> -> memref<1000x256xf32, #tpu.memory_space<hbm>>
      tpu.wait_indirect_dma semaphore(%arg54 : memref<!tpu.dma_semaphore, #tpu.memory_space<semaphore_mem>>) src(%dma_wait3A_420 : memref<1000x256xf32, #tpu.memory_space<hbm>>) dst(%arg32 : memref<16x256xf32, #tpu.memory_space<vmem>>)
      %dma_wait3A_421 = arith.constant 0 : i32
      %dma_wait3A_422 = arith.constant 0 : i32
      %dma_wait3A_423 = tpu.memref_slice %arg8[%dma_wait3A_421, %dma_wait3A_422] : memref<100000x128xf32, #tpu.memory_space<hbm>> -> memref<100000x128xf32, #tpu.memory_space<hbm>>
      tpu.wait_indirect_dma semaphore(%arg54 : memref<!tpu.dma_semaphore, #tpu.memory_space<semaphore_mem>>) src(%dma_wait3A_423 : memref<100000x128xf32, #tpu.memory_space<hbm>>) dst(%arg33 : memref<16x128xf32, #tpu.memory_space<vmem>>)
      %dma_wait3A_424 = arith.constant 0 : i32
      %dma_wait3A_425 = arith.constant 0 : i32
      %dma_wait3A_426 = tpu.memref_slice %arg10[%dma_wait3A_424, %dma_wait3A_425] : memref<100000x128xf32, #tpu.memory_space<hbm>> -> memref<100000x128xf32, #tpu.memory_space<hbm>>
      tpu.wait_indirect_dma semaphore(%arg54 : memref<!tpu.dma_semaphore, #tpu.memory_space<semaphore_mem>>) src(%dma_wait3A_426 : memref<100000x128xf32, #tpu.memory_space<hbm>>) dst(%arg34 : memref<16x128xf32, #tpu.memory_space<vmem>>)
      %dma_wait3A_427 = arith.constant 0 : i32
      %dma_wait3A_428 = arith.constant 0 : i32
      %dma_wait3A_429 = tpu.memref_slice %arg12[%dma_wait3A_427, %dma_wait3A_428] : memref<100000x128xf32, #tpu.memory_space<hbm>> -> memref<100000x128xf32, #tpu.memory_space<hbm>>
      tpu.wait_indirect_dma semaphore(%arg54 : memref<!tpu.dma_semaphore, #tpu.memory_space<semaphore_mem>>) src(%dma_wait3A_429 : memref<100000x128xf32, #tpu.memory_space<hbm>>) dst(%arg35 : memref<16x128xf32, #tpu.memory_space<vmem>>)
      %dma_wait3A_430 = arith.constant 0 : i32
      %dma_wait3A_431 = arith.constant 0 : i32
      %dma_wait3A_432 = tpu.memref_slice %arg9[%dma_wait3A_430, %dma_wait3A_431] : memref<100000x128xf32, #tpu.memory_space<hbm>> -> memref<100000x128xf32, #tpu.memory_space<hbm>>
      tpu.wait_indirect_dma semaphore(%arg54 : memref<!tpu.dma_semaphore, #tpu.memory_space<semaphore_mem>>) src(%dma_wait3A_432 : memref<100000x128xf32, #tpu.memory_space<hbm>>) dst(%arg36 : memref<16x128xf32, #tpu.memory_space<vmem>>)
      %dma_wait3A_433 = arith.constant 0 : i32
      %dma_wait3A_434 = arith.constant 0 : i32
      %dma_wait3A_435 = tpu.memref_slice %arg11[%dma_wait3A_433, %dma_wait3A_434] : memref<100000x128xf32, #tpu.memory_space<hbm>> -> memref<100000x128xf32, #tpu.memory_space<hbm>>
      tpu.wait_indirect_dma semaphore(%arg54 : memref<!tpu.dma_semaphore, #tpu.memory_space<semaphore_mem>>) src(%dma_wait3A_435 : memref<100000x128xf32, #tpu.memory_space<hbm>>) dst(%arg37 : memref<16x128xf32, #tpu.memory_space<vmem>>)
      %dma_wait3A_436 = arith.constant 0 : i32
      %dma_wait3A_437 = arith.constant 0 : i32
      %dma_wait3A_438 = tpu.memref_slice %arg13[%dma_wait3A_436, %dma_wait3A_437] : memref<100000x128xf32, #tpu.memory_space<hbm>> -> memref<100000x128xf32, #tpu.memory_space<hbm>>
      tpu.wait_indirect_dma semaphore(%arg54 : memref<!tpu.dma_semaphore, #tpu.memory_space<semaphore_mem>>) src(%dma_wait3A_438 : memref<100000x128xf32, #tpu.memory_space<hbm>>) dst(%arg38 : memref<16x128xf32, #tpu.memory_space<vmem>>)
      %dma_wait3A_439 = arith.constant 0 : i32
      %dma_wait3A_440 = arith.constant 0 : i32
      %dma_wait3A_441 = tpu.memref_slice %arg8[%dma_wait3A_439, %dma_wait3A_440] : memref<100000x128xf32, #tpu.memory_space<hbm>> -> memref<100000x128xf32, #tpu.memory_space<hbm>>
      tpu.wait_indirect_dma semaphore(%arg54 : memref<!tpu.dma_semaphore, #tpu.memory_space<semaphore_mem>>) src(%dma_wait3A_441 : memref<100000x128xf32, #tpu.memory_space<hbm>>) dst(%arg39 : memref<16x128xf32, #tpu.memory_space<vmem>>)
      %dma_wait3A_442 = arith.constant 0 : i32
      %dma_wait3A_443 = arith.constant 0 : i32
      %dma_wait3A_444 = tpu.memref_slice %arg10[%dma_wait3A_442, %dma_wait3A_443] : memref<100000x128xf32, #tpu.memory_space<hbm>> -> memref<100000x128xf32, #tpu.memory_space<hbm>>
      tpu.wait_indirect_dma semaphore(%arg54 : memref<!tpu.dma_semaphore, #tpu.memory_space<semaphore_mem>>) src(%dma_wait3A_444 : memref<100000x128xf32, #tpu.memory_space<hbm>>) dst(%arg40 : memref<16x128xf32, #tpu.memory_space<vmem>>)
      %dma_wait3A_445 = arith.constant 0 : i32
      %dma_wait3A_446 = arith.constant 0 : i32
      %dma_wait3A_447 = tpu.memref_slice %arg12[%dma_wait3A_445, %dma_wait3A_446] : memref<100000x128xf32, #tpu.memory_space<hbm>> -> memref<100000x128xf32, #tpu.memory_space<hbm>>
      tpu.wait_indirect_dma semaphore(%arg54 : memref<!tpu.dma_semaphore, #tpu.memory_space<semaphore_mem>>) src(%dma_wait3A_447 : memref<100000x128xf32, #tpu.memory_space<hbm>>) dst(%arg41 : memref<16x128xf32, #tpu.memory_space<vmem>>)
      %dma_wait3A_448 = arith.constant 0 : i32
      %dma_wait3A_449 = arith.constant 0 : i32
      %dma_wait3A_450 = tpu.memref_slice %arg9[%dma_wait3A_448, %dma_wait3A_449] : memref<100000x128xf32, #tpu.memory_space<hbm>> -> memref<100000x128xf32, #tpu.memory_space<hbm>>
      tpu.wait_indirect_dma semaphore(%arg54 : memref<!tpu.dma_semaphore, #tpu.memory_space<semaphore_mem>>) src(%dma_wait3A_450 : memref<100000x128xf32, #tpu.memory_space<hbm>>) dst(%arg42 : memref<16x128xf32, #tpu.memory_space<vmem>>)
      %dma_wait3A_451 = arith.constant 0 : i32
      %dma_wait3A_452 = arith.constant 0 : i32
      %dma_wait3A_453 = tpu.memref_slice %arg11[%dma_wait3A_451, %dma_wait3A_452] : memref<100000x128xf32, #tpu.memory_space<hbm>> -> memref<100000x128xf32, #tpu.memory_space<hbm>>
      tpu.wait_indirect_dma semaphore(%arg54 : memref<!tpu.dma_semaphore, #tpu.memory_space<semaphore_mem>>) src(%dma_wait3A_453 : memref<100000x128xf32, #tpu.memory_space<hbm>>) dst(%arg43 : memref<16x128xf32, #tpu.memory_space<vmem>>)
      %dma_wait3A_454 = arith.constant 0 : i32
      %dma_wait3A_455 = arith.constant 0 : i32
      %dma_wait3A_456 = tpu.memref_slice %arg13[%dma_wait3A_454, %dma_wait3A_455] : memref<100000x128xf32, #tpu.memory_space<hbm>> -> memref<100000x128xf32, #tpu.memory_space<hbm>>
      tpu.wait_indirect_dma semaphore(%arg54 : memref<!tpu.dma_semaphore, #tpu.memory_space<semaphore_mem>>) src(%dma_wait3A_456 : memref<100000x128xf32, #tpu.memory_space<hbm>>) dst(%arg44 : memref<16x128xf32, #tpu.memory_space<vmem>>)
      %add3A_457 = arith.constant 32 : i32
      %add3A_458 = arith.addi %multiple_of3A, %add3A_457 : i32
      %add3A_459 = arith.addi %mul3A_2, %add3A_458 : i32
      %dma_start3A_460 = tpu.memref_slice %arg2[%add3A_459] : memref<16384xi32, #tpu.memory_space<hbm>> -> memref<16xi32, #tpu.memory_space<hbm>>
      %dma_start3A_461 = tpu.memref_slice %arg2[%add3A_459] : memref<16384xi32, #tpu.memory_space<hbm>> -> memref<16xi32, #tpu.memory_space<hbm>>
      tpu.enqueue_dma source(%dma_start3A_461 : memref<16xi32, #tpu.memory_space<hbm>>) target(%arg45 : memref<16xi32, #tpu.memory_space<vmem>>) target_semaphore(%arg55 : memref<!tpu.dma_semaphore, #tpu.memory_space<semaphore_mem>>)
      %dma_wait3A_462 = tpu.memref_slice %arg2[%add3A_459] : memref<16384xi32, #tpu.memory_space<hbm>> -> memref<16xi32, #tpu.memory_space<hbm>>
      %dma_wait3A_463 = tpu.memref_slice %arg2[%add3A_459] : memref<16384xi32, #tpu.memory_space<hbm>> -> memref<16xi32, #tpu.memory_space<hbm>>
      tpu.wait_dma2 semaphore(%arg55 : memref<!tpu.dma_semaphore, #tpu.memory_space<semaphore_mem>>) src(%dma_wait3A_463 : memref<16xi32, #tpu.memory_space<hbm>>) dst(%arg45 : memref<16xi32, #tpu.memory_space<vmem>>)
      %dma_start3A_464 = tpu.memref_slice %arg3[%add3A_459] : memref<16384xi32, #tpu.memory_space<hbm>> -> memref<16xi32, #tpu.memory_space<hbm>>
      %dma_start3A_465 = tpu.memref_slice %arg3[%add3A_459] : memref<16384xi32, #tpu.memory_space<hbm>> -> memref<16xi32, #tpu.memory_space<hbm>>
      tpu.enqueue_dma source(%dma_start3A_465 : memref<16xi32, #tpu.memory_space<hbm>>) target(%arg46 : memref<16xi32, #tpu.memory_space<vmem>>) target_semaphore(%arg55 : memref<!tpu.dma_semaphore, #tpu.memory_space<semaphore_mem>>)
      %dma_wait3A_466 = tpu.memref_slice %arg3[%add3A_459] : memref<16384xi32, #tpu.memory_space<hbm>> -> memref<16xi32, #tpu.memory_space<hbm>>
      %dma_wait3A_467 = tpu.memref_slice %arg3[%add3A_459] : memref<16384xi32, #tpu.memory_space<hbm>> -> memref<16xi32, #tpu.memory_space<hbm>>
      tpu.wait_dma2 semaphore(%arg55 : memref<!tpu.dma_semaphore, #tpu.memory_space<semaphore_mem>>) src(%dma_wait3A_467 : memref<16xi32, #tpu.memory_space<hbm>>) dst(%arg46 : memref<16xi32, #tpu.memory_space<vmem>>)
      %dma_start3A_468 = tpu.memref_slice %arg4[%add3A_459] : memref<16384xi32, #tpu.memory_space<hbm>> -> memref<16xi32, #tpu.memory_space<hbm>>
      %dma_start3A_469 = tpu.memref_slice %arg4[%add3A_459] : memref<16384xi32, #tpu.memory_space<hbm>> -> memref<16xi32, #tpu.memory_space<hbm>>
      tpu.enqueue_dma source(%dma_start3A_469 : memref<16xi32, #tpu.memory_space<hbm>>) target(%arg47 : memref<16xi32, #tpu.memory_space<vmem>>) target_semaphore(%arg55 : memref<!tpu.dma_semaphore, #tpu.memory_space<semaphore_mem>>)
      %dma_wait3A_470 = tpu.memref_slice %arg4[%add3A_459] : memref<16384xi32, #tpu.memory_space<hbm>> -> memref<16xi32, #tpu.memory_space<hbm>>
      %dma_wait3A_471 = tpu.memref_slice %arg4[%add3A_459] : memref<16384xi32, #tpu.memory_space<hbm>> -> memref<16xi32, #tpu.memory_space<hbm>>
      tpu.wait_dma2 semaphore(%arg55 : memref<!tpu.dma_semaphore, #tpu.memory_space<semaphore_mem>>) src(%dma_wait3A_471 : memref<16xi32, #tpu.memory_space<hbm>>) dst(%arg47 : memref<16xi32, #tpu.memory_space<vmem>>)
      %dma_start3A_472 = arith.constant 0 : i32
      %dma_start3A_473 = tpu.memref_slice %arg5[%add3A_459, %dma_start3A_472] : memref<16384x2xf32, #tpu.memory_space<hbm>> -> memref<16x2xf32, #tpu.memory_space<hbm>>
      %dma_start3A_474 = arith.constant 0 : i32
      %dma_start3A_475 = tpu.memref_slice %arg5[%add3A_459, %dma_start3A_474] : memref<16384x2xf32, #tpu.memory_space<hbm>> -> memref<16x2xf32, #tpu.memory_space<hbm>>
      tpu.enqueue_dma source(%dma_start3A_475 : memref<16x2xf32, #tpu.memory_space<hbm>>) target(%arg48 : memref<16x2xf32, #tpu.memory_space<vmem>>) target_semaphore(%arg55 : memref<!tpu.dma_semaphore, #tpu.memory_space<semaphore_mem>>)
      %dma_wait3A_476 = arith.constant 0 : i32
      %dma_wait3A_477 = tpu.memref_slice %arg5[%add3A_459, %dma_wait3A_476] : memref<16384x2xf32, #tpu.memory_space<hbm>> -> memref<16x2xf32, #tpu.memory_space<hbm>>
      %dma_wait3A_478 = arith.constant 0 : i32
      %dma_wait3A_479 = tpu.memref_slice %arg5[%add3A_459, %dma_wait3A_478] : memref<16384x2xf32, #tpu.memory_space<hbm>> -> memref<16x2xf32, #tpu.memory_space<hbm>>
      tpu.wait_dma2 semaphore(%arg55 : memref<!tpu.dma_semaphore, #tpu.memory_space<semaphore_mem>>) src(%dma_wait3A_479 : memref<16x2xf32, #tpu.memory_space<hbm>>) dst(%arg48 : memref<16x2xf32, #tpu.memory_space<vmem>>)
      %dma_start3A_480 = arith.constant 0 : i32
      %dma_start3A_481 = arith.constant 0 : i32
      %dma_start3A_482 = tpu.memref_slice %arg6[%dma_start3A_480, %dma_start3A_481] : memref<100000x128xf32, #tpu.memory_space<hbm>> -> memref<100000x128xf32, #tpu.memory_space<hbm>>
      tpu.enqueue_indirect_dma source(%dma_start3A_482 : memref<100000x128xf32, #tpu.memory_space<hbm>>) target(%arg15 : memref<16x128xf32, #tpu.memory_space<vmem>>) offsets(%arg45 : memref<16xi32, #tpu.memory_space<vmem>>) semaphore(%arg54 : memref<!tpu.dma_semaphore, #tpu.memory_space<semaphore_mem>>)
      %dma_start3A_483 = arith.constant 0 : i32
      %dma_start3A_484 = arith.constant 0 : i32
      %dma_start3A_485 = tpu.memref_slice %arg6[%dma_start3A_483, %dma_start3A_484] : memref<100000x128xf32, #tpu.memory_space<hbm>> -> memref<100000x128xf32, #tpu.memory_space<hbm>>
      tpu.enqueue_indirect_dma source(%dma_start3A_485 : memref<100000x128xf32, #tpu.memory_space<hbm>>) target(%arg16 : memref<16x128xf32, #tpu.memory_space<vmem>>) offsets(%arg46 : memref<16xi32, #tpu.memory_space<vmem>>) semaphore(%arg54 : memref<!tpu.dma_semaphore, #tpu.memory_space<semaphore_mem>>)
      %dma_start3A_486 = arith.constant 0 : i32
      %dma_start3A_487 = arith.constant 0 : i32
      %dma_start3A_488 = tpu.memref_slice %arg7[%dma_start3A_486, %dma_start3A_487] : memref<1000x256xf32, #tpu.memory_space<hbm>> -> memref<1000x256xf32, #tpu.memory_space<hbm>>
      tpu.enqueue_indirect_dma source(%dma_start3A_488 : memref<1000x256xf32, #tpu.memory_space<hbm>>) target(%arg17 : memref<16x256xf32, #tpu.memory_space<vmem>>) offsets(%arg47 : memref<16xi32, #tpu.memory_space<vmem>>) semaphore(%arg54 : memref<!tpu.dma_semaphore, #tpu.memory_space<semaphore_mem>>)
      %dma_start3A_489 = arith.constant 0 : i32
      %dma_start3A_490 = arith.constant 0 : i32
      %dma_start3A_491 = tpu.memref_slice %arg8[%dma_start3A_489, %dma_start3A_490] : memref<100000x128xf32, #tpu.memory_space<hbm>> -> memref<100000x128xf32, #tpu.memory_space<hbm>>
      tpu.enqueue_indirect_dma source(%dma_start3A_491 : memref<100000x128xf32, #tpu.memory_space<hbm>>) target(%arg18 : memref<16x128xf32, #tpu.memory_space<vmem>>) offsets(%arg45 : memref<16xi32, #tpu.memory_space<vmem>>) semaphore(%arg54 : memref<!tpu.dma_semaphore, #tpu.memory_space<semaphore_mem>>)
      %dma_start3A_492 = arith.constant 0 : i32
      %dma_start3A_493 = arith.constant 0 : i32
      %dma_start3A_494 = tpu.memref_slice %arg10[%dma_start3A_492, %dma_start3A_493] : memref<100000x128xf32, #tpu.memory_space<hbm>> -> memref<100000x128xf32, #tpu.memory_space<hbm>>
      tpu.enqueue_indirect_dma source(%dma_start3A_494 : memref<100000x128xf32, #tpu.memory_space<hbm>>) target(%arg19 : memref<16x128xf32, #tpu.memory_space<vmem>>) offsets(%arg45 : memref<16xi32, #tpu.memory_space<vmem>>) semaphore(%arg54 : memref<!tpu.dma_semaphore, #tpu.memory_space<semaphore_mem>>)
      %dma_start3A_495 = arith.constant 0 : i32
      %dma_start3A_496 = arith.constant 0 : i32
      %dma_start3A_497 = tpu.memref_slice %arg12[%dma_start3A_495, %dma_start3A_496] : memref<100000x128xf32, #tpu.memory_space<hbm>> -> memref<100000x128xf32, #tpu.memory_space<hbm>>
      tpu.enqueue_indirect_dma source(%dma_start3A_497 : memref<100000x128xf32, #tpu.memory_space<hbm>>) target(%arg20 : memref<16x128xf32, #tpu.memory_space<vmem>>) offsets(%arg45 : memref<16xi32, #tpu.memory_space<vmem>>) semaphore(%arg54 : memref<!tpu.dma_semaphore, #tpu.memory_space<semaphore_mem>>)
      %dma_start3A_498 = arith.constant 0 : i32
      %dma_start3A_499 = arith.constant 0 : i32
      %dma_start3A_500 = tpu.memref_slice %arg9[%dma_start3A_498, %dma_start3A_499] : memref<100000x128xf32, #tpu.memory_space<hbm>> -> memref<100000x128xf32, #tpu.memory_space<hbm>>
      tpu.enqueue_indirect_dma source(%dma_start3A_500 : memref<100000x128xf32, #tpu.memory_space<hbm>>) target(%arg21 : memref<16x128xf32, #tpu.memory_space<vmem>>) offsets(%arg45 : memref<16xi32, #tpu.memory_space<vmem>>) semaphore(%arg54 : memref<!tpu.dma_semaphore, #tpu.memory_space<semaphore_mem>>)
      %dma_start3A_501 = arith.constant 0 : i32
      %dma_start3A_502 = arith.constant 0 : i32
      %dma_start3A_503 = tpu.memref_slice %arg11[%dma_start3A_501, %dma_start3A_502] : memref<100000x128xf32, #tpu.memory_space<hbm>> -> memref<100000x128xf32, #tpu.memory_space<hbm>>
      tpu.enqueue_indirect_dma source(%dma_start3A_503 : memref<100000x128xf32, #tpu.memory_space<hbm>>) target(%arg22 : memref<16x128xf32, #tpu.memory_space<vmem>>) offsets(%arg45 : memref<16xi32, #tpu.memory_space<vmem>>) semaphore(%arg54 : memref<!tpu.dma_semaphore, #tpu.memory_space<semaphore_mem>>)
      %dma_start3A_504 = arith.constant 0 : i32
      %dma_start3A_505 = arith.constant 0 : i32
      %dma_start3A_506 = tpu.memref_slice %arg13[%dma_start3A_504, %dma_start3A_505] : memref<100000x128xf32, #tpu.memory_space<hbm>> -> memref<100000x128xf32, #tpu.memory_space<hbm>>
      tpu.enqueue_indirect_dma source(%dma_start3A_506 : memref<100000x128xf32, #tpu.memory_space<hbm>>) target(%arg23 : memref<16x128xf32, #tpu.memory_space<vmem>>) offsets(%arg45 : memref<16xi32, #tpu.memory_space<vmem>>) semaphore(%arg54 : memref<!tpu.dma_semaphore, #tpu.memory_space<semaphore_mem>>)
      %dma_start3A_507 = arith.constant 0 : i32
      %dma_start3A_508 = arith.constant 0 : i32
      %dma_start3A_509 = tpu.memref_slice %arg8[%dma_start3A_507, %dma_start3A_508] : memref<100000x128xf32, #tpu.memory_space<hbm>> -> memref<100000x128xf32, #tpu.memory_space<hbm>>
      tpu.enqueue_indirect_dma source(%dma_start3A_509 : memref<100000x128xf32, #tpu.memory_space<hbm>>) target(%arg24 : memref<16x128xf32, #tpu.memory_space<vmem>>) offsets(%arg46 : memref<16xi32, #tpu.memory_space<vmem>>) semaphore(%arg54 : memref<!tpu.dma_semaphore, #tpu.memory_space<semaphore_mem>>)
      %dma_start3A_510 = arith.constant 0 : i32
      %dma_start3A_511 = arith.constant 0 : i32
      %dma_start3A_512 = tpu.memref_slice %arg10[%dma_start3A_510, %dma_start3A_511] : memref<100000x128xf32, #tpu.memory_space<hbm>> -> memref<100000x128xf32, #tpu.memory_space<hbm>>
      tpu.enqueue_indirect_dma source(%dma_start3A_512 : memref<100000x128xf32, #tpu.memory_space<hbm>>) target(%arg25 : memref<16x128xf32, #tpu.memory_space<vmem>>) offsets(%arg46 : memref<16xi32, #tpu.memory_space<vmem>>) semaphore(%arg54 : memref<!tpu.dma_semaphore, #tpu.memory_space<semaphore_mem>>)
      %dma_start3A_513 = arith.constant 0 : i32
      %dma_start3A_514 = arith.constant 0 : i32
      %dma_start3A_515 = tpu.memref_slice %arg12[%dma_start3A_513, %dma_start3A_514] : memref<100000x128xf32, #tpu.memory_space<hbm>> -> memref<100000x128xf32, #tpu.memory_space<hbm>>
      tpu.enqueue_indirect_dma source(%dma_start3A_515 : memref<100000x128xf32, #tpu.memory_space<hbm>>) target(%arg26 : memref<16x128xf32, #tpu.memory_space<vmem>>) offsets(%arg46 : memref<16xi32, #tpu.memory_space<vmem>>) semaphore(%arg54 : memref<!tpu.dma_semaphore, #tpu.memory_space<semaphore_mem>>)
      %dma_start3A_516 = arith.constant 0 : i32
      %dma_start3A_517 = arith.constant 0 : i32
      %dma_start3A_518 = tpu.memref_slice %arg9[%dma_start3A_516, %dma_start3A_517] : memref<100000x128xf32, #tpu.memory_space<hbm>> -> memref<100000x128xf32, #tpu.memory_space<hbm>>
      tpu.enqueue_indirect_dma source(%dma_start3A_518 : memref<100000x128xf32, #tpu.memory_space<hbm>>) target(%arg27 : memref<16x128xf32, #tpu.memory_space<vmem>>) offsets(%arg46 : memref<16xi32, #tpu.memory_space<vmem>>) semaphore(%arg54 : memref<!tpu.dma_semaphore, #tpu.memory_space<semaphore_mem>>)
      %dma_start3A_519 = arith.constant 0 : i32
      %dma_start3A_520 = arith.constant 0 : i32
      %dma_start3A_521 = tpu.memref_slice %arg11[%dma_start3A_519, %dma_start3A_520] : memref<100000x128xf32, #tpu.memory_space<hbm>> -> memref<100000x128xf32, #tpu.memory_space<hbm>>
      tpu.enqueue_indirect_dma source(%dma_start3A_521 : memref<100000x128xf32, #tpu.memory_space<hbm>>) target(%arg28 : memref<16x128xf32, #tpu.memory_space<vmem>>) offsets(%arg46 : memref<16xi32, #tpu.memory_space<vmem>>) semaphore(%arg54 : memref<!tpu.dma_semaphore, #tpu.memory_space<semaphore_mem>>)
      %dma_start3A_522 = arith.constant 0 : i32
      %dma_start3A_523 = arith.constant 0 : i32
      %dma_start3A_524 = tpu.memref_slice %arg13[%dma_start3A_522, %dma_start3A_523] : memref<100000x128xf32, #tpu.memory_space<hbm>> -> memref<100000x128xf32, #tpu.memory_space<hbm>>
      tpu.enqueue_indirect_dma source(%dma_start3A_524 : memref<100000x128xf32, #tpu.memory_space<hbm>>) target(%arg29 : memref<16x128xf32, #tpu.memory_space<vmem>>) offsets(%arg46 : memref<16xi32, #tpu.memory_space<vmem>>) semaphore(%arg54 : memref<!tpu.dma_semaphore, #tpu.memory_space<semaphore_mem>>)
      %add3A_525 = arith.constant 16 : i32
      %add3A_526 = arith.addi %multiple_of3A, %add3A_525 : i32
      %broadcast_in_dim3A_527 = arith.constant 0 : i32
      %broadcast_in_dim3A_528 = vector.broadcast %broadcast_in_dim3A_527 : i32 to vector<16xi32>
      %gather3A_529 = tpu.vector_load_idx %arg52[%iota3A, %broadcast_in_dim3A_528] : memref<16x2xf32, #tpu.memory_space<vmem>>[vector<16xi32>, vector<16xi32>], vector<16xf32>,
      %broadcast_in_dim3A_530 = arith.constant 1 : i32
      %broadcast_in_dim3A_531 = vector.broadcast %broadcast_in_dim3A_530 : i32 to vector<16xi32>
      %gather3A_532 = tpu.vector_load_idx %arg52[%iota3A, %broadcast_in_dim3A_531] : memref<16x2xf32, #tpu.memory_space<vmem>>[vector<16xi32>, vector<16xi32>], vector<16xf32>,
      %broadcast_in_dim3A_533 = arith.constant 0.000000e+00 : f32
      %broadcast_in_dim3A_534 = vector.broadcast %broadcast_in_dim3A_533 : f32 to vector<16xf32>
      %parallel_loop3A_535 = arith.constant 0 : i32
      %parallel_loop3A_536 = arith.constant 128 : i32
      %parallel_loop3A_537 = arith.constant 1 : i32
      %parallel_loop3A_538 = scf.for %parallel_loop3A_549 = %parallel_loop3A_535 to %parallel_loop3A_536 step %parallel_loop3A_537 iter_args(%parallel_loop3A_550 = %broadcast_in_dim3A_534) -> (vector<16xf32>)  : i32 {
        %parallel_loop3A_551 = vector.broadcast %parallel_loop3A_549 : i32 to vector<16xi32>
        %parallel_loop3A_552 = tpu.vector_load_idx %arg30[%iota3A, %parallel_loop3A_551] : memref<16x128xf32, #tpu.memory_space<vmem>>[vector<16xi32>, vector<16xi32>], vector<16xf32>,
        %parallel_loop3A_553 = tpu.vector_load_idx %arg31[%iota3A, %parallel_loop3A_551] : memref<16x128xf32, #tpu.memory_space<vmem>>[vector<16xi32>, vector<16xi32>], vector<16xf32>,
        %parallel_loop3A_554 = tpu.vector_load_idx %arg32[%iota3A, %parallel_loop3A_551] : memref<16x256xf32, #tpu.memory_space<vmem>>[vector<16xi32>, vector<16xi32>], vector<16xf32>,
        %parallel_loop3A_555 = arith.constant 128 : i32
        %parallel_loop3A_556 = vector.broadcast %parallel_loop3A_555 : i32 to vector<16xi32>
        %parallel_loop3A_557 = arith.addi %parallel_loop3A_551, %parallel_loop3A_556 : vector<16xi32>
        %parallel_loop3A_558 = tpu.vector_load_idx %arg32[%iota3A, %parallel_loop3A_557] : memref<16x256xf32, #tpu.memory_space<vmem>>[vector<16xi32>, vector<16xi32>], vector<16xf32>,
        %parallel_loop3A_559 = tpu.vector_load_idx %arg35[%iota3A, %parallel_loop3A_551] : memref<16x128xf32, #tpu.memory_space<vmem>>[vector<16xi32>, vector<16xi32>], vector<16xf32>,
        %parallel_loop3A_560 = tpu.vector_load_idx %arg33[%iota3A, %parallel_loop3A_551] : memref<16x128xf32, #tpu.memory_space<vmem>>[vector<16xi32>, vector<16xi32>], vector<16xf32>,
        %parallel_loop3A_561 = arith.mulf %parallel_loop3A_560, %gather3A_529 : vector<16xf32>
        %parallel_loop3A_562 = tpu.vector_load_idx %arg34[%iota3A, %parallel_loop3A_551] : memref<16x128xf32, #tpu.memory_space<vmem>>[vector<16xi32>, vector<16xi32>], vector<16xf32>,
        %parallel_loop3A_563 = arith.addf %parallel_loop3A_561, %parallel_loop3A_562 : vector<16xf32>
        %parallel_loop3A_564 = arith.mulf %parallel_loop3A_563, %parallel_loop3A_563 : vector<16xf32>
        %parallel_loop3A_565 = arith.constant 2.75573188E-6 : f32
        %parallel_loop3A_566 = vector.broadcast %parallel_loop3A_565 : f32 to vector<16xf32>
        %parallel_loop3A_567 = arith.mulf %parallel_loop3A_564, %parallel_loop3A_566 : vector<16xf32>
        %parallel_loop3A_568 = arith.constant 1.98412701E-4 : f32
        %parallel_loop3A_569 = vector.broadcast %parallel_loop3A_568 : f32 to vector<16xf32>
        %parallel_loop3A_570 = arith.subf %parallel_loop3A_567, %parallel_loop3A_569 : vector<16xf32>
        %parallel_loop3A_571 = arith.mulf %parallel_loop3A_564, %parallel_loop3A_570 : vector<16xf32>
        %parallel_loop3A_572 = arith.constant 0.00833333377 : f32
        %parallel_loop3A_573 = vector.broadcast %parallel_loop3A_572 : f32 to vector<16xf32>
        %parallel_loop3A_574 = arith.addf %parallel_loop3A_571, %parallel_loop3A_573 : vector<16xf32>
        %parallel_loop3A_575 = arith.mulf %parallel_loop3A_564, %parallel_loop3A_574 : vector<16xf32>
        %parallel_loop3A_576 = arith.constant 0.166666672 : f32
        %parallel_loop3A_577 = vector.broadcast %parallel_loop3A_576 : f32 to vector<16xf32>
        %parallel_loop3A_578 = arith.subf %parallel_loop3A_575, %parallel_loop3A_577 : vector<16xf32>
        %parallel_loop3A_579 = arith.mulf %parallel_loop3A_564, %parallel_loop3A_578 : vector<16xf32>
        %parallel_loop3A_580 = arith.mulf %parallel_loop3A_563, %parallel_loop3A_579 : vector<16xf32>
        %parallel_loop3A_581 = arith.addf %parallel_loop3A_563, %parallel_loop3A_580 : vector<16xf32>
        %parallel_loop3A_582 = arith.mulf %parallel_loop3A_559, %parallel_loop3A_581 : vector<16xf32>
        %parallel_loop3A_583 = tpu.vector_load_idx %arg38[%iota3A, %parallel_loop3A_551] : memref<16x128xf32, #tpu.memory_space<vmem>>[vector<16xi32>, vector<16xi32>], vector<16xf32>,
        %parallel_loop3A_584 = tpu.vector_load_idx %arg36[%iota3A, %parallel_loop3A_551] : memref<16x128xf32, #tpu.memory_space<vmem>>[vector<16xi32>, vector<16xi32>], vector<16xf32>,
        %parallel_loop3A_585 = arith.mulf %parallel_loop3A_584, %gather3A_532 : vector<16xf32>
        %parallel_loop3A_586 = tpu.vector_load_idx %arg37[%iota3A, %parallel_loop3A_551] : memref<16x128xf32, #tpu.memory_space<vmem>>[vector<16xi32>, vector<16xi32>], vector<16xf32>,
        %parallel_loop3A_587 = arith.addf %parallel_loop3A_585, %parallel_loop3A_586 : vector<16xf32>
        %parallel_loop3A_588 = arith.mulf %parallel_loop3A_587, %parallel_loop3A_587 : vector<16xf32>
        %parallel_loop3A_589 = arith.constant 2.75573188E-6 : f32
        %parallel_loop3A_590 = vector.broadcast %parallel_loop3A_589 : f32 to vector<16xf32>
        %parallel_loop3A_591 = arith.mulf %parallel_loop3A_588, %parallel_loop3A_590 : vector<16xf32>
        %parallel_loop3A_592 = arith.constant 1.98412701E-4 : f32
        %parallel_loop3A_593 = vector.broadcast %parallel_loop3A_592 : f32 to vector<16xf32>
        %parallel_loop3A_594 = arith.subf %parallel_loop3A_591, %parallel_loop3A_593 : vector<16xf32>
        %parallel_loop3A_595 = arith.mulf %parallel_loop3A_588, %parallel_loop3A_594 : vector<16xf32>
        %parallel_loop3A_596 = arith.constant 0.00833333377 : f32
        %parallel_loop3A_597 = vector.broadcast %parallel_loop3A_596 : f32 to vector<16xf32>
        %parallel_loop3A_598 = arith.addf %parallel_loop3A_595, %parallel_loop3A_597 : vector<16xf32>
        %parallel_loop3A_599 = arith.mulf %parallel_loop3A_588, %parallel_loop3A_598 : vector<16xf32>
        %parallel_loop3A_600 = arith.constant 0.166666672 : f32
        %parallel_loop3A_601 = vector.broadcast %parallel_loop3A_600 : f32 to vector<16xf32>
        %parallel_loop3A_602 = arith.subf %parallel_loop3A_599, %parallel_loop3A_601 : vector<16xf32>
        %parallel_loop3A_603 = arith.mulf %parallel_loop3A_588, %parallel_loop3A_602 : vector<16xf32>
        %parallel_loop3A_604 = arith.mulf %parallel_loop3A_587, %parallel_loop3A_603 : vector<16xf32>
        %parallel_loop3A_605 = arith.addf %parallel_loop3A_587, %parallel_loop3A_604 : vector<16xf32>
        %parallel_loop3A_606 = arith.mulf %parallel_loop3A_583, %parallel_loop3A_605 : vector<16xf32>
        %parallel_loop3A_607 = arith.addf %parallel_loop3A_582, %parallel_loop3A_606 : vector<16xf32>
        %parallel_loop3A_608 = tpu.vector_load_idx %arg41[%iota3A, %parallel_loop3A_551] : memref<16x128xf32, #tpu.memory_space<vmem>>[vector<16xi32>, vector<16xi32>], vector<16xf32>,
        %parallel_loop3A_609 = tpu.vector_load_idx %arg39[%iota3A, %parallel_loop3A_551] : memref<16x128xf32, #tpu.memory_space<vmem>>[vector<16xi32>, vector<16xi32>], vector<16xf32>,
        %parallel_loop3A_610 = arith.mulf %parallel_loop3A_609, %gather3A_529 : vector<16xf32>
        %parallel_loop3A_611 = tpu.vector_load_idx %arg40[%iota3A, %parallel_loop3A_551] : memref<16x128xf32, #tpu.memory_space<vmem>>[vector<16xi32>, vector<16xi32>], vector<16xf32>,
        %parallel_loop3A_612 = arith.addf %parallel_loop3A_610, %parallel_loop3A_611 : vector<16xf32>
        %parallel_loop3A_613 = arith.mulf %parallel_loop3A_612, %parallel_loop3A_612 : vector<16xf32>
        %parallel_loop3A_614 = arith.constant 2.75573188E-6 : f32
        %parallel_loop3A_615 = vector.broadcast %parallel_loop3A_614 : f32 to vector<16xf32>
        %parallel_loop3A_616 = arith.mulf %parallel_loop3A_613, %parallel_loop3A_615 : vector<16xf32>
        %parallel_loop3A_617 = arith.constant 1.98412701E-4 : f32
        %parallel_loop3A_618 = vector.broadcast %parallel_loop3A_617 : f32 to vector<16xf32>
        %parallel_loop3A_619 = arith.subf %parallel_loop3A_616, %parallel_loop3A_618 : vector<16xf32>
        %parallel_loop3A_620 = arith.mulf %parallel_loop3A_613, %parallel_loop3A_619 : vector<16xf32>
        %parallel_loop3A_621 = arith.constant 0.00833333377 : f32
        %parallel_loop3A_622 = vector.broadcast %parallel_loop3A_621 : f32 to vector<16xf32>
        %parallel_loop3A_623 = arith.addf %parallel_loop3A_620, %parallel_loop3A_622 : vector<16xf32>
        %parallel_loop3A_624 = arith.mulf %parallel_loop3A_613, %parallel_loop3A_623 : vector<16xf32>
        %parallel_loop3A_625 = arith.constant 0.166666672 : f32
        %parallel_loop3A_626 = vector.broadcast %parallel_loop3A_625 : f32 to vector<16xf32>
        %parallel_loop3A_627 = arith.subf %parallel_loop3A_624, %parallel_loop3A_626 : vector<16xf32>
        %parallel_loop3A_628 = arith.mulf %parallel_loop3A_613, %parallel_loop3A_627 : vector<16xf32>
        %parallel_loop3A_629 = arith.mulf %parallel_loop3A_612, %parallel_loop3A_628 : vector<16xf32>
        %parallel_loop3A_630 = arith.addf %parallel_loop3A_612, %parallel_loop3A_629 : vector<16xf32>
        %parallel_loop3A_631 = arith.mulf %parallel_loop3A_608, %parallel_loop3A_630 : vector<16xf32>
        %parallel_loop3A_632 = tpu.vector_load_idx %arg44[%iota3A, %parallel_loop3A_551] : memref<16x128xf32, #tpu.memory_space<vmem>>[vector<16xi32>, vector<16xi32>], vector<16xf32>,
        %parallel_loop3A_633 = tpu.vector_load_idx %arg42[%iota3A, %parallel_loop3A_551] : memref<16x128xf32, #tpu.memory_space<vmem>>[vector<16xi32>, vector<16xi32>], vector<16xf32>,
        %parallel_loop3A_634 = arith.mulf %parallel_loop3A_633, %gather3A_532 : vector<16xf32>
        %parallel_loop3A_635 = tpu.vector_load_idx %arg43[%iota3A, %parallel_loop3A_551] : memref<16x128xf32, #tpu.memory_space<vmem>>[vector<16xi32>, vector<16xi32>], vector<16xf32>,
        %parallel_loop3A_636 = arith.addf %parallel_loop3A_634, %parallel_loop3A_635 : vector<16xf32>
        %parallel_loop3A_637 = arith.mulf %parallel_loop3A_636, %parallel_loop3A_636 : vector<16xf32>
        %parallel_loop3A_638 = arith.constant 2.75573188E-6 : f32
        %parallel_loop3A_639 = vector.broadcast %parallel_loop3A_638 : f32 to vector<16xf32>
        %parallel_loop3A_640 = arith.mulf %parallel_loop3A_637, %parallel_loop3A_639 : vector<16xf32>
        %parallel_loop3A_641 = arith.constant 1.98412701E-4 : f32
        %parallel_loop3A_642 = vector.broadcast %parallel_loop3A_641 : f32 to vector<16xf32>
        %parallel_loop3A_643 = arith.subf %parallel_loop3A_640, %parallel_loop3A_642 : vector<16xf32>
        %parallel_loop3A_644 = arith.mulf %parallel_loop3A_637, %parallel_loop3A_643 : vector<16xf32>
        %parallel_loop3A_645 = arith.constant 0.00833333377 : f32
        %parallel_loop3A_646 = vector.broadcast %parallel_loop3A_645 : f32 to vector<16xf32>
        %parallel_loop3A_647 = arith.addf %parallel_loop3A_644, %parallel_loop3A_646 : vector<16xf32>
        %parallel_loop3A_648 = arith.mulf %parallel_loop3A_637, %parallel_loop3A_647 : vector<16xf32>
        %parallel_loop3A_649 = arith.constant 0.166666672 : f32
        %parallel_loop3A_650 = vector.broadcast %parallel_loop3A_649 : f32 to vector<16xf32>
        %parallel_loop3A_651 = arith.subf %parallel_loop3A_648, %parallel_loop3A_650 : vector<16xf32>
        %parallel_loop3A_652 = arith.mulf %parallel_loop3A_637, %parallel_loop3A_651 : vector<16xf32>
        %parallel_loop3A_653 = arith.mulf %parallel_loop3A_636, %parallel_loop3A_652 : vector<16xf32>
        %parallel_loop3A_654 = arith.addf %parallel_loop3A_636, %parallel_loop3A_653 : vector<16xf32>
        %parallel_loop3A_655 = arith.mulf %parallel_loop3A_632, %parallel_loop3A_654 : vector<16xf32>
        %parallel_loop3A_656 = arith.addf %parallel_loop3A_631, %parallel_loop3A_655 : vector<16xf32>
        %parallel_loop3A_657 = arith.addf %parallel_loop3A_552, %parallel_loop3A_554 : vector<16xf32>
        %parallel_loop3A_658 = arith.subf %parallel_loop3A_657, %parallel_loop3A_553 : vector<16xf32>
        %parallel_loop3A_659 = math.absf %parallel_loop3A_658 : vector<16xf32>
        %parallel_loop3A_660 = arith.addf %parallel_loop3A_550, %parallel_loop3A_659 : vector<16xf32>
        %parallel_loop3A_661 = arith.addf %parallel_loop3A_607, %parallel_loop3A_558 : vector<16xf32>
        %parallel_loop3A_662 = arith.subf %parallel_loop3A_661, %parallel_loop3A_656 : vector<16xf32>
        %parallel_loop3A_663 = math.absf %parallel_loop3A_662 : vector<16xf32>
        %parallel_loop3A_664 = arith.addf %parallel_loop3A_660, %parallel_loop3A_663 : vector<16xf32>
        scf.yield %parallel_loop3A_664 : vector<16xf32>
      } {sc.loop_unroll_factor = 2 : i64, sc.parallel_access}
      %neg3A_539 = arith.constant 0.000000e+00 : f32
      %neg3A_540 = vector.broadcast %neg3A_539 : f32 to vector<16xf32>
      %neg3A_541 = arith.subf %neg3A_540, %parallel_loop3A_538 : vector<16xf32>
      %swap3A_542 = arith.constant 0 : index
      %swap3A_543 = tpu.vector_load %arg53[%swap3A_542] {strides = array<i32>} : memref<16xf32, #tpu.memory_space<vmem>>, vector<16xf32>,
      tpu.vector_store %arg53[%swap3A_542], %neg3A_541 {strides = array<i32>} : memref<16xf32, #tpu.memory_space<vmem>>, vector<16xf32>,
      %add3A_544 = arith.addi %mul3A_2, %add3A_526 : i32
      %dma_start3A_545 = tpu.memref_slice %arg14[%add3A_544] : memref<16384xf32, #tpu.memory_space<hbm>> -> memref<16xf32, #tpu.memory_space<hbm>>
      %dma_start3A_546 = tpu.memref_slice %arg14[%add3A_544] : memref<16384xf32, #tpu.memory_space<hbm>> -> memref<16xf32, #tpu.memory_space<hbm>>
      tpu.enqueue_dma source(%arg53 : memref<16xf32, #tpu.memory_space<vmem>>) target(%dma_start3A_546 : memref<16xf32, #tpu.memory_space<hbm>>) target_semaphore(%arg55 : memref<!tpu.dma_semaphore, #tpu.memory_space<semaphore_mem>>)
      %dma_wait3A_547 = tpu.memref_slice %arg14[%add3A_544] : memref<16384xf32, #tpu.memory_space<hbm>> -> memref<16xf32, #tpu.memory_space<hbm>>
      %dma_wait3A_548 = tpu.memref_slice %arg14[%add3A_544] : memref<16384xf32, #tpu.memory_space<hbm>> -> memref<16xf32, #tpu.memory_space<hbm>>
      tpu.wait_dma2 semaphore(%arg55 : memref<!tpu.dma_semaphore, #tpu.memory_space<semaphore_mem>>) src(%arg53 : memref<16xf32, #tpu.memory_space<vmem>>) dst(%dma_wait3A_548 : memref<16xf32, #tpu.memory_space<hbm>>)
    }
    %scan3A_71 = arith.constant 15 : i32
    %dma_wait3A_72 = arith.constant 0 : i32
    %dma_wait3A_73 = arith.constant 0 : i32
    %dma_wait3A_74 = tpu.memref_slice %arg6[%dma_wait3A_72, %dma_wait3A_73] : memref<100000x128xf32, #tpu.memory_space<hbm>> -> memref<100000x128xf32, #tpu.memory_space<hbm>>
    tpu.wait_indirect_dma semaphore(%arg54 : memref<!tpu.dma_semaphore, #tpu.memory_space<semaphore_mem>>) src(%dma_wait3A_74 : memref<100000x128xf32, #tpu.memory_space<hbm>>) dst(%arg15 : memref<16x128xf32, #tpu.memory_space<vmem>>)
    %dma_wait3A_75 = arith.constant 0 : i32
    %dma_wait3A_76 = arith.constant 0 : i32
    %dma_wait3A_77 = tpu.memref_slice %arg6[%dma_wait3A_75, %dma_wait3A_76] : memref<100000x128xf32, #tpu.memory_space<hbm>> -> memref<100000x128xf32, #tpu.memory_space<hbm>>
    tpu.wait_indirect_dma semaphore(%arg54 : memref<!tpu.dma_semaphore, #tpu.memory_space<semaphore_mem>>) src(%dma_wait3A_77 : memref<100000x128xf32, #tpu.memory_space<hbm>>) dst(%arg16 : memref<16x128xf32, #tpu.memory_space<vmem>>)
    %dma_wait3A_78 = arith.constant 0 : i32
    %dma_wait3A_79 = arith.constant 0 : i32
    %dma_wait3A_80 = tpu.memref_slice %arg7[%dma_wait3A_78, %dma_wait3A_79] : memref<1000x256xf32, #tpu.memory_space<hbm>> -> memref<1000x256xf32, #tpu.memory_space<hbm>>
    tpu.wait_indirect_dma semaphore(%arg54 : memref<!tpu.dma_semaphore, #tpu.memory_space<semaphore_mem>>) src(%dma_wait3A_80 : memref<1000x256xf32, #tpu.memory_space<hbm>>) dst(%arg17 : memref<16x256xf32, #tpu.memory_space<vmem>>)
    %dma_wait3A_81 = arith.constant 0 : i32
    %dma_wait3A_82 = arith.constant 0 : i32
    %dma_wait3A_83 = tpu.memref_slice %arg8[%dma_wait3A_81, %dma_wait3A_82] : memref<100000x128xf32, #tpu.memory_space<hbm>> -> memref<100000x128xf32, #tpu.memory_space<hbm>>
    tpu.wait_indirect_dma semaphore(%arg54 : memref<!tpu.dma_semaphore, #tpu.memory_space<semaphore_mem>>) src(%dma_wait3A_83 : memref<100000x128xf32, #tpu.memory_space<hbm>>) dst(%arg18 : memref<16x128xf32, #tpu.memory_space<vmem>>)
    %dma_wait3A_84 = arith.constant 0 : i32
    %dma_wait3A_85 = arith.constant 0 : i32
    %dma_wait3A_86 = tpu.memref_slice %arg10[%dma_wait3A_84, %dma_wait3A_85] : memref<100000x128xf32, #tpu.memory_space<hbm>> -> memref<100000x128xf32, #tpu.memory_space<hbm>>
    tpu.wait_indirect_dma semaphore(%arg54 : memref<!tpu.dma_semaphore, #tpu.memory_space<semaphore_mem>>) src(%dma_wait3A_86 : memref<100000x128xf32, #tpu.memory_space<hbm>>) dst(%arg19 : memref<16x128xf32, #tpu.memory_space<vmem>>)
    %dma_wait3A_87 = arith.constant 0 : i32
    %dma_wait3A_88 = arith.constant 0 : i32
    %dma_wait3A_89 = tpu.memref_slice %arg12[%dma_wait3A_87, %dma_wait3A_88] : memref<100000x128xf32, #tpu.memory_space<hbm>> -> memref<100000x128xf32, #tpu.memory_space<hbm>>
    tpu.wait_indirect_dma semaphore(%arg54 : memref<!tpu.dma_semaphore, #tpu.memory_space<semaphore_mem>>) src(%dma_wait3A_89 : memref<100000x128xf32, #tpu.memory_space<hbm>>) dst(%arg20 : memref<16x128xf32, #tpu.memory_space<vmem>>)
    %dma_wait3A_90 = arith.constant 0 : i32
    %dma_wait3A_91 = arith.constant 0 : i32
    %dma_wait3A_92 = tpu.memref_slice %arg9[%dma_wait3A_90, %dma_wait3A_91] : memref<100000x128xf32, #tpu.memory_space<hbm>> -> memref<100000x128xf32, #tpu.memory_space<hbm>>
    tpu.wait_indirect_dma semaphore(%arg54 : memref<!tpu.dma_semaphore, #tpu.memory_space<semaphore_mem>>) src(%dma_wait3A_92 : memref<100000x128xf32, #tpu.memory_space<hbm>>) dst(%arg21 : memref<16x128xf32, #tpu.memory_space<vmem>>)
    %dma_wait3A_93 = arith.constant 0 : i32
    %dma_wait3A_94 = arith.constant 0 : i32
    %dma_wait3A_95 = tpu.memref_slice %arg11[%dma_wait3A_93, %dma_wait3A_94] : memref<100000x128xf32, #tpu.memory_space<hbm>> -> memref<100000x128xf32, #tpu.memory_space<hbm>>
    tpu.wait_indirect_dma semaphore(%arg54 : memref<!tpu.dma_semaphore, #tpu.memory_space<semaphore_mem>>) src(%dma_wait3A_95 : memref<100000x128xf32, #tpu.memory_space<hbm>>) dst(%arg22 : memref<16x128xf32, #tpu.memory_space<vmem>>)
    %dma_wait3A_96 = arith.constant 0 : i32
    %dma_wait3A_97 = arith.constant 0 : i32
    %dma_wait3A_98 = tpu.memref_slice %arg13[%dma_wait3A_96, %dma_wait3A_97] : memref<100000x128xf32, #tpu.memory_space<hbm>> -> memref<100000x128xf32, #tpu.memory_space<hbm>>
    tpu.wait_indirect_dma semaphore(%arg54 : memref<!tpu.dma_semaphore, #tpu.memory_space<semaphore_mem>>) src(%dma_wait3A_98 : memref<100000x128xf32, #tpu.memory_space<hbm>>) dst(%arg23 : memref<16x128xf32, #tpu.memory_space<vmem>>)
    %dma_wait3A_99 = arith.constant 0 : i32
    %dma_wait3A_100 = arith.constant 0 : i32
    %dma_wait3A_101 = tpu.memref_slice %arg8[%dma_wait3A_99, %dma_wait3A_100] : memref<100000x128xf32, #tpu.memory_space<hbm>> -> memref<100000x128xf32, #tpu.memory_space<hbm>>
    tpu.wait_indirect_dma semaphore(%arg54 : memref<!tpu.dma_semaphore, #tpu.memory_space<semaphore_mem>>) src(%dma_wait3A_101 : memref<100000x128xf32, #tpu.memory_space<hbm>>) dst(%arg24 : memref<16x128xf32, #tpu.memory_space<vmem>>)
    %dma_wait3A_102 = arith.constant 0 : i32
    %dma_wait3A_103 = arith.constant 0 : i32
    %dma_wait3A_104 = tpu.memref_slice %arg10[%dma_wait3A_102, %dma_wait3A_103] : memref<100000x128xf32, #tpu.memory_space<hbm>> -> memref<100000x128xf32, #tpu.memory_space<hbm>>
    tpu.wait_indirect_dma semaphore(%arg54 : memref<!tpu.dma_semaphore, #tpu.memory_space<semaphore_mem>>) src(%dma_wait3A_104 : memref<100000x128xf32, #tpu.memory_space<hbm>>) dst(%arg25 : memref<16x128xf32, #tpu.memory_space<vmem>>)
    %dma_wait3A_105 = arith.constant 0 : i32
    %dma_wait3A_106 = arith.constant 0 : i32
    %dma_wait3A_107 = tpu.memref_slice %arg12[%dma_wait3A_105, %dma_wait3A_106] : memref<100000x128xf32, #tpu.memory_space<hbm>> -> memref<100000x128xf32, #tpu.memory_space<hbm>>
    tpu.wait_indirect_dma semaphore(%arg54 : memref<!tpu.dma_semaphore, #tpu.memory_space<semaphore_mem>>) src(%dma_wait3A_107 : memref<100000x128xf32, #tpu.memory_space<hbm>>) dst(%arg26 : memref<16x128xf32, #tpu.memory_space<vmem>>)
    %dma_wait3A_108 = arith.constant 0 : i32
    %dma_wait3A_109 = arith.constant 0 : i32
    %dma_wait3A_110 = tpu.memref_slice %arg9[%dma_wait3A_108, %dma_wait3A_109] : memref<100000x128xf32, #tpu.memory_space<hbm>> -> memref<100000x128xf32, #tpu.memory_space<hbm>>
    tpu.wait_indirect_dma semaphore(%arg54 : memref<!tpu.dma_semaphore, #tpu.memory_space<semaphore_mem>>) src(%dma_wait3A_110 : memref<100000x128xf32, #tpu.memory_space<hbm>>) dst(%arg27 : memref<16x128xf32, #tpu.memory_space<vmem>>)
    %dma_wait3A_111 = arith.constant 0 : i32
    %dma_wait3A_112 = arith.constant 0 : i32
    %dma_wait3A_113 = tpu.memref_slice %arg11[%dma_wait3A_111, %dma_wait3A_112] : memref<100000x128xf32, #tpu.memory_space<hbm>> -> memref<100000x128xf32, #tpu.memory_space<hbm>>
    tpu.wait_indirect_dma semaphore(%arg54 : memref<!tpu.dma_semaphore, #tpu.memory_space<semaphore_mem>>) src(%dma_wait3A_113 : memref<100000x128xf32, #tpu.memory_space<hbm>>) dst(%arg28 : memref<16x128xf32, #tpu.memory_space<vmem>>)
    %dma_wait3A_114 = arith.constant 0 : i32
    %dma_wait3A_115 = arith.constant 0 : i32
    %dma_wait3A_116 = tpu.memref_slice %arg13[%dma_wait3A_114, %dma_wait3A_115] : memref<100000x128xf32, #tpu.memory_space<hbm>> -> memref<100000x128xf32, #tpu.memory_space<hbm>>
    tpu.wait_indirect_dma semaphore(%arg54 : memref<!tpu.dma_semaphore, #tpu.memory_space<semaphore_mem>>) src(%dma_wait3A_116 : memref<100000x128xf32, #tpu.memory_space<hbm>>) dst(%arg29 : memref<16x128xf32, #tpu.memory_space<vmem>>)
    %add3A_117 = arith.constant 496 : i32
    %add3A_118 = arith.addi %mul3A_2, %add3A_117 : i32
    %dma_start3A_119 = tpu.memref_slice %arg2[%add3A_118] : memref<16384xi32, #tpu.memory_space<hbm>> -> memref<16xi32, #tpu.memory_space<hbm>>
    %dma_start3A_120 = tpu.memref_slice %arg2[%add3A_118] : memref<16384xi32, #tpu.memory_space<hbm>> -> memref<16xi32, #tpu.memory_space<hbm>>
    tpu.enqueue_dma source(%dma_start3A_120 : memref<16xi32, #tpu.memory_space<hbm>>) target(%arg49 : memref<16xi32, #tpu.memory_space<vmem>>) target_semaphore(%arg55 : memref<!tpu.dma_semaphore, #tpu.memory_space<semaphore_mem>>)
    %dma_wait3A_121 = tpu.memref_slice %arg2[%add3A_118] : memref<16384xi32, #tpu.memory_space<hbm>> -> memref<16xi32, #tpu.memory_space<hbm>>
    %dma_wait3A_122 = tpu.memref_slice %arg2[%add3A_118] : memref<16384xi32, #tpu.memory_space<hbm>> -> memref<16xi32, #tpu.memory_space<hbm>>
    tpu.wait_dma2 semaphore(%arg55 : memref<!tpu.dma_semaphore, #tpu.memory_space<semaphore_mem>>) src(%dma_wait3A_122 : memref<16xi32, #tpu.memory_space<hbm>>) dst(%arg49 : memref<16xi32, #tpu.memory_space<vmem>>)
    %dma_start3A_123 = tpu.memref_slice %arg3[%add3A_118] : memref<16384xi32, #tpu.memory_space<hbm>> -> memref<16xi32, #tpu.memory_space<hbm>>
    %dma_start3A_124 = tpu.memref_slice %arg3[%add3A_118] : memref<16384xi32, #tpu.memory_space<hbm>> -> memref<16xi32, #tpu.memory_space<hbm>>
    tpu.enqueue_dma source(%dma_start3A_124 : memref<16xi32, #tpu.memory_space<hbm>>) target(%arg50 : memref<16xi32, #tpu.memory_space<vmem>>) target_semaphore(%arg55 : memref<!tpu.dma_semaphore, #tpu.memory_space<semaphore_mem>>)
    %dma_wait3A_125 = tpu.memref_slice %arg3[%add3A_118] : memref<16384xi32, #tpu.memory_space<hbm>> -> memref<16xi32, #tpu.memory_space<hbm>>
    %dma_wait3A_126 = tpu.memref_slice %arg3[%add3A_118] : memref<16384xi32, #tpu.memory_space<hbm>> -> memref<16xi32, #tpu.memory_space<hbm>>
    tpu.wait_dma2 semaphore(%arg55 : memref<!tpu.dma_semaphore, #tpu.memory_space<semaphore_mem>>) src(%dma_wait3A_126 : memref<16xi32, #tpu.memory_space<hbm>>) dst(%arg50 : memref<16xi32, #tpu.memory_space<vmem>>)
    %dma_start3A_127 = tpu.memref_slice %arg4[%add3A_118] : memref<16384xi32, #tpu.memory_space<hbm>> -> memref<16xi32, #tpu.memory_space<hbm>>
    %dma_start3A_128 = tpu.memref_slice %arg4[%add3A_118] : memref<16384xi32, #tpu.memory_space<hbm>> -> memref<16xi32, #tpu.memory_space<hbm>>
    tpu.enqueue_dma source(%dma_start3A_128 : memref<16xi32, #tpu.memory_space<hbm>>) target(%arg51 : memref<16xi32, #tpu.memory_space<vmem>>) target_semaphore(%arg55 : memref<!tpu.dma_semaphore, #tpu.memory_space<semaphore_mem>>)
    %dma_wait3A_129 = tpu.memref_slice %arg4[%add3A_118] : memref<16384xi32, #tpu.memory_space<hbm>> -> memref<16xi32, #tpu.memory_space<hbm>>
    %dma_wait3A_130 = tpu.memref_slice %arg4[%add3A_118] : memref<16384xi32, #tpu.memory_space<hbm>> -> memref<16xi32, #tpu.memory_space<hbm>>
    tpu.wait_dma2 semaphore(%arg55 : memref<!tpu.dma_semaphore, #tpu.memory_space<semaphore_mem>>) src(%dma_wait3A_130 : memref<16xi32, #tpu.memory_space<hbm>>) dst(%arg51 : memref<16xi32, #tpu.memory_space<vmem>>)
    %dma_start3A_131 = arith.constant 0 : i32
    %dma_start3A_132 = tpu.memref_slice %arg5[%add3A_118, %dma_start3A_131] : memref<16384x2xf32, #tpu.memory_space<hbm>> -> memref<16x2xf32, #tpu.memory_space<hbm>>
    %dma_start3A_133 = arith.constant 0 : i32
    %dma_start3A_134 = tpu.memref_slice %arg5[%add3A_118, %dma_start3A_133] : memref<16384x2xf32, #tpu.memory_space<hbm>> -> memref<16x2xf32, #tpu.memory_space<hbm>>
    tpu.enqueue_dma source(%dma_start3A_134 : memref<16x2xf32, #tpu.memory_space<hbm>>) target(%arg52 : memref<16x2xf32, #tpu.memory_space<vmem>>) target_semaphore(%arg55 : memref<!tpu.dma_semaphore, #tpu.memory_space<semaphore_mem>>)
    %dma_wait3A_135 = arith.constant 0 : i32
    %dma_wait3A_136 = tpu.memref_slice %arg5[%add3A_118, %dma_wait3A_135] : memref<16384x2xf32, #tpu.memory_space<hbm>> -> memref<16x2xf32, #tpu.memory_space<hbm>>
    %dma_wait3A_137 = arith.constant 0 : i32
    %dma_wait3A_138 = tpu.memref_slice %arg5[%add3A_118, %dma_wait3A_137] : memref<16384x2xf32, #tpu.memory_space<hbm>> -> memref<16x2xf32, #tpu.memory_space<hbm>>
    tpu.wait_dma2 semaphore(%arg55 : memref<!tpu.dma_semaphore, #tpu.memory_space<semaphore_mem>>) src(%dma_wait3A_138 : memref<16x2xf32, #tpu.memory_space<hbm>>) dst(%arg52 : memref<16x2xf32, #tpu.memory_space<vmem>>)
    %dma_start3A_139 = arith.constant 0 : i32
    %dma_start3A_140 = arith.constant 0 : i32
    %dma_start3A_141 = tpu.memref_slice %arg6[%dma_start3A_139, %dma_start3A_140] : memref<100000x128xf32, #tpu.memory_space<hbm>> -> memref<100000x128xf32, #tpu.memory_space<hbm>>
    tpu.enqueue_indirect_dma source(%dma_start3A_141 : memref<100000x128xf32, #tpu.memory_space<hbm>>) target(%arg30 : memref<16x128xf32, #tpu.memory_space<vmem>>) offsets(%arg49 : memref<16xi32, #tpu.memory_space<vmem>>) semaphore(%arg54 : memref<!tpu.dma_semaphore, #tpu.memory_space<semaphore_mem>>)
    %dma_start3A_142 = arith.constant 0 : i32
    %dma_start3A_143 = arith.constant 0 : i32
    %dma_start3A_144 = tpu.memref_slice %arg6[%dma_start3A_142, %dma_start3A_143] : memref<100000x128xf32, #tpu.memory_space<hbm>> -> memref<100000x128xf32, #tpu.memory_space<hbm>>
    tpu.enqueue_indirect_dma source(%dma_start3A_144 : memref<100000x128xf32, #tpu.memory_space<hbm>>) target(%arg31 : memref<16x128xf32, #tpu.memory_space<vmem>>) offsets(%arg50 : memref<16xi32, #tpu.memory_space<vmem>>) semaphore(%arg54 : memref<!tpu.dma_semaphore, #tpu.memory_space<semaphore_mem>>)
    %dma_start3A_145 = arith.constant 0 : i32
    %dma_start3A_146 = arith.constant 0 : i32
    %dma_start3A_147 = tpu.memref_slice %arg7[%dma_start3A_145, %dma_start3A_146] : memref<1000x256xf32, #tpu.memory_space<hbm>> -> memref<1000x256xf32, #tpu.memory_space<hbm>>
    tpu.enqueue_indirect_dma source(%dma_start3A_147 : memref<1000x256xf32, #tpu.memory_space<hbm>>) target(%arg32 : memref<16x256xf32, #tpu.memory_space<vmem>>) offsets(%arg51 : memref<16xi32, #tpu.memory_space<vmem>>) semaphore(%arg54 : memref<!tpu.dma_semaphore, #tpu.memory_space<semaphore_mem>>)
    %dma_start3A_148 = arith.constant 0 : i32
    %dma_start3A_149 = arith.constant 0 : i32
    %dma_start3A_150 = tpu.memref_slice %arg8[%dma_start3A_148, %dma_start3A_149] : memref<100000x128xf32, #tpu.memory_space<hbm>> -> memref<100000x128xf32, #tpu.memory_space<hbm>>
    tpu.enqueue_indirect_dma source(%dma_start3A_150 : memref<100000x128xf32, #tpu.memory_space<hbm>>) target(%arg33 : memref<16x128xf32, #tpu.memory_space<vmem>>) offsets(%arg49 : memref<16xi32, #tpu.memory_space<vmem>>) semaphore(%arg54 : memref<!tpu.dma_semaphore, #tpu.memory_space<semaphore_mem>>)
    %dma_start3A_151 = arith.constant 0 : i32
    %dma_start3A_152 = arith.constant 0 : i32
    %dma_start3A_153 = tpu.memref_slice %arg10[%dma_start3A_151, %dma_start3A_152] : memref<100000x128xf32, #tpu.memory_space<hbm>> -> memref<100000x128xf32, #tpu.memory_space<hbm>>
    tpu.enqueue_indirect_dma source(%dma_start3A_153 : memref<100000x128xf32, #tpu.memory_space<hbm>>) target(%arg34 : memref<16x128xf32, #tpu.memory_space<vmem>>) offsets(%arg49 : memref<16xi32, #tpu.memory_space<vmem>>) semaphore(%arg54 : memref<!tpu.dma_semaphore, #tpu.memory_space<semaphore_mem>>)
    %dma_start3A_154 = arith.constant 0 : i32
    %dma_start3A_155 = arith.constant 0 : i32
    %dma_start3A_156 = tpu.memref_slice %arg12[%dma_start3A_154, %dma_start3A_155] : memref<100000x128xf32, #tpu.memory_space<hbm>> -> memref<100000x128xf32, #tpu.memory_space<hbm>>
    tpu.enqueue_indirect_dma source(%dma_start3A_156 : memref<100000x128xf32, #tpu.memory_space<hbm>>) target(%arg35 : memref<16x128xf32, #tpu.memory_space<vmem>>) offsets(%arg49 : memref<16xi32, #tpu.memory_space<vmem>>) semaphore(%arg54 : memref<!tpu.dma_semaphore, #tpu.memory_space<semaphore_mem>>)
    %dma_start3A_157 = arith.constant 0 : i32
    %dma_start3A_158 = arith.constant 0 : i32
    %dma_start3A_159 = tpu.memref_slice %arg9[%dma_start3A_157, %dma_start3A_158] : memref<100000x128xf32, #tpu.memory_space<hbm>> -> memref<100000x128xf32, #tpu.memory_space<hbm>>
    tpu.enqueue_indirect_dma source(%dma_start3A_159 : memref<100000x128xf32, #tpu.memory_space<hbm>>) target(%arg36 : memref<16x128xf32, #tpu.memory_space<vmem>>) offsets(%arg49 : memref<16xi32, #tpu.memory_space<vmem>>) semaphore(%arg54 : memref<!tpu.dma_semaphore, #tpu.memory_space<semaphore_mem>>)
    %dma_start3A_160 = arith.constant 0 : i32
    %dma_start3A_161 = arith.constant 0 : i32
    %dma_start3A_162 = tpu.memref_slice %arg11[%dma_start3A_160, %dma_start3A_161] : memref<100000x128xf32, #tpu.memory_space<hbm>> -> memref<100000x128xf32, #tpu.memory_space<hbm>>
    tpu.enqueue_indirect_dma source(%dma_start3A_162 : memref<100000x128xf32, #tpu.memory_space<hbm>>) target(%arg37 : memref<16x128xf32, #tpu.memory_space<vmem>>) offsets(%arg49 : memref<16xi32, #tpu.memory_space<vmem>>) semaphore(%arg54 : memref<!tpu.dma_semaphore, #tpu.memory_space<semaphore_mem>>)
    %dma_start3A_163 = arith.constant 0 : i32
    %dma_start3A_164 = arith.constant 0 : i32
    %dma_start3A_165 = tpu.memref_slice %arg13[%dma_start3A_163, %dma_start3A_164] : memref<100000x128xf32, #tpu.memory_space<hbm>> -> memref<100000x128xf32, #tpu.memory_space<hbm>>
    tpu.enqueue_indirect_dma source(%dma_start3A_165 : memref<100000x128xf32, #tpu.memory_space<hbm>>) target(%arg38 : memref<16x128xf32, #tpu.memory_space<vmem>>) offsets(%arg49 : memref<16xi32, #tpu.memory_space<vmem>>) semaphore(%arg54 : memref<!tpu.dma_semaphore, #tpu.memory_space<semaphore_mem>>)
    %dma_start3A_166 = arith.constant 0 : i32
    %dma_start3A_167 = arith.constant 0 : i32
    %dma_start3A_168 = tpu.memref_slice %arg8[%dma_start3A_166, %dma_start3A_167] : memref<100000x128xf32, #tpu.memory_space<hbm>> -> memref<100000x128xf32, #tpu.memory_space<hbm>>
    tpu.enqueue_indirect_dma source(%dma_start3A_168 : memref<100000x128xf32, #tpu.memory_space<hbm>>) target(%arg39 : memref<16x128xf32, #tpu.memory_space<vmem>>) offsets(%arg50 : memref<16xi32, #tpu.memory_space<vmem>>) semaphore(%arg54 : memref<!tpu.dma_semaphore, #tpu.memory_space<semaphore_mem>>)
    %dma_start3A_169 = arith.constant 0 : i32
    %dma_start3A_170 = arith.constant 0 : i32
    %dma_start3A_171 = tpu.memref_slice %arg10[%dma_start3A_169, %dma_start3A_170] : memref<100000x128xf32, #tpu.memory_space<hbm>> -> memref<100000x128xf32, #tpu.memory_space<hbm>>
    tpu.enqueue_indirect_dma source(%dma_start3A_171 : memref<100000x128xf32, #tpu.memory_space<hbm>>) target(%arg40 : memref<16x128xf32, #tpu.memory_space<vmem>>) offsets(%arg50 : memref<16xi32, #tpu.memory_space<vmem>>) semaphore(%arg54 : memref<!tpu.dma_semaphore, #tpu.memory_space<semaphore_mem>>)
    %dma_start3A_172 = arith.constant 0 : i32
    %dma_start3A_173 = arith.constant 0 : i32
    %dma_start3A_174 = tpu.memref_slice %arg12[%dma_start3A_172, %dma_start3A_173] : memref<100000x128xf32, #tpu.memory_space<hbm>> -> memref<100000x128xf32, #tpu.memory_space<hbm>>
    tpu.enqueue_indirect_dma source(%dma_start3A_174 : memref<100000x128xf32, #tpu.memory_space<hbm>>) target(%arg41 : memref<16x128xf32, #tpu.memory_space<vmem>>) offsets(%arg50 : memref<16xi32, #tpu.memory_space<vmem>>) semaphore(%arg54 : memref<!tpu.dma_semaphore, #tpu.memory_space<semaphore_mem>>)
    %dma_start3A_175 = arith.constant 0 : i32
    %dma_start3A_176 = arith.constant 0 : i32
    %dma_start3A_177 = tpu.memref_slice %arg9[%dma_start3A_175, %dma_start3A_176] : memref<100000x128xf32, #tpu.memory_space<hbm>> -> memref<100000x128xf32, #tpu.memory_space<hbm>>
    tpu.enqueue_indirect_dma source(%dma_start3A_177 : memref<100000x128xf32, #tpu.memory_space<hbm>>) target(%arg42 : memref<16x128xf32, #tpu.memory_space<vmem>>) offsets(%arg50 : memref<16xi32, #tpu.memory_space<vmem>>) semaphore(%arg54 : memref<!tpu.dma_semaphore, #tpu.memory_space<semaphore_mem>>)
    %dma_start3A_178 = arith.constant 0 : i32
    %dma_start3A_179 = arith.constant 0 : i32
    %dma_start3A_180 = tpu.memref_slice %arg11[%dma_start3A_178, %dma_start3A_179] : memref<100000x128xf32, #tpu.memory_space<hbm>> -> memref<100000x128xf32, #tpu.memory_space<hbm>>
    tpu.enqueue_indirect_dma source(%dma_start3A_180 : memref<100000x128xf32, #tpu.memory_space<hbm>>) target(%arg43 : memref<16x128xf32, #tpu.memory_space<vmem>>) offsets(%arg50 : memref<16xi32, #tpu.memory_space<vmem>>) semaphore(%arg54 : memref<!tpu.dma_semaphore, #tpu.memory_space<semaphore_mem>>)
    %dma_start3A_181 = arith.constant 0 : i32
    %dma_start3A_182 = arith.constant 0 : i32
    %dma_start3A_183 = tpu.memref_slice %arg13[%dma_start3A_181, %dma_start3A_182] : memref<100000x128xf32, #tpu.memory_space<hbm>> -> memref<100000x128xf32, #tpu.memory_space<hbm>>
    tpu.enqueue_indirect_dma source(%dma_start3A_183 : memref<100000x128xf32, #tpu.memory_space<hbm>>) target(%arg44 : memref<16x128xf32, #tpu.memory_space<vmem>>) offsets(%arg50 : memref<16xi32, #tpu.memory_space<vmem>>) semaphore(%arg54 : memref<!tpu.dma_semaphore, #tpu.memory_space<semaphore_mem>>)
    %broadcast_in_dim3A = arith.constant 0 : i32
    %broadcast_in_dim3A_184 = vector.broadcast %broadcast_in_dim3A : i32 to vector<16xi32>
    %gather3A = tpu.vector_load_idx %arg48[%iota3A, %broadcast_in_dim3A_184] : memref<16x2xf32, #tpu.memory_space<vmem>>[vector<16xi32>, vector<16xi32>], vector<16xf32>,
    %broadcast_in_dim3A_185 = arith.constant 1 : i32
    %broadcast_in_dim3A_186 = vector.broadcast %broadcast_in_dim3A_185 : i32 to vector<16xi32>
    %gather3A_187 = tpu.vector_load_idx %arg48[%iota3A, %broadcast_in_dim3A_186] : memref<16x2xf32, #tpu.memory_space<vmem>>[vector<16xi32>, vector<16xi32>], vector<16xf32>,
    %broadcast_in_dim3A_188 = arith.constant 0.000000e+00 : f32
    %broadcast_in_dim3A_189 = vector.broadcast %broadcast_in_dim3A_188 : f32 to vector<16xf32>
    %parallel_loop3A = arith.constant 0 : i32
    %parallel_loop3A_190 = arith.constant 128 : i32
    %parallel_loop3A_191 = arith.constant 1 : i32
    %parallel_loop3A_192 = scf.for %parallel_loop3A_270 = %parallel_loop3A to %parallel_loop3A_190 step %parallel_loop3A_191 iter_args(%parallel_loop3A_271 = %broadcast_in_dim3A_189) -> (vector<16xf32>)  : i32 {
      %parallel_loop3A_272 = vector.broadcast %parallel_loop3A_270 : i32 to vector<16xi32>
      %parallel_loop3A_273 = tpu.vector_load_idx %arg15[%iota3A, %parallel_loop3A_272] : memref<16x128xf32, #tpu.memory_space<vmem>>[vector<16xi32>, vector<16xi32>], vector<16xf32>,
      %parallel_loop3A_274 = tpu.vector_load_idx %arg16[%iota3A, %parallel_loop3A_272] : memref<16x128xf32, #tpu.memory_space<vmem>>[vector<16xi32>, vector<16xi32>], vector<16xf32>,
      %parallel_loop3A_275 = tpu.vector_load_idx %arg17[%iota3A, %parallel_loop3A_272] : memref<16x256xf32, #tpu.memory_space<vmem>>[vector<16xi32>, vector<16xi32>], vector<16xf32>,
      %parallel_loop3A_276 = arith.constant 128 : i32
      %parallel_loop3A_277 = vector.broadcast %parallel_loop3A_276 : i32 to vector<16xi32>
      %parallel_loop3A_278 = arith.addi %parallel_loop3A_272, %parallel_loop3A_277 : vector<16xi32>
      %parallel_loop3A_279 = tpu.vector_load_idx %arg17[%iota3A, %parallel_loop3A_278] : memref<16x256xf32, #tpu.memory_space<vmem>>[vector<16xi32>, vector<16xi32>], vector<16xf32>,
      %parallel_loop3A_280 = tpu.vector_load_idx %arg20[%iota3A, %parallel_loop3A_272] : memref<16x128xf32, #tpu.memory_space<vmem>>[vector<16xi32>, vector<16xi32>], vector<16xf32>,
      %parallel_loop3A_281 = tpu.vector_load_idx %arg18[%iota3A, %parallel_loop3A_272] : memref<16x128xf32, #tpu.memory_space<vmem>>[vector<16xi32>, vector<16xi32>], vector<16xf32>,
      %parallel_loop3A_282 = arith.mulf %parallel_loop3A_281, %gather3A : vector<16xf32>
      %parallel_loop3A_283 = tpu.vector_load_idx %arg19[%iota3A, %parallel_loop3A_272] : memref<16x128xf32, #tpu.memory_space<vmem>>[vector<16xi32>, vector<16xi32>], vector<16xf32>,
      %parallel_loop3A_284 = arith.addf %parallel_loop3A_282, %parallel_loop3A_283 : vector<16xf32>
      %parallel_loop3A_285 = arith.mulf %parallel_loop3A_284, %parallel_loop3A_284 : vector<16xf32>
      %parallel_loop3A_286 = arith.constant 2.75573188E-6 : f32
      %parallel_loop3A_287 = vector.broadcast %parallel_loop3A_286 : f32 to vector<16xf32>
      %parallel_loop3A_288 = arith.mulf %parallel_loop3A_285, %parallel_loop3A_287 : vector<16xf32>
      %parallel_loop3A_289 = arith.constant 1.98412701E-4 : f32
      %parallel_loop3A_290 = vector.broadcast %parallel_loop3A_289 : f32 to vector<16xf32>
      %parallel_loop3A_291 = arith.subf %parallel_loop3A_288, %parallel_loop3A_290 : vector<16xf32>
      %parallel_loop3A_292 = arith.mulf %parallel_loop3A_285, %parallel_loop3A_291 : vector<16xf32>
      %parallel_loop3A_293 = arith.constant 0.00833333377 : f32
      %parallel_loop3A_294 = vector.broadcast %parallel_loop3A_293 : f32 to vector<16xf32>
      %parallel_loop3A_295 = arith.addf %parallel_loop3A_292, %parallel_loop3A_294 : vector<16xf32>
      %parallel_loop3A_296 = arith.mulf %parallel_loop3A_285, %parallel_loop3A_295 : vector<16xf32>
      %parallel_loop3A_297 = arith.constant 0.166666672 : f32
      %parallel_loop3A_298 = vector.broadcast %parallel_loop3A_297 : f32 to vector<16xf32>
      %parallel_loop3A_299 = arith.subf %parallel_loop3A_296, %parallel_loop3A_298 : vector<16xf32>
      %parallel_loop3A_300 = arith.mulf %parallel_loop3A_285, %parallel_loop3A_299 : vector<16xf32>
      %parallel_loop3A_301 = arith.mulf %parallel_loop3A_284, %parallel_loop3A_300 : vector<16xf32>
      %parallel_loop3A_302 = arith.addf %parallel_loop3A_284, %parallel_loop3A_301 : vector<16xf32>
      %parallel_loop3A_303 = arith.mulf %parallel_loop3A_280, %parallel_loop3A_302 : vector<16xf32>
      %parallel_loop3A_304 = tpu.vector_load_idx %arg23[%iota3A, %parallel_loop3A_272] : memref<16x128xf32, #tpu.memory_space<vmem>>[vector<16xi32>, vector<16xi32>], vector<16xf32>,
      %parallel_loop3A_305 = tpu.vector_load_idx %arg21[%iota3A, %parallel_loop3A_272] : memref<16x128xf32, #tpu.memory_space<vmem>>[vector<16xi32>, vector<16xi32>], vector<16xf32>,
      %parallel_loop3A_306 = arith.mulf %parallel_loop3A_305, %gather3A_187 : vector<16xf32>
      %parallel_loop3A_307 = tpu.vector_load_idx %arg22[%iota3A, %parallel_loop3A_272] : memref<16x128xf32, #tpu.memory_space<vmem>>[vector<16xi32>, vector<16xi32>], vector<16xf32>,
      %parallel_loop3A_308 = arith.addf %parallel_loop3A_306, %parallel_loop3A_307 : vector<16xf32>
      %parallel_loop3A_309 = arith.mulf %parallel_loop3A_308, %parallel_loop3A_308 : vector<16xf32>
      %parallel_loop3A_310 = arith.constant 2.75573188E-6 : f32
      %parallel_loop3A_311 = vector.broadcast %parallel_loop3A_310 : f32 to vector<16xf32>
      %parallel_loop3A_312 = arith.mulf %parallel_loop3A_309, %parallel_loop3A_311 : vector<16xf32>
      %parallel_loop3A_313 = arith.constant 1.98412701E-4 : f32
      %parallel_loop3A_314 = vector.broadcast %parallel_loop3A_313 : f32 to vector<16xf32>
      %parallel_loop3A_315 = arith.subf %parallel_loop3A_312, %parallel_loop3A_314 : vector<16xf32>
      %parallel_loop3A_316 = arith.mulf %parallel_loop3A_309, %parallel_loop3A_315 : vector<16xf32>
      %parallel_loop3A_317 = arith.constant 0.00833333377 : f32
      %parallel_loop3A_318 = vector.broadcast %parallel_loop3A_317 : f32 to vector<16xf32>
      %parallel_loop3A_319 = arith.addf %parallel_loop3A_316, %parallel_loop3A_318 : vector<16xf32>
      %parallel_loop3A_320 = arith.mulf %parallel_loop3A_309, %parallel_loop3A_319 : vector<16xf32>
      %parallel_loop3A_321 = arith.constant 0.166666672 : f32
      %parallel_loop3A_322 = vector.broadcast %parallel_loop3A_321 : f32 to vector<16xf32>
      %parallel_loop3A_323 = arith.subf %parallel_loop3A_320, %parallel_loop3A_322 : vector<16xf32>
      %parallel_loop3A_324 = arith.mulf %parallel_loop3A_309, %parallel_loop3A_323 : vector<16xf32>
      %parallel_loop3A_325 = arith.mulf %parallel_loop3A_308, %parallel_loop3A_324 : vector<16xf32>
      %parallel_loop3A_326 = arith.addf %parallel_loop3A_308, %parallel_loop3A_325 : vector<16xf32>
      %parallel_loop3A_327 = arith.mulf %parallel_loop3A_304, %parallel_loop3A_326 : vector<16xf32>
      %parallel_loop3A_328 = arith.addf %parallel_loop3A_303, %parallel_loop3A_327 : vector<16xf32>
      %parallel_loop3A_329 = tpu.vector_load_idx %arg26[%iota3A, %parallel_loop3A_272] : memref<16x128xf32, #tpu.memory_space<vmem>>[vector<16xi32>, vector<16xi32>], vector<16xf32>,
      %parallel_loop3A_330 = tpu.vector_load_idx %arg24[%iota3A, %parallel_loop3A_272] : memref<16x128xf32, #tpu.memory_space<vmem>>[vector<16xi32>, vector<16xi32>], vector<16xf32>,
      %parallel_loop3A_331 = arith.mulf %parallel_loop3A_330, %gather3A : vector<16xf32>
      %parallel_loop3A_332 = tpu.vector_load_idx %arg25[%iota3A, %parallel_loop3A_272] : memref<16x128xf32, #tpu.memory_space<vmem>>[vector<16xi32>, vector<16xi32>], vector<16xf32>,
      %parallel_loop3A_333 = arith.addf %parallel_loop3A_331, %parallel_loop3A_332 : vector<16xf32>
      %parallel_loop3A_334 = arith.mulf %parallel_loop3A_333, %parallel_loop3A_333 : vector<16xf32>
      %parallel_loop3A_335 = arith.constant 2.75573188E-6 : f32
      %parallel_loop3A_336 = vector.broadcast %parallel_loop3A_335 : f32 to vector<16xf32>
      %parallel_loop3A_337 = arith.mulf %parallel_loop3A_334, %parallel_loop3A_336 : vector<16xf32>
      %parallel_loop3A_338 = arith.constant 1.98412701E-4 : f32
      %parallel_loop3A_339 = vector.broadcast %parallel_loop3A_338 : f32 to vector<16xf32>
      %parallel_loop3A_340 = arith.subf %parallel_loop3A_337, %parallel_loop3A_339 : vector<16xf32>
      %parallel_loop3A_341 = arith.mulf %parallel_loop3A_334, %parallel_loop3A_340 : vector<16xf32>
      %parallel_loop3A_342 = arith.constant 0.00833333377 : f32
      %parallel_loop3A_343 = vector.broadcast %parallel_loop3A_342 : f32 to vector<16xf32>
      %parallel_loop3A_344 = arith.addf %parallel_loop3A_341, %parallel_loop3A_343 : vector<16xf32>
      %parallel_loop3A_345 = arith.mulf %parallel_loop3A_334, %parallel_loop3A_344 : vector<16xf32>
      %parallel_loop3A_346 = arith.constant 0.166666672 : f32
      %parallel_loop3A_347 = vector.broadcast %parallel_loop3A_346 : f32 to vector<16xf32>
      %parallel_loop3A_348 = arith.subf %parallel_loop3A_345, %parallel_loop3A_347 : vector<16xf32>
      %parallel_loop3A_349 = arith.mulf %parallel_loop3A_334, %parallel_loop3A_348 : vector<16xf32>
      %parallel_loop3A_350 = arith.mulf %parallel_loop3A_333, %parallel_loop3A_349 : vector<16xf32>
      %parallel_loop3A_351 = arith.addf %parallel_loop3A_333, %parallel_loop3A_350 : vector<16xf32>
      %parallel_loop3A_352 = arith.mulf %parallel_loop3A_329, %parallel_loop3A_351 : vector<16xf32>
      %parallel_loop3A_353 = tpu.vector_load_idx %arg29[%iota3A, %parallel_loop3A_272] : memref<16x128xf32, #tpu.memory_space<vmem>>[vector<16xi32>, vector<16xi32>], vector<16xf32>,
      %parallel_loop3A_354 = tpu.vector_load_idx %arg27[%iota3A, %parallel_loop3A_272] : memref<16x128xf32, #tpu.memory_space<vmem>>[vector<16xi32>, vector<16xi32>], vector<16xf32>,
      %parallel_loop3A_355 = arith.mulf %parallel_loop3A_354, %gather3A_187 : vector<16xf32>
      %parallel_loop3A_356 = tpu.vector_load_idx %arg28[%iota3A, %parallel_loop3A_272] : memref<16x128xf32, #tpu.memory_space<vmem>>[vector<16xi32>, vector<16xi32>], vector<16xf32>,
      %parallel_loop3A_357 = arith.addf %parallel_loop3A_355, %parallel_loop3A_356 : vector<16xf32>
      %parallel_loop3A_358 = arith.mulf %parallel_loop3A_357, %parallel_loop3A_357 : vector<16xf32>
      %parallel_loop3A_359 = arith.constant 2.75573188E-6 : f32
      %parallel_loop3A_360 = vector.broadcast %parallel_loop3A_359 : f32 to vector<16xf32>
      %parallel_loop3A_361 = arith.mulf %parallel_loop3A_358, %parallel_loop3A_360 : vector<16xf32>
      %parallel_loop3A_362 = arith.constant 1.98412701E-4 : f32
      %parallel_loop3A_363 = vector.broadcast %parallel_loop3A_362 : f32 to vector<16xf32>
      %parallel_loop3A_364 = arith.subf %parallel_loop3A_361, %parallel_loop3A_363 : vector<16xf32>
      %parallel_loop3A_365 = arith.mulf %parallel_loop3A_358, %parallel_loop3A_364 : vector<16xf32>
      %parallel_loop3A_366 = arith.constant 0.00833333377 : f32
      %parallel_loop3A_367 = vector.broadcast %parallel_loop3A_366 : f32 to vector<16xf32>
      %parallel_loop3A_368 = arith.addf %parallel_loop3A_365, %parallel_loop3A_367 : vector<16xf32>
      %parallel_loop3A_369 = arith.mulf %parallel_loop3A_358, %parallel_loop3A_368 : vector<16xf32>
      %parallel_loop3A_370 = arith.constant 0.166666672 : f32
      %parallel_loop3A_371 = vector.broadcast %parallel_loop3A_370 : f32 to vector<16xf32>
      %parallel_loop3A_372 = arith.subf %parallel_loop3A_369, %parallel_loop3A_371 : vector<16xf32>
      %parallel_loop3A_373 = arith.mulf %parallel_loop3A_358, %parallel_loop3A_372 : vector<16xf32>
      %parallel_loop3A_374 = arith.mulf %parallel_loop3A_357, %parallel_loop3A_373 : vector<16xf32>
      %parallel_loop3A_375 = arith.addf %parallel_loop3A_357, %parallel_loop3A_374 : vector<16xf32>
      %parallel_loop3A_376 = arith.mulf %parallel_loop3A_353, %parallel_loop3A_375 : vector<16xf32>
      %parallel_loop3A_377 = arith.addf %parallel_loop3A_352, %parallel_loop3A_376 : vector<16xf32>
      %parallel_loop3A_378 = arith.addf %parallel_loop3A_273, %parallel_loop3A_275 : vector<16xf32>
      %parallel_loop3A_379 = arith.subf %parallel_loop3A_378, %parallel_loop3A_274 : vector<16xf32>
      %parallel_loop3A_380 = math.absf %parallel_loop3A_379 : vector<16xf32>
      %parallel_loop3A_381 = arith.addf %parallel_loop3A_271, %parallel_loop3A_380 : vector<16xf32>
      %parallel_loop3A_382 = arith.addf %parallel_loop3A_328, %parallel_loop3A_279 : vector<16xf32>
      %parallel_loop3A_383 = arith.subf %parallel_loop3A_382, %parallel_loop3A_377 : vector<16xf32>
      %parallel_loop3A_384 = math.absf %parallel_loop3A_383 : vector<16xf32>
      %parallel_loop3A_385 = arith.addf %parallel_loop3A_381, %parallel_loop3A_384 : vector<16xf32>
      scf.yield %parallel_loop3A_385 : vector<16xf32>
    } {sc.loop_unroll_factor = 2 : i64, sc.parallel_access}
    %neg3A = arith.constant 0.000000e+00 : f32
    %neg3A_193 = vector.broadcast %neg3A : f32 to vector<16xf32>
    %neg3A_194 = arith.subf %neg3A_193, %parallel_loop3A_192 : vector<16xf32>
    %swap3A = arith.constant 0 : index
    %swap3A_195 = tpu.vector_load %arg53[%swap3A] {strides = array<i32>} : memref<16xf32, #tpu.memory_space<vmem>>, vector<16xf32>,
    tpu.vector_store %arg53[%swap3A], %neg3A_194 {strides = array<i32>} : memref<16xf32, #tpu.memory_space<vmem>>, vector<16xf32>,
    %add3A_196 = arith.constant 480 : i32
    %add3A_197 = arith.addi %mul3A_2, %add3A_196 : i32
    %dma_start3A_198 = tpu.memref_slice %arg14[%add3A_197] : memref<16384xf32, #tpu.memory_space<hbm>> -> memref<16xf32, #tpu.memory_space<hbm>>
    %dma_start3A_199 = tpu.memref_slice %arg14[%add3A_197] : memref<16384xf32, #tpu.memory_space<hbm>> -> memref<16xf32, #tpu.memory_space<hbm>>
    tpu.enqueue_dma source(%arg53 : memref<16xf32, #tpu.memory_space<vmem>>) target(%dma_start3A_199 : memref<16xf32, #tpu.memory_space<hbm>>) target_semaphore(%arg55 : memref<!tpu.dma_semaphore, #tpu.memory_space<semaphore_mem>>)
    %dma_wait3A_200 = tpu.memref_slice %arg14[%add3A_197] : memref<16384xf32, #tpu.memory_space<hbm>> -> memref<16xf32, #tpu.memory_space<hbm>>
    %dma_wait3A_201 = tpu.memref_slice %arg14[%add3A_197] : memref<16384xf32, #tpu.memory_space<hbm>> -> memref<16xf32, #tpu.memory_space<hbm>>
    tpu.wait_dma2 semaphore(%arg55 : memref<!tpu.dma_semaphore, #tpu.memory_space<semaphore_mem>>) src(%arg53 : memref<16xf32, #tpu.memory_space<vmem>>) dst(%dma_wait3A_201 : memref<16xf32, #tpu.memory_space<hbm>>)
    %dma_wait3A_202 = arith.constant 0 : i32
    %dma_wait3A_203 = arith.constant 0 : i32
    %dma_wait3A_204 = tpu.memref_slice %arg6[%dma_wait3A_202, %dma_wait3A_203] : memref<100000x128xf32, #tpu.memory_space<hbm>> -> memref<100000x128xf32, #tpu.memory_space<hbm>>
    tpu.wait_indirect_dma semaphore(%arg54 : memref<!tpu.dma_semaphore, #tpu.memory_space<semaphore_mem>>) src(%dma_wait3A_204 : memref<100000x128xf32, #tpu.memory_space<hbm>>) dst(%arg30 : memref<16x128xf32, #tpu.memory_space<vmem>>)
    %dma_wait3A_205 = arith.constant 0 : i32
    %dma_wait3A_206 = arith.constant 0 : i32
    %dma_wait3A_207 = tpu.memref_slice %arg6[%dma_wait3A_205, %dma_wait3A_206] : memref<100000x128xf32, #tpu.memory_space<hbm>> -> memref<100000x128xf32, #tpu.memory_space<hbm>>
    tpu.wait_indirect_dma semaphore(%arg54 : memref<!tpu.dma_semaphore, #tpu.memory_space<semaphore_mem>>) src(%dma_wait3A_207 : memref<100000x128xf32, #tpu.memory_space<hbm>>) dst(%arg31 : memref<16x128xf32, #tpu.memory_space<vmem>>)
    %dma_wait3A_208 = arith.constant 0 : i32
    %dma_wait3A_209 = arith.constant 0 : i32
    %dma_wait3A_210 = tpu.memref_slice %arg7[%dma_wait3A_208, %dma_wait3A_209] : memref<1000x256xf32, #tpu.memory_space<hbm>> -> memref<1000x256xf32, #tpu.memory_space<hbm>>
    tpu.wait_indirect_dma semaphore(%arg54 : memref<!tpu.dma_semaphore, #tpu.memory_space<semaphore_mem>>) src(%dma_wait3A_210 : memref<1000x256xf32, #tpu.memory_space<hbm>>) dst(%arg32 : memref<16x256xf32, #tpu.memory_space<vmem>>)
    %dma_wait3A_211 = arith.constant 0 : i32
    %dma_wait3A_212 = arith.constant 0 : i32
    %dma_wait3A_213 = tpu.memref_slice %arg8[%dma_wait3A_211, %dma_wait3A_212] : memref<100000x128xf32, #tpu.memory_space<hbm>> -> memref<100000x128xf32, #tpu.memory_space<hbm>>
    tpu.wait_indirect_dma semaphore(%arg54 : memref<!tpu.dma_semaphore, #tpu.memory_space<semaphore_mem>>) src(%dma_wait3A_213 : memref<100000x128xf32, #tpu.memory_space<hbm>>) dst(%arg33 : memref<16x128xf32, #tpu.memory_space<vmem>>)
    %dma_wait3A_214 = arith.constant 0 : i32
    %dma_wait3A_215 = arith.constant 0 : i32
    %dma_wait3A_216 = tpu.memref_slice %arg10[%dma_wait3A_214, %dma_wait3A_215] : memref<100000x128xf32, #tpu.memory_space<hbm>> -> memref<100000x128xf32, #tpu.memory_space<hbm>>
    tpu.wait_indirect_dma semaphore(%arg54 : memref<!tpu.dma_semaphore, #tpu.memory_space<semaphore_mem>>) src(%dma_wait3A_216 : memref<100000x128xf32, #tpu.memory_space<hbm>>) dst(%arg34 : memref<16x128xf32, #tpu.memory_space<vmem>>)
    %dma_wait3A_217 = arith.constant 0 : i32
    %dma_wait3A_218 = arith.constant 0 : i32
    %dma_wait3A_219 = tpu.memref_slice %arg12[%dma_wait3A_217, %dma_wait3A_218] : memref<100000x128xf32, #tpu.memory_space<hbm>> -> memref<100000x128xf32, #tpu.memory_space<hbm>>
    tpu.wait_indirect_dma semaphore(%arg54 : memref<!tpu.dma_semaphore, #tpu.memory_space<semaphore_mem>>) src(%dma_wait3A_219 : memref<100000x128xf32, #tpu.memory_space<hbm>>) dst(%arg35 : memref<16x128xf32, #tpu.memory_space<vmem>>)
    %dma_wait3A_220 = arith.constant 0 : i32
    %dma_wait3A_221 = arith.constant 0 : i32
    %dma_wait3A_222 = tpu.memref_slice %arg9[%dma_wait3A_220, %dma_wait3A_221] : memref<100000x128xf32, #tpu.memory_space<hbm>> -> memref<100000x128xf32, #tpu.memory_space<hbm>>
    tpu.wait_indirect_dma semaphore(%arg54 : memref<!tpu.dma_semaphore, #tpu.memory_space<semaphore_mem>>) src(%dma_wait3A_222 : memref<100000x128xf32, #tpu.memory_space<hbm>>) dst(%arg36 : memref<16x128xf32, #tpu.memory_space<vmem>>)
    %dma_wait3A_223 = arith.constant 0 : i32
    %dma_wait3A_224 = arith.constant 0 : i32
    %dma_wait3A_225 = tpu.memref_slice %arg11[%dma_wait3A_223, %dma_wait3A_224] : memref<100000x128xf32, #tpu.memory_space<hbm>> -> memref<100000x128xf32, #tpu.memory_space<hbm>>
    tpu.wait_indirect_dma semaphore(%arg54 : memref<!tpu.dma_semaphore, #tpu.memory_space<semaphore_mem>>) src(%dma_wait3A_225 : memref<100000x128xf32, #tpu.memory_space<hbm>>) dst(%arg37 : memref<16x128xf32, #tpu.memory_space<vmem>>)
    %dma_wait3A_226 = arith.constant 0 : i32
    %dma_wait3A_227 = arith.constant 0 : i32
    %dma_wait3A_228 = tpu.memref_slice %arg13[%dma_wait3A_226, %dma_wait3A_227] : memref<100000x128xf32, #tpu.memory_space<hbm>> -> memref<100000x128xf32, #tpu.memory_space<hbm>>
    tpu.wait_indirect_dma semaphore(%arg54 : memref<!tpu.dma_semaphore, #tpu.memory_space<semaphore_mem>>) src(%dma_wait3A_228 : memref<100000x128xf32, #tpu.memory_space<hbm>>) dst(%arg38 : memref<16x128xf32, #tpu.memory_space<vmem>>)
    %dma_wait3A_229 = arith.constant 0 : i32
    %dma_wait3A_230 = arith.constant 0 : i32
    %dma_wait3A_231 = tpu.memref_slice %arg8[%dma_wait3A_229, %dma_wait3A_230] : memref<100000x128xf32, #tpu.memory_space<hbm>> -> memref<100000x128xf32, #tpu.memory_space<hbm>>
    tpu.wait_indirect_dma semaphore(%arg54 : memref<!tpu.dma_semaphore, #tpu.memory_space<semaphore_mem>>) src(%dma_wait3A_231 : memref<100000x128xf32, #tpu.memory_space<hbm>>) dst(%arg39 : memref<16x128xf32, #tpu.memory_space<vmem>>)
    %dma_wait3A_232 = arith.constant 0 : i32
    %dma_wait3A_233 = arith.constant 0 : i32
    %dma_wait3A_234 = tpu.memref_slice %arg10[%dma_wait3A_232, %dma_wait3A_233] : memref<100000x128xf32, #tpu.memory_space<hbm>> -> memref<100000x128xf32, #tpu.memory_space<hbm>>
    tpu.wait_indirect_dma semaphore(%arg54 : memref<!tpu.dma_semaphore, #tpu.memory_space<semaphore_mem>>) src(%dma_wait3A_234 : memref<100000x128xf32, #tpu.memory_space<hbm>>) dst(%arg40 : memref<16x128xf32, #tpu.memory_space<vmem>>)
    %dma_wait3A_235 = arith.constant 0 : i32
    %dma_wait3A_236 = arith.constant 0 : i32
    %dma_wait3A_237 = tpu.memref_slice %arg12[%dma_wait3A_235, %dma_wait3A_236] : memref<100000x128xf32, #tpu.memory_space<hbm>> -> memref<100000x128xf32, #tpu.memory_space<hbm>>
    tpu.wait_indirect_dma semaphore(%arg54 : memref<!tpu.dma_semaphore, #tpu.memory_space<semaphore_mem>>) src(%dma_wait3A_237 : memref<100000x128xf32, #tpu.memory_space<hbm>>) dst(%arg41 : memref<16x128xf32, #tpu.memory_space<vmem>>)
    %dma_wait3A_238 = arith.constant 0 : i32
    %dma_wait3A_239 = arith.constant 0 : i32
    %dma_wait3A_240 = tpu.memref_slice %arg9[%dma_wait3A_238, %dma_wait3A_239] : memref<100000x128xf32, #tpu.memory_space<hbm>> -> memref<100000x128xf32, #tpu.memory_space<hbm>>
    tpu.wait_indirect_dma semaphore(%arg54 : memref<!tpu.dma_semaphore, #tpu.memory_space<semaphore_mem>>) src(%dma_wait3A_240 : memref<100000x128xf32, #tpu.memory_space<hbm>>) dst(%arg42 : memref<16x128xf32, #tpu.memory_space<vmem>>)
    %dma_wait3A_241 = arith.constant 0 : i32
    %dma_wait3A_242 = arith.constant 0 : i32
    %dma_wait3A_243 = tpu.memref_slice %arg11[%dma_wait3A_241, %dma_wait3A_242] : memref<100000x128xf32, #tpu.memory_space<hbm>> -> memref<100000x128xf32, #tpu.memory_space<hbm>>
    tpu.wait_indirect_dma semaphore(%arg54 : memref<!tpu.dma_semaphore, #tpu.memory_space<semaphore_mem>>) src(%dma_wait3A_243 : memref<100000x128xf32, #tpu.memory_space<hbm>>) dst(%arg43 : memref<16x128xf32, #tpu.memory_space<vmem>>)
    %dma_wait3A_244 = arith.constant 0 : i32
    %dma_wait3A_245 = arith.constant 0 : i32
    %dma_wait3A_246 = tpu.memref_slice %arg13[%dma_wait3A_244, %dma_wait3A_245] : memref<100000x128xf32, #tpu.memory_space<hbm>> -> memref<100000x128xf32, #tpu.memory_space<hbm>>
    tpu.wait_indirect_dma semaphore(%arg54 : memref<!tpu.dma_semaphore, #tpu.memory_space<semaphore_mem>>) src(%dma_wait3A_246 : memref<100000x128xf32, #tpu.memory_space<hbm>>) dst(%arg44 : memref<16x128xf32, #tpu.memory_space<vmem>>)
    %broadcast_in_dim3A_247 = arith.constant 0 : i32
    %broadcast_in_dim3A_248 = vector.broadcast %broadcast_in_dim3A_247 : i32 to vector<16xi32>
    %gather3A_249 = tpu.vector_load_idx %arg52[%iota3A, %broadcast_in_dim3A_248] : memref<16x2xf32, #tpu.memory_space<vmem>>[vector<16xi32>, vector<16xi32>], vector<16xf32>,
    %broadcast_in_dim3A_250 = arith.constant 1 : i32
    %broadcast_in_dim3A_251 = vector.broadcast %broadcast_in_dim3A_250 : i32 to vector<16xi32>
    %gather3A_252 = tpu.vector_load_idx %arg52[%iota3A, %broadcast_in_dim3A_251] : memref<16x2xf32, #tpu.memory_space<vmem>>[vector<16xi32>, vector<16xi32>], vector<16xf32>,
    %broadcast_in_dim3A_253 = arith.constant 0.000000e+00 : f32
    %broadcast_in_dim3A_254 = vector.broadcast %broadcast_in_dim3A_253 : f32 to vector<16xf32>
    %parallel_loop3A_255 = arith.constant 0 : i32
    %parallel_loop3A_256 = arith.constant 128 : i32
    %parallel_loop3A_257 = arith.constant 1 : i32
    %parallel_loop3A_258 = scf.for %parallel_loop3A_270 = %parallel_loop3A_255 to %parallel_loop3A_256 step %parallel_loop3A_257 iter_args(%parallel_loop3A_271 = %broadcast_in_dim3A_254) -> (vector<16xf32>)  : i32 {
      %parallel_loop3A_272 = vector.broadcast %parallel_loop3A_270 : i32 to vector<16xi32>
      %parallel_loop3A_273 = tpu.vector_load_idx %arg30[%iota3A, %parallel_loop3A_272] : memref<16x128xf32, #tpu.memory_space<vmem>>[vector<16xi32>, vector<16xi32>], vector<16xf32>,
      %parallel_loop3A_274 = tpu.vector_load_idx %arg31[%iota3A, %parallel_loop3A_272] : memref<16x128xf32, #tpu.memory_space<vmem>>[vector<16xi32>, vector<16xi32>], vector<16xf32>,
      %parallel_loop3A_275 = tpu.vector_load_idx %arg32[%iota3A, %parallel_loop3A_272] : memref<16x256xf32, #tpu.memory_space<vmem>>[vector<16xi32>, vector<16xi32>], vector<16xf32>,
      %parallel_loop3A_276 = arith.constant 128 : i32
      %parallel_loop3A_277 = vector.broadcast %parallel_loop3A_276 : i32 to vector<16xi32>
      %parallel_loop3A_278 = arith.addi %parallel_loop3A_272, %parallel_loop3A_277 : vector<16xi32>
      %parallel_loop3A_279 = tpu.vector_load_idx %arg32[%iota3A, %parallel_loop3A_278] : memref<16x256xf32, #tpu.memory_space<vmem>>[vector<16xi32>, vector<16xi32>], vector<16xf32>,
      %parallel_loop3A_280 = tpu.vector_load_idx %arg35[%iota3A, %parallel_loop3A_272] : memref<16x128xf32, #tpu.memory_space<vmem>>[vector<16xi32>, vector<16xi32>], vector<16xf32>,
      %parallel_loop3A_281 = tpu.vector_load_idx %arg33[%iota3A, %parallel_loop3A_272] : memref<16x128xf32, #tpu.memory_space<vmem>>[vector<16xi32>, vector<16xi32>], vector<16xf32>,
      %parallel_loop3A_282 = arith.mulf %parallel_loop3A_281, %gather3A_249 : vector<16xf32>
      %parallel_loop3A_283 = tpu.vector_load_idx %arg34[%iota3A, %parallel_loop3A_272] : memref<16x128xf32, #tpu.memory_space<vmem>>[vector<16xi32>, vector<16xi32>], vector<16xf32>,
      %parallel_loop3A_284 = arith.addf %parallel_loop3A_282, %parallel_loop3A_283 : vector<16xf32>
      %parallel_loop3A_285 = arith.mulf %parallel_loop3A_284, %parallel_loop3A_284 : vector<16xf32>
      %parallel_loop3A_286 = arith.constant 2.75573188E-6 : f32
      %parallel_loop3A_287 = vector.broadcast %parallel_loop3A_286 : f32 to vector<16xf32>
      %parallel_loop3A_288 = arith.mulf %parallel_loop3A_285, %parallel_loop3A_287 : vector<16xf32>
      %parallel_loop3A_289 = arith.constant 1.98412701E-4 : f32
      %parallel_loop3A_290 = vector.broadcast %parallel_loop3A_289 : f32 to vector<16xf32>
      %parallel_loop3A_291 = arith.subf %parallel_loop3A_288, %parallel_loop3A_290 : vector<16xf32>
      %parallel_loop3A_292 = arith.mulf %parallel_loop3A_285, %parallel_loop3A_291 : vector<16xf32>
      %parallel_loop3A_293 = arith.constant 0.00833333377 : f32
      %parallel_loop3A_294 = vector.broadcast %parallel_loop3A_293 : f32 to vector<16xf32>
      %parallel_loop3A_295 = arith.addf %parallel_loop3A_292, %parallel_loop3A_294 : vector<16xf32>
      %parallel_loop3A_296 = arith.mulf %parallel_loop3A_285, %parallel_loop3A_295 : vector<16xf32>
      %parallel_loop3A_297 = arith.constant 0.166666672 : f32
      %parallel_loop3A_298 = vector.broadcast %parallel_loop3A_297 : f32 to vector<16xf32>
      %parallel_loop3A_299 = arith.subf %parallel_loop3A_296, %parallel_loop3A_298 : vector<16xf32>
      %parallel_loop3A_300 = arith.mulf %parallel_loop3A_285, %parallel_loop3A_299 : vector<16xf32>
      %parallel_loop3A_301 = arith.mulf %parallel_loop3A_284, %parallel_loop3A_300 : vector<16xf32>
      %parallel_loop3A_302 = arith.addf %parallel_loop3A_284, %parallel_loop3A_301 : vector<16xf32>
      %parallel_loop3A_303 = arith.mulf %parallel_loop3A_280, %parallel_loop3A_302 : vector<16xf32>
      %parallel_loop3A_304 = tpu.vector_load_idx %arg38[%iota3A, %parallel_loop3A_272] : memref<16x128xf32, #tpu.memory_space<vmem>>[vector<16xi32>, vector<16xi32>], vector<16xf32>,
      %parallel_loop3A_305 = tpu.vector_load_idx %arg36[%iota3A, %parallel_loop3A_272] : memref<16x128xf32, #tpu.memory_space<vmem>>[vector<16xi32>, vector<16xi32>], vector<16xf32>,
      %parallel_loop3A_306 = arith.mulf %parallel_loop3A_305, %gather3A_252 : vector<16xf32>
      %parallel_loop3A_307 = tpu.vector_load_idx %arg37[%iota3A, %parallel_loop3A_272] : memref<16x128xf32, #tpu.memory_space<vmem>>[vector<16xi32>, vector<16xi32>], vector<16xf32>,
      %parallel_loop3A_308 = arith.addf %parallel_loop3A_306, %parallel_loop3A_307 : vector<16xf32>
      %parallel_loop3A_309 = arith.mulf %parallel_loop3A_308, %parallel_loop3A_308 : vector<16xf32>
      %parallel_loop3A_310 = arith.constant 2.75573188E-6 : f32
      %parallel_loop3A_311 = vector.broadcast %parallel_loop3A_310 : f32 to vector<16xf32>
      %parallel_loop3A_312 = arith.mulf %parallel_loop3A_309, %parallel_loop3A_311 : vector<16xf32>
      %parallel_loop3A_313 = arith.constant 1.98412701E-4 : f32
      %parallel_loop3A_314 = vector.broadcast %parallel_loop3A_313 : f32 to vector<16xf32>
      %parallel_loop3A_315 = arith.subf %parallel_loop3A_312, %parallel_loop3A_314 : vector<16xf32>
      %parallel_loop3A_316 = arith.mulf %parallel_loop3A_309, %parallel_loop3A_315 : vector<16xf32>
      %parallel_loop3A_317 = arith.constant 0.00833333377 : f32
      %parallel_loop3A_318 = vector.broadcast %parallel_loop3A_317 : f32 to vector<16xf32>
      %parallel_loop3A_319 = arith.addf %parallel_loop3A_316, %parallel_loop3A_318 : vector<16xf32>
      %parallel_loop3A_320 = arith.mulf %parallel_loop3A_309, %parallel_loop3A_319 : vector<16xf32>
      %parallel_loop3A_321 = arith.constant 0.166666672 : f32
      %parallel_loop3A_322 = vector.broadcast %parallel_loop3A_321 : f32 to vector<16xf32>
      %parallel_loop3A_323 = arith.subf %parallel_loop3A_320, %parallel_loop3A_322 : vector<16xf32>
      %parallel_loop3A_324 = arith.mulf %parallel_loop3A_309, %parallel_loop3A_323 : vector<16xf32>
      %parallel_loop3A_325 = arith.mulf %parallel_loop3A_308, %parallel_loop3A_324 : vector<16xf32>
      %parallel_loop3A_326 = arith.addf %parallel_loop3A_308, %parallel_loop3A_325 : vector<16xf32>
      %parallel_loop3A_327 = arith.mulf %parallel_loop3A_304, %parallel_loop3A_326 : vector<16xf32>
      %parallel_loop3A_328 = arith.addf %parallel_loop3A_303, %parallel_loop3A_327 : vector<16xf32>
      %parallel_loop3A_329 = tpu.vector_load_idx %arg41[%iota3A, %parallel_loop3A_272] : memref<16x128xf32, #tpu.memory_space<vmem>>[vector<16xi32>, vector<16xi32>], vector<16xf32>,
      %parallel_loop3A_330 = tpu.vector_load_idx %arg39[%iota3A, %parallel_loop3A_272] : memref<16x128xf32, #tpu.memory_space<vmem>>[vector<16xi32>, vector<16xi32>], vector<16xf32>,
      %parallel_loop3A_331 = arith.mulf %parallel_loop3A_330, %gather3A_249 : vector<16xf32>
      %parallel_loop3A_332 = tpu.vector_load_idx %arg40[%iota3A, %parallel_loop3A_272] : memref<16x128xf32, #tpu.memory_space<vmem>>[vector<16xi32>, vector<16xi32>], vector<16xf32>,
      %parallel_loop3A_333 = arith.addf %parallel_loop3A_331, %parallel_loop3A_332 : vector<16xf32>
      %parallel_loop3A_334 = arith.mulf %parallel_loop3A_333, %parallel_loop3A_333 : vector<16xf32>
      %parallel_loop3A_335 = arith.constant 2.75573188E-6 : f32
      %parallel_loop3A_336 = vector.broadcast %parallel_loop3A_335 : f32 to vector<16xf32>
      %parallel_loop3A_337 = arith.mulf %parallel_loop3A_334, %parallel_loop3A_336 : vector<16xf32>
      %parallel_loop3A_338 = arith.constant 1.98412701E-4 : f32
      %parallel_loop3A_339 = vector.broadcast %parallel_loop3A_338 : f32 to vector<16xf32>
      %parallel_loop3A_340 = arith.subf %parallel_loop3A_337, %parallel_loop3A_339 : vector<16xf32>
      %parallel_loop3A_341 = arith.mulf %parallel_loop3A_334, %parallel_loop3A_340 : vector<16xf32>
      %parallel_loop3A_342 = arith.constant 0.00833333377 : f32
      %parallel_loop3A_343 = vector.broadcast %parallel_loop3A_342 : f32 to vector<16xf32>
      %parallel_loop3A_344 = arith.addf %parallel_loop3A_341, %parallel_loop3A_343 : vector<16xf32>
      %parallel_loop3A_345 = arith.mulf %parallel_loop3A_334, %parallel_loop3A_344 : vector<16xf32>
      %parallel_loop3A_346 = arith.constant 0.166666672 : f32
      %parallel_loop3A_347 = vector.broadcast %parallel_loop3A_346 : f32 to vector<16xf32>
      %parallel_loop3A_348 = arith.subf %parallel_loop3A_345, %parallel_loop3A_347 : vector<16xf32>
      %parallel_loop3A_349 = arith.mulf %parallel_loop3A_334, %parallel_loop3A_348 : vector<16xf32>
      %parallel_loop3A_350 = arith.mulf %parallel_loop3A_333, %parallel_loop3A_349 : vector<16xf32>
      %parallel_loop3A_351 = arith.addf %parallel_loop3A_333, %parallel_loop3A_350 : vector<16xf32>
      %parallel_loop3A_352 = arith.mulf %parallel_loop3A_329, %parallel_loop3A_351 : vector<16xf32>
      %parallel_loop3A_353 = tpu.vector_load_idx %arg44[%iota3A, %parallel_loop3A_272] : memref<16x128xf32, #tpu.memory_space<vmem>>[vector<16xi32>, vector<16xi32>], vector<16xf32>,
      %parallel_loop3A_354 = tpu.vector_load_idx %arg42[%iota3A, %parallel_loop3A_272] : memref<16x128xf32, #tpu.memory_space<vmem>>[vector<16xi32>, vector<16xi32>], vector<16xf32>,
      %parallel_loop3A_355 = arith.mulf %parallel_loop3A_354, %gather3A_252 : vector<16xf32>
      %parallel_loop3A_356 = tpu.vector_load_idx %arg43[%iota3A, %parallel_loop3A_272] : memref<16x128xf32, #tpu.memory_space<vmem>>[vector<16xi32>, vector<16xi32>], vector<16xf32>,
      %parallel_loop3A_357 = arith.addf %parallel_loop3A_355, %parallel_loop3A_356 : vector<16xf32>
      %parallel_loop3A_358 = arith.mulf %parallel_loop3A_357, %parallel_loop3A_357 : vector<16xf32>
      %parallel_loop3A_359 = arith.constant 2.75573188E-6 : f32
      %parallel_loop3A_360 = vector.broadcast %parallel_loop3A_359 : f32 to vector<16xf32>
      %parallel_loop3A_361 = arith.mulf %parallel_loop3A_358, %parallel_loop3A_360 : vector<16xf32>
      %parallel_loop3A_362 = arith.constant 1.98412701E-4 : f32
      %parallel_loop3A_363 = vector.broadcast %parallel_loop3A_362 : f32 to vector<16xf32>
      %parallel_loop3A_364 = arith.subf %parallel_loop3A_361, %parallel_loop3A_363 : vector<16xf32>
      %parallel_loop3A_365 = arith.mulf %parallel_loop3A_358, %parallel_loop3A_364 : vector<16xf32>
      %parallel_loop3A_366 = arith.constant 0.00833333377 : f32
      %parallel_loop3A_367 = vector.broadcast %parallel_loop3A_366 : f32 to vector<16xf32>
      %parallel_loop3A_368 = arith.addf %parallel_loop3A_365, %parallel_loop3A_367 : vector<16xf32>
      %parallel_loop3A_369 = arith.mulf %parallel_loop3A_358, %parallel_loop3A_368 : vector<16xf32>
      %parallel_loop3A_370 = arith.constant 0.166666672 : f32
      %parallel_loop3A_371 = vector.broadcast %parallel_loop3A_370 : f32 to vector<16xf32>
      %parallel_loop3A_372 = arith.subf %parallel_loop3A_369, %parallel_loop3A_371 : vector<16xf32>
      %parallel_loop3A_373 = arith.mulf %parallel_loop3A_358, %parallel_loop3A_372 : vector<16xf32>
      %parallel_loop3A_374 = arith.mulf %parallel_loop3A_357, %parallel_loop3A_373 : vector<16xf32>
      %parallel_loop3A_375 = arith.addf %parallel_loop3A_357, %parallel_loop3A_374 : vector<16xf32>
      %parallel_loop3A_376 = arith.mulf %parallel_loop3A_353, %parallel_loop3A_375 : vector<16xf32>
      %parallel_loop3A_377 = arith.addf %parallel_loop3A_352, %parallel_loop3A_376 : vector<16xf32>
      %parallel_loop3A_378 = arith.addf %parallel_loop3A_273, %parallel_loop3A_275 : vector<16xf32>
      %parallel_loop3A_379 = arith.subf %parallel_loop3A_378, %parallel_loop3A_274 : vector<16xf32>
      %parallel_loop3A_380 = math.absf %parallel_loop3A_379 : vector<16xf32>
      %parallel_loop3A_381 = arith.addf %parallel_loop3A_271, %parallel_loop3A_380 : vector<16xf32>
      %parallel_loop3A_382 = arith.addf %parallel_loop3A_328, %parallel_loop3A_279 : vector<16xf32>
      %parallel_loop3A_383 = arith.subf %parallel_loop3A_382, %parallel_loop3A_377 : vector<16xf32>
      %parallel_loop3A_384 = math.absf %parallel_loop3A_383 : vector<16xf32>
      %parallel_loop3A_385 = arith.addf %parallel_loop3A_381, %parallel_loop3A_384 : vector<16xf32>
      scf.yield %parallel_loop3A_385 : vector<16xf32>
    } {sc.loop_unroll_factor = 2 : i64, sc.parallel_access}
    %neg3A_259 = arith.constant 0.000000e+00 : f32
    %neg3A_260 = vector.broadcast %neg3A_259 : f32 to vector<16xf32>
    %neg3A_261 = arith.subf %neg3A_260, %parallel_loop3A_258 : vector<16xf32>
    %swap3A_262 = arith.constant 0 : index
    %swap3A_263 = tpu.vector_load %arg53[%swap3A_262] {strides = array<i32>} : memref<16xf32, #tpu.memory_space<vmem>>, vector<16xf32>,
    tpu.vector_store %arg53[%swap3A_262], %neg3A_261 {strides = array<i32>} : memref<16xf32, #tpu.memory_space<vmem>>, vector<16xf32>,
    %add3A_264 = arith.constant 496 : i32
    %add3A_265 = arith.addi %mul3A_2, %add3A_264 : i32
    %dma_start3A_266 = tpu.memref_slice %arg14[%add3A_265] : memref<16384xf32, #tpu.memory_space<hbm>> -> memref<16xf32, #tpu.memory_space<hbm>>
    %dma_start3A_267 = tpu.memref_slice %arg14[%add3A_265] : memref<16384xf32, #tpu.memory_space<hbm>> -> memref<16xf32, #tpu.memory_space<hbm>>
    tpu.enqueue_dma source(%arg53 : memref<16xf32, #tpu.memory_space<vmem>>) target(%dma_start3A_267 : memref<16xf32, #tpu.memory_space<hbm>>) target_semaphore(%arg55 : memref<!tpu.dma_semaphore, #tpu.memory_space<semaphore_mem>>)
    %dma_wait3A_268 = tpu.memref_slice %arg14[%add3A_265] : memref<16384xf32, #tpu.memory_space<hbm>> -> memref<16xf32, #tpu.memory_space<hbm>>
    %dma_wait3A_269 = tpu.memref_slice %arg14[%add3A_265] : memref<16384xf32, #tpu.memory_space<hbm>> -> memref<16xf32, #tpu.memory_space<hbm>>
    tpu.wait_dma2 semaphore(%arg55 : memref<!tpu.dma_semaphore, #tpu.memory_space<semaphore_mem>>) src(%arg53 : memref<16xf32, #tpu.memory_space<vmem>>) dst(%dma_wait3A_269 : memref<16xf32, #tpu.memory_space<hbm>>)
    return
  }
}

</mosaic_0001>

<sc_bundles>
// kernel: kernel.3.cloned.1.call-start
scs
__scs_entry_jumppad:
0x0: {  	(pc) =	sbr.rel $0x88, $3  }
0x1: {  	(tag) =	ssettag $0x0;
	lr =	simm.s32 $0x1  }
0x2: {  	[smem:$0x3F95] =	sst lr;
	_ =	strace $0xD0000000  }
0x3: {  	_ = 	snop  }
0x4: {  	_ = 	snop  }
0x5: {  	_ = 	snop  }
0x6: {  	_ = 	snop  }
0x7: {  	_ = 	snop  }
__scs_overlays_trampoline_lowered:
0x8: {  	[smem:$0x3FA4] =	sst s0  }
0x9: {  	[smem:$0x3FA5] =	sst s1  }
0xa: {  	[smem:$0x3FA6] =	sst s2  }
0xb: {  	[smem:$0x3FA7] =	sst s3  }
0xc: {  	[smem:$0x3FA8] =	sst s4  }
0xd: {  	[smem:$0x3FA9] =	sst s5  }
0xe: {  	[smem:$0x3FAA] =	sst s6  }
0xf: {  	[smem:$0x3FAB] =	sst s7  }
0x10: {  	[smem:$0x3FAC] =	sst s8  }
0x11: {  	[smem:$0x3FAD] =	sst s9;
	s0 =	simm.s32 @!p0 $0x0  }
0x12: {  	s1 =	sld [smem:$0x3F93];
	s0 =	simm.s32 @p0 $0x1  }
0x13: {  	[smem:$0x3FAE] =	sst s0;
	s0 =	simm.s32 @!p1 $0x0  }
0x14: {  	s2 =	sld [smem:$0x3F92];
	s0 =	simm.s32 @p1 $0x1  }
0x15: {  	[smem:$0x3FAF] =	sst s0;
	s0 =	simm.s32 @!p2 $0x0  }
0x16: {  	s3 =	sld [smem:$0x3FDB];
	s0 =	simm.s32 @p2 $0x1  }
0x17: {  	s4 =	simm.s32 $0x1BF5;
	[smem:$0x3FB1] =	sst s0  }
0x18: {  	s0 =	sld [smem:$0x3F94];
	_ =	swait.ge [sflag:s4], $0x0  }
0x19: {  	s7 =	sld [smem:$0x3F95]  }
0x1a: {  	s8 =	sadd.s32 $0xFFFFE003, lr  }
0x1b: {  	s9 =	sadd.s32 $0xFFFFFEF7, lr;
	s5 =	simm.s32 $0xFFFFFFFF;
	p2 =	slt.u32 s8, $0xFFFFF086  }
0x1c: {  	p1 =	slt.u32 s9, $0xF7A;
	s5 =	simm.s32 @!p2 $0x0  }
0x1d: {  	s5 =	simm.s32 @p1 $0x1;
	p0 =	seq.s32 s7, s2  }
0x1e: {  	s7 =	smul.u32 @!p0 $0xF7A, s2;
	p2 =	seq.s32 @!p0 s5, $0x0  }
0x1f: {  	s9 =	smul.u32 $0xF7A, s1;
	s8 =	simm.s32 @!p0 $0x1BF5;
	p2 =	por !p2, p0  }
0x20: {  	[sflag:s8] =	ssyncset.s32 @!p0 $0xFFFFF086;
	s6 =	sadd.s32 @!p0 s3, s7;
	s7 =	simm.s32 @!p0 $0x108  }
0x21: {  	s3 =	sadd.s32 s3, s9;
	s6 =	sadd.s32 @!p0 $0x88, s6;
	s7 =	simm.s32 @p2 $0x1082  }
0x22: {  	[simem:s7], [sflag:s8] =	dma.local @!p0 [hbm:s6], $0xF7A  }
0x23: {  	s9 =	sor.u32 $0xD0000000, s2;
	s6 =	simm.s32 $0x108;
	_ =	swait.ge @!p0 [sflag:s8], $0x0  }
0x24: {  	s3 =	sadd.s32 $0x88, s3;
	s6 =	simm.s32 @!p1 $0x1082;
	[sflag:s4] =	ssyncset.s32 $0xFFFFF086  }
0x25: {  	[simem:s6], [sflag:s4] =	dma.local [hbm:s3], $0xF7A  }
0x26: {  	[smem:$0x3F95] =	sst s1;
	(tag) =	ssettag s2;
	_ =	strace s9  }
0x27: {  	s1 =	sld [smem:$0x3FA5]  }
0x28: {  	s2 =	sld [smem:$0x3FA6]  }
0x29: {  	s4 =	sld [smem:$0x3FA8]  }
0x2a: {  	p0 =	seq.s32 s5, $0x0;
	s5 =	sld [smem:$0x3FA9]  }
0x2b: {  	s6 =	sld [smem:$0x3FAA]  }
0x2c: {  	s7 =	sld [smem:$0x3FAB]  }
0x2d: {  	s3 =	simm.s32 $0x108;
	s8 =	sld [smem:$0x3FAC]  }
0x2e: {  	s3 =	simm.s32 @!p0 $0x1082;
	s9 =	sld [smem:$0x3FAD]  }
0x2f: {  	lr =	sadd.s32 s0, s3;
	s0 =	sld [smem:$0x3FA4]  }
0x30: {  	s3 =	sld [smem:$0x3FA7]  }
0x31: {  	[smem:$0x3FB0] =	sst s10  }
0x32: {  	s10 =	sld [smem:$0x3FAE];
	_ =	sdelay $0x3  }
0x33: {  	p0 =	seq.s32 s10, $0x1;
	s10 =	sld [smem:$0x3FB0];
	_ =	sdelay $0x3  }
0x34: {  	[smem:$0x3FB0] =	sst s10  }
0x35: {  	s10 =	sld [smem:$0x3FAF];
	_ =	sdelay $0x3  }
0x36: {  	p1 =	seq.s32 s10, $0x1;
	s10 =	sld [smem:$0x3FB0];
	_ =	sdelay $0x3  }
0x37: {  	[smem:$0x3FB0] =	sst s10  }
0x38: {  	s10 =	sld [smem:$0x3FB1]  }
0x39: {  	_ = 	snop;
	(pc) =	sbr.ind lr, $3  }
0x3a: {  	_ = 	snop  }
0x3b: {  	_ = 	snop  }
0x3c: {  	p2 =	seq.s32 s10, $0x1;
	s10 =	sld [smem:$0x3FB0]  }
0x3d: {  	_ =	shalt  }
0x3e: {  	_ =	shalt  }
0x3f: {  	_ =	shalt  }
0x40: {  	_ =	shalt  }
0x41: {  	_ =	shalt  }
0x42: {  	_ =	shalt  }
0x43: {  	_ =	shalt  }
0x44: {  	_ =	shalt  }
0x45: {  	_ =	shalt  }
0x46: {  	_ =	shalt  }
0x47: {  	_ =	shalt  }
0x48: {  	_ =	shalt  }
0x49: {  	_ =	shalt  }
0x4a: {  	_ =	shalt  }
0x4b: {  	_ =	shalt  }
0x4c: {  	_ =	shalt  }
0x4d: {  	_ =	shalt  }
0x4e: {  	_ =	shalt  }
0x4f: {  	_ =	shalt  }
0x50: {  	_ =	shalt  }
0x51: {  	_ =	shalt  }
0x52: {  	_ =	shalt  }
0x53: {  	_ =	shalt  }
0x54: {  	_ =	shalt  }
0x55: {  	_ =	shalt  }
0x56: {  	_ =	shalt  }
0x57: {  	_ =	shalt  }
0x58: {  	_ =	shalt  }
0x59: {  	_ =	shalt  }
0x5a: {  	_ =	shalt  }
0x5b: {  	_ =	shalt  }
0x5c: {  	_ =	shalt  }
0x5d: {  	_ =	shalt  }
0x5e: {  	_ =	shalt  }
0x5f: {  	_ =	shalt  }
0x60: {  	_ =	shalt  }
0x61: {  	_ =	shalt  }
0x62: {  	_ =	shalt  }
0x63: {  	_ =	shalt  }
0x64: {  	_ =	shalt  }
0x65: {  	_ =	shalt  }
0x66: {  	_ =	shalt  }
0x67: {  	_ =	shalt  }
0x68: {  	_ =	shalt  }
0x69: {  	_ =	shalt  }
0x6a: {  	_ =	shalt  }
0x6b: {  	_ =	shalt  }
0x6c: {  	_ =	shalt  }
0x6d: {  	_ =	shalt  }
0x6e: {  	_ =	shalt  }
0x6f: {  	_ =	shalt  }
0x70: {  	_ =	shalt  }
0x71: {  	_ =	shalt  }
0x72: {  	_ =	shalt  }
0x73: {  	_ =	shalt  }
0x74: {  	_ =	shalt  }
0x75: {  	_ =	shalt  }
0x76: {  	_ =	shalt  }
0x77: {  	_ =	shalt  }
0x78: {  	_ =	shalt  }
0x79: {  	_ =	shalt  }
0x7a: {  	_ =	shalt  }
0x7b: {  	_ =	shalt  }
0x7c: {  	_ =	shalt  }
0x7d: {  	_ =	shalt  }
0x7e: {  	_ =	shalt  }
0x7f: {  	_ =	shalt  }
0x80: {  	_ =	shalt  }
0x81: {  	_ =	shalt  }
0x82: {  	_ =	shalt  }
0x83: {  	_ =	shalt  }
0x84: {  	_ =	shalt  }
0x85: {  	_ =	shalt  }
0x86: {  	_ =	shalt  }
0x87: {  	_ =	shalt  }
.Lfunc_end0:
.L_simem_size_0:
called_computation_lowered:
.L_overlay_start_0:
0x88: {  	s2 =	sld [smem:$0x3FD9]  }
0x89: {  	s3 =	sld [smem:$0x3FFE];
	_ =	sdelay $0x1  }
0x8a: {  	s1 =	srdreg.scid  }
0x8b: {  	s0 =	sand.u32 $0x1, s1  }
0x8c: {  	s30 =	sshll.u32 s0, $0xA;
	s2 =	sadd.s32 s3, s2  }
0x8d: {  	s2 =	sadd.s32 s2, s30  }
0x8e: {  	[smem:$0x3FBC] =	sst s2  }
0x8f: {  	_ = 	snop  }
0x90: {  	s2 =	sld [smem:$0x3FC9]  }
0x91: {  	s31 =	sld [smem:$0x3FC8]  }
0x92: {  	s4 =	sld [smem:$0x3FC7]  }
0x93: {  	s5 =	sld [smem:$0x3FC5]  }
0x94: {  	s6 =	sld [smem:$0x3FC4]  }
0x95: {  	s7 =	sld [smem:$0x3FC3]  }
0x96: {  	s8 =	sld [smem:$0x3FC2]  }
0x97: {  	s9 =	sld [smem:$0x3FC1]  }
0x98: {  	s10 =	sld [smem:$0x3FC0]  }
0x99: {  	s11 =	sld [smem:$0x3FBF]  }
0x9a: {  	s12 =	sld [smem:$0x3FBE]  }
0x9b: {  	s13 =	sld [smem:$0x3FD0];
	(tm) =	ssettm $0x1  }
0x9c: {  	s14 =	sld [smem:$0x3FFB];
	_ =	sdelay $0x3  }
0x9d: {  	_ =	strace s14  }
0x9e: {  	s14 =	sld [smem:$0x3FFC];
	_ =	sdelay $0x3  }
0x9f: {  	_ =	strace s14  }
0xa0: {  	s14 =	sld [smem:$0x3FFD];
	_ =	sdelay $0x3  }
0xa1: {  	_ =	strace s14  }
0xa2: {  	_ =	strace $0x8FFFFFFF  }
0xa3: {  	s19 =	sld [smem:$0x3FDB];
	_ =	sdelay $0x1  }
0xa4: {  	s15 =	simm.s32 $_scs_section_size  }
0xa5: {  	s16 =	simm.s32 $_size__tile_overlayer_lowered;
	s17 =	simm.s32 $_tile_overlayer_lowered  }
0xa6: {  	s22 =	simm.s32 $0x1BFF;
	s21 =	sshll.u32 s17, $0x1;
	s14 =	sadd.s32 s15, s19  }
0xa7: {  	s18 =	simm.s32 $0x0;
	s20 =	sshll.u32 s16, $0x1;
	s16 =	sadd.s32 s21, s14  }
0xa8: {  	[timem:s18], [sflag:s22] =	dma.local [hbm:s16], s20  }
0xa9: {  	_ =	swait.ge [sflag:s22], s20  }
0xaa: {  	s15 =	ssub.s32 $0x0, s20;
	[sflag:s22] =	ssyncset.done $0x0  }
0xab: {  	[sflag:s22] =	ssyncadd.s32 s15;
	_ =	sdelay $0x1  }
0xac: {  	s23 =	simm.s32 $0x1B8B  }
0xad: {  	_ =	swait.ge [sflag:s23], $0x1  }
0xae: {  	[sflag:s23] =	ssyncset.done $0x0  }
0xaf: {  	s25 =	simm.s32 $0x1B8E;
	s24 =	sld [smem:$0x3FFE];
	[sflag:s23] =	ssyncadd.s32 $0xFFFFFFFF  }
0xb0: {  	s26 =	simm.s32 $execute0_lowered;
	[smem:$0x3FD2] =	sst s25  }
0xb1: {  	s16 =	sshll.u32 s26, $0x1;
	_ =	strace $0x80000046;
	[dreg:$0x1] =	wrdreg $0xFFFFFFFF  }
0xb2: {  	s28 =	simm.s32 $_size_execute0_lowered;
	s14 =	sadd.s32 s14, s16;
	[dreg:$0x0] =	wrdreg $0x0  }
0xb3: {  	s16 =	sshll.u32 s28, $0x1;
	[dreg:$0x2] =	wrdreg s14  }
0xb4: {  	[dreg:$0x3] =	wrdreg s16  }
0xb5: {  	[dreg:$0x4] =	wrdreg $0xC0  }
0xb6: {  	_ =	task [dreg:s18], $0x5FFFF  }
0xb7: {  	[dreg:$0x1] =	wrdreg $0xFFFFFFFF  }
0xb8: {  	[dreg:$0x0] =	wrdreg $0x60  }
0xb9: {  	[dreg:$0x2] =	wrdreg s2  }
0xba: {  	[dreg:$0x3] =	wrdreg s31  }
0xbb: {  	[dreg:$0x4] =	wrdreg s4  }
0xbc: {  	[dreg:$0x5] =	wrdreg s24  }
0xbd: {  	[dreg:$0x6] =	wrdreg s5  }
0xbe: {  	[dreg:$0x7] =	wrdreg s6  }
0xbf: {  	[dreg:$0x8] =	wrdreg s7  }
0xc0: {  	[dreg:$0x9] =	wrdreg s8  }
0xc1: {  	[dreg:$0xa] =	wrdreg s9  }
0xc2: {  	[dreg:$0xb] =	wrdreg s10  }
0xc3: {  	[dreg:$0xc] =	wrdreg s11  }
0xc4: {  	[dreg:$0xd] =	wrdreg s12  }
0xc5: {  	[dreg:$0xe] =	wrdreg s13  }
0xc6: {  	[dreg:$0xf] =	wrdreg $0x9  }
0xc7: {  	_ =	task.clear_ibuf [dreg:s18], $0x10FFFF;
	_ =	strace $0x90000046  }
0xc8: {  	s29 =	simm.s32 $0x9;
	_ =	strace $0x80000048  }
0xc9: {  	_ =	swait.ge [sflag:s29], $0x1  }
0xca: {  	[sflag:s29] =	ssyncadd.s32 $0xFFFFFFFF  }
0xcb: {  	_ =	strace $0x90000048  }
0xcc: {  	_ =	sfence  }
0xcd: {  	s30 =	sld [smem:$0x0];
	_ =	sdelay $0x2  }
0xce: {  	s31 =	sshll.u32 s1, $0xD;
	s1 =	sshrl.u32 s1, $0x2  }
0xcf: {  	s3 =	sand.u32 $0x4000, s31;
	s1 =	sadd.s32 s1, s30  }
0xd0: {  	s0 =	sor.u32 s3, s0;
	s1 =	sshll.u32 s1, $0x11  }
0xd1: {  	s0 =	sor.u32 s1, s0  }
0xd2: {  	s0 =	sadd.s32 $0x8F2B, s0  }
0xd3: {  	[sflag:s0] =	ssyncadd.remote.s32 $0x1  }
0xd4: {  	_ =	sfence.sel $0xFFFF  }
0xd5: {  	[dreg:$0x0] =	wrdreg $0xFFFFFFFF;
	(pc) =	sbr.abs _section_cstart, $3  }
0xd6: {  	[dreg:$0x1] =	wrdreg $0xFFFFFFFF  }
0xd7: {  	_ =	task.clear_ibuf [dreg:s18], $0x2FFFF;
	_ =	strace $0x9FFFFFFF  }
0xd8: {  	(tm) =	ssettm $0x7FFFFFFF  }
0xd9: {  	_ =	shalt  }
tec
execute0_lowered:
.L_overlay_start_1:
0x0: {  	(tag) =	ssettag $0x1  }
0x1: {  	s4 =	rddreg [dreg:$0x0]  }
0x2: {  	s5 =	rddreg [dreg:$0x1]  }
0x3: {  	s6 =	rddreg [dreg:$0x2]  }
0x4: {  	s0 =	rddreg [dreg:$0x3]  }
0x5: {  	s7 =	rddreg [dreg:$0xc];
	s1 =	srdreg.scid  }
0x6: {  	s2 =	stileid.u32;
	s15 =	simm.s32 $0x0;
	s16 =	simm.s32 $0x4000  }
0x7: {  	s13 =	simm.s32 $0x7000;
	s12 =	simm.s32 $0xC800;
	s30 =	simm.s32 $0xD000  }
0x8: {  	s29 =	simm.s32 $0xE000;
	s31 =	simm.s32 $0xF800;
	s1 =	sand.u32 $0x1, s1  }
0x9: {  	v3 =	vlaneseq.u32;
	s2 =	sshll.u32 s2, $0xA;
	[smem:$0x7FF] =	sst s15;
	s9 =	sadd.s32 $0x400, s0  }
0xa: {  	vm0 =	vmmov $0xffff;
	v4 =	vimm.s32 $0xB80;
	vm1 =	vcmask $0x300;
	s3 =	sshll.u32 s1, $0x9;
	s1 =	ssub.s32 $0x2, s1;
	_ =	strace $0x80000047  }
0xb: {  	v5 =	vimm.s32 $0xF80;
	vm2 =	vcmask $0x704;
	v1 =	vshrl.u32 v3, $0x3;
	[dreg:$0xf] =	wrdreg s9;
	s8 =	sor.u32 s3, s2;
	s17 =	sshrl.u32 s1, $0x1  }
0xc: {  	v0 =	vand.u32 $0x7, v3;
	v2 =	vor.u32 $0x8, v3;
	v3 =	vmul.u32 $0x80, v3;
	s3 =	sshrl.u32 s8, $0x3;
	s18 =	ssub.s32 s1, s17;
	s21 =	sshll.u32 s8, $0x4  }
0xd: {  	v4 =	vsel vm1, $0x0, v4;
	v5 =	vsel vm1, $0x400, v5;
	vm1 =	vcmask $0xB08;
	s22 =	sor.u32 $0x1F0, s8;
	[dreg:$0xe] =	wrdreg s8;
	s28 =	sor.u32 $0x20, s8  }
0xe: {  	v1 =	vmul.u32 $0x8, v1;
	v4 =	vsel vm2, $0x80, v4;
	v5 =	vsel vm2, $0x480, v5;
	s8 =	simm.s32 $0xB000;
	s17 =	simm.s32 $0xE800;
	s19 =	sadd.s32 s4, s3  }
0xf: {  	vm2 =	vcmask $0xF0C;
	v4 =	vsel vm1, $0x100, v4;
	v5 =	vsel vm1, $0x500, v5;
	s20 =	sadd.s32 s5, s3;
	s10 =	sadd.s32 s6, s3;
	[dreg:$0x1b] =	wrdreg s28  }
0x10: {  	vm1 =	vcmask $0x1310;
	v4 =	vsel vm2, $0x180, v4;
	v5 =	vsel vm2, $0x580, v5;
	s1 =	sadd.s32 s9, s21;
	s23 =	sshrl.u32 s22, $0x3;
	[dreg:$0x10] =	wrdreg s19  }
0x11: {  	vm2 =	vcmask $0x1714;
	s2 =	sshll.u32 s22, $0x4;
	s3 =	sadd.s32 s3, s7;
	v4 =	vsel vm1, $0x200, v4;
	v5 =	vsel vm1, $0x600, v5;
	[dreg:$0x11] =	wrdreg s20  }
0x12: {  	s0 =	smax.u32 s18, $0x1;
	vm1 =	vcmask $0x1B18;
	s21 =	simm.s32 $0x5000;
	[dreg:$0x12] =	wrdreg s10;
	v4 =	vsel vm2, $0x280, v4;
	v5 =	vsel vm2, $0x680, v5  }
0x13: {  	s18 =	simm.s32 $0xF000;
	[dreg:$0x13] =	wrdreg s1;
	s4 =	sadd.s32 s4, s23;
	vm2 =	vcmask $0x1F1C;
	v4 =	vsel vm1, $0x300, v4;
	v5 =	vsel vm1, $0x700, v5  }
0x14: {  	s2 =	sadd.s32 s9, s2;
	s24 =	sadd.s32 $0x3C, s3;
	[dreg:$0x1a] =	wrdreg s0;
	vm1 =	vcmask $0x2320;
	v4 =	vsel vm2, $0x380, v4;
	v5 =	vsel vm2, $0x780, v5  }
0x15: {  	s25 =	sadd.s32 s5, s23;
	s26 =	sadd.s32 s6, s23;
	[dreg:$0x14] =	wrdreg s4;
	vm2 =	vcmask $0x2724;
	v4 =	vsel vm1, $0x800, v4;
	v5 =	vsel vm1, $0xC00, v5  }
0x16: {  	s1 =	sadd.s32 s7, s23;
	s20 =	simm.s32 $0x1000;
	[dreg:$0x15] =	wrdreg s2;
	vm1 =	vcmask $0x2B28;
	v4 =	vsel vm2, $0x880, v4;
	v5 =	vsel vm2, $0xC80, v5  }
0x17: {  	s23 =	simm.s32 $0x2000;
	s0 =	simm.s32 $0x5800;
	[dreg:$0x16] =	wrdreg s24;
	vm2 =	vcmask $0x2F2C;
	v4 =	vsel vm1, $0x900, v4;
	v5 =	vsel vm1, $0xD00, v5  }
0x18: {  	s5 =	simm.s32 $0xA000;
	s6 =	simm.s32 $0xA800;
	[dreg:$0x17] =	wrdreg s25;
	vm1 =	vcmask $0x3330;
	v4 =	vsel vm2, $0x980, v4;
	v5 =	vsel vm2, $0xD80, v5  }
0x19: {  	s9 =	simm.s32 $0xB800;
	s10 =	simm.s32 $0xC000;
	[dreg:$0x18] =	wrdreg s26;
	vm2 =	vcmask $0x3734;
	v4 =	vsel vm1, $0xA00, v4;
	v5 =	vsel vm1, $0xE00, v5  }
0x1a: {  	s7 =	simm.s32 $0xD800;
	[dreg:$0x19] =	wrdreg s1;
	s26 =	simm.s32 $0x3800;
	vm1 =	vcmask $0x3B38;
	v6 =	vsel vm2, $0xA80, v4;
	v7 =	vsel vm2, $0xE80, v5  }
0x1b: {  	s2 =	simm.s32 $0x6800;
	s4 =	simm.s32 $0x9000;
	s1 =	simm.s32 $0x0;
	v4 =	vor.u32 $0x1, v3;
	v5 =	vsel vm1, $0xB00, v6;
	v6 =	vsel vm1, $0xF00, v7  }
.LBB2_1:
0x1c: {  	[dreg:$0x1c] =	wrdreg s1  }
0x1d: {  	s14 =	rddreg [dreg:$0x10];
	s22 =	simm.s32 $0x2;
	s19 =	simm.s32 $0x10000  }
0x1e: {  	[tilespmem:s19], [sflag:$0x2] =	stream.linear.gather [hbm4b:s14+s15], $0x10, $0x38;
	[tilespmem:$0x11380] =	vst v63  }
0x1f: {  	_ =	swait.ge [sflag:s22], $0x10  }
0x20: {  	[sflag:s22] =	ssyncset.done $0x0  }
0x21: {  	s24 =	simm.s32 $0x10080;
	s11 =	rddreg [dreg:$0x11];
	[sflag:s22] =	ssyncadd.s32 $0xFFFFFFF0  }
0x22: {  	[tilespmem:s24], [sflag:$0x2] =	stream.linear.gather [hbm4b:s11+s15], $0x10, $0x38;
	[tilespmem:$0x11380] =	vst v63  }
0x23: {  	_ =	swait.ge [sflag:s22], $0x10  }
0x24: {  	s1 =	simm.s32 $0x0;
	[sflag:s22] =	ssyncset.done $0x0  }
0x25: {  	s28 =	simm.s32 $0x10100;
	s25 =	rddreg [dreg:$0x12];
	[sflag:s22] =	ssyncadd.s32 $0xFFFFFFF0  }
0x26: {  	[tilespmem:s28], [sflag:$0x2] =	stream.linear.gather [hbm4b:s25+s1], $0x10, $0x38;
	[tilespmem:$0x11380] =	vst v63  }
0x27: {  	_ =	swait.ge [sflag:s22], $0x10  }
0x28: {  	[sflag:s22] =	ssyncset.done $0x0  }
0x29: {  	s11 =	simm.s32 $0x10180;
	s3 =	rddreg [dreg:$0x13];
	[sflag:s22] =	ssyncadd.s32 $0xFFFFFFF0  }
0x2a: {  	[tilespmem:s11], [sflag:$0x2] =	stream.linear.gather [hbm4b:s3+s1], $0x800, $0x38;
	[tilespmem:$0x11380] =	vst v63  }
0x2b: {  	_ =	swait.ge [sflag:s22], $0x800  }
0x2c: {  	[sflag:s22] =	ssyncset.done $0x0  }
0x2d: {  	[sflag:s22] =	ssyncadd.s32 $0xFFFFF800  }
0x2e: {  	s25 =	simm.s32 $0x10;
	s22 =	rddreg [dreg:$0x4]  }
0x2f: {  	[tilespmem:s1], [sflag:$0x1] =	stream.indirect.gather [hbm4b:s22+s25], $0x80, s19, s25, $0xb8;
	[tilespmem:$0x11380] =	vst v63  }
0x30: {  	s28 =	simm.s32 $0x800  }
0x31: {  	[tilespmem:s28], [sflag:$0x1] =	stream.indirect.gather [hbm4b:s22+s25], $0x80, s24, s25, $0xb8;
	[tilespmem:$0x11380] =	vst v63  }
0x32: {  	v7 =	vld [tilespmem:$0x10100];
	_ =	sdelay $0x4  }
0x33: {  	v8 =	vshll.u32 v7, $0x1  }
0x34: {  	v7 =	vand.u32 $0x7, v7;
	v8 =	vand.u32 $0xFFFFFFF0, v8  }
0x35: {  	v7 =	vor.u32 v7, v8  }
0x36: {  	v8 =	vperm.xlane v7, v0;
	_ =	sdelay $0x1  }
0x37: {  	v7 =	vperm.xlane v7, v2;
	v8 =	vadd.s32 v1, v8;
	_ =	sdelay $0x1  }
0x38: {  	v7 =	vadd.s32 v1, v7;
	_ =	sdelay $0x1  }
0x39: {  	s3 =	rddreg [dreg:$0x5]  }
0x3a: {  	[tilespmem:s20], [sflag:$0x1] =	stream.indirect_vreg.gather [hbm4b:s3+s1], $0x80, v8, vm0, $0xb8;
	[tilespmem:$0x11380] =	vst v63  }
0x3b: {  	s11 =	simm.s32 $0x1800  }
0x3c: {  	[tilespmem:s11], [sflag:$0x1] =	stream.indirect_vreg.gather [hbm4b:s3+s1], $0x80, v7, vm0, $0xb8;
	[tilespmem:$0x11380] =	vst v63  }
0x3d: {  	s11 =	rddreg [dreg:$0x6]  }
0x3e: {  	[tilespmem:s23], [sflag:$0x1] =	stream.indirect.gather [hbm4b:s11+s25], $0x80, s19, s25, $0xb8;
	[tilespmem:$0x11380] =	vst v63  }
0x3f: {  	s15 =	simm.s32 $0x2800;
	s24 =	rddreg [dreg:$0x8]  }
0x40: {  	[tilespmem:s15], [sflag:$0x1] =	stream.indirect.gather [hbm4b:s24+s25], $0x80, s19, s25, $0xb8;
	[tilespmem:$0x11380] =	vst v63  }
0x41: {  	s28 =	simm.s32 $0x3000;
	s3 =	rddreg [dreg:$0xa]  }
0x42: {  	[tilespmem:s28], [sflag:$0x1] =	stream.indirect.gather [hbm4b:s3+s25], $0x80, s19, s25, $0xb8;
	[tilespmem:$0x11380] =	vst v63  }
0x43: {  	s15 =	rddreg [dreg:$0x7]  }
0x44: {  	[tilespmem:s26], [sflag:$0x1] =	stream.indirect.gather [hbm4b:s15+s25], $0x80, s19, s25, $0xb8;
	[tilespmem:$0x11380] =	vst v63  }
0x45: {  	s1 =	rddreg [dreg:$0x9]  }
0x46: {  	[tilespmem:s16], [sflag:$0x1] =	stream.indirect.gather [hbm4b:s1+s25], $0x80, s19, s25, $0xb8;
	[tilespmem:$0x11380] =	vst v63  }
0x47: {  	s14 =	rddreg [dreg:$0xb];
	s28 =	simm.s32 $0x4800  }
0x48: {  	[tilespmem:s28], [sflag:$0x1] =	stream.indirect.gather [hbm4b:s14+s25], $0x80, s19, s25, $0xb8;
	[tilespmem:$0x11380] =	vst v63  }
0x49: {  	s16 =	smov.u32 s1;
	s1 =	simm.s32 $0x10080  }
0x4a: {  	[tilespmem:s21], [sflag:$0x1] =	stream.indirect.gather [hbm4b:s11+s25], $0x80, s1, s25, $0xb8;
	[tilespmem:$0x11380] =	vst v63  }
0x4b: {  	_ = 	snop  }
0x4c: {  	[tilespmem:s0], [sflag:$0x1] =	stream.indirect.gather [hbm4b:s24+s25], $0x80, s1, s25, $0xb8;
	[tilespmem:$0x11380] =	vst v63  }
0x4d: {  	s28 =	simm.s32 $0x6000  }
0x4e: {  	[tilespmem:s28], [sflag:$0x1] =	stream.indirect.gather [hbm4b:s3+s25], $0x80, s1, s25, $0xb8;
	[tilespmem:$0x11380] =	vst v63  }
0x4f: {  	s22 =	simm.s32 $0x0;
	s19 =	simm.s32 $0x2  }
0x50: {  	[tilespmem:s2], [sflag:$0x1] =	stream.indirect.gather [hbm4b:s15+s25], $0x80, s1, s25, $0xb8;
	[tilespmem:$0x11380] =	vst v63  }
0x51: {  	s11 =	simm.s32 $0x0;
	s24 =	simm.s32 $0x10;
	s28 =	simm.s32 $0x7800  }
0x52: {  	[tilespmem:s13], [sflag:$0x1] =	stream.indirect.gather [hbm4b:s16+s25], $0x80, s1, s25, $0xb8;
	[tilespmem:$0x11380] =	vst v63  }
0x53: {  	s25 =	simm.s32 $0x10080;
	s1 =	simm.s32 $0x8800;
	s16 =	simm.s32 $0x8000  }
0x54: {  	[tilespmem:s28], [sflag:$0x1] =	stream.indirect.gather [hbm4b:s14+s24], $0x80, s25, s24, $0xb8;
	[tilespmem:$0x11380] =	vst v63  }
.LBB2_2:
0x55: {  	s3 =	simm.s32 $0x1  }
0x56: {  	_ =	swait.ge [sflag:s3], $0x800  }
0x57: {  	[sflag:s3] =	ssyncset.done $0x0  }
0x58: {  	[sflag:s3] =	ssyncadd.s32 $0xFFFFF800  }
0x59: {  	_ =	swait.ge [sflag:s3], $0x800  }
0x5a: {  	[sflag:s3] =	ssyncset.done $0x0  }
0x5b: {  	[sflag:s3] =	ssyncadd.s32 $0xFFFFF800  }
0x5c: {  	_ =	swait.ge [sflag:s3], $0x1000  }
0x5d: {  	[sflag:s3] =	ssyncset.done $0x0  }
0x5e: {  	[sflag:s3] =	ssyncadd.s32 $0xFFFFF000  }
0x5f: {  	_ =	swait.ge [sflag:s3], $0x800  }
0x60: {  	[sflag:s3] =	ssyncset.done $0x0  }
0x61: {  	[sflag:s3] =	ssyncadd.s32 $0xFFFFF800  }
0x62: {  	_ =	swait.ge [sflag:s3], $0x800  }
0x63: {  	[sflag:s3] =	ssyncset.done $0x0  }
0x64: {  	[sflag:s3] =	ssyncadd.s32 $0xFFFFF800  }
0x65: {  	_ =	swait.ge [sflag:s3], $0x800  }
0x66: {  	[sflag:s3] =	ssyncset.done $0x0  }
0x67: {  	[sflag:s3] =	ssyncadd.s32 $0xFFFFF800  }
0x68: {  	_ =	swait.ge [sflag:s3], $0x800  }
0x69: {  	[sflag:s3] =	ssyncset.done $0x0  }
0x6a: {  	[sflag:s3] =	ssyncadd.s32 $0xFFFFF800  }
0x6b: {  	_ =	swait.ge [sflag:s3], $0x800  }
0x6c: {  	[sflag:s3] =	ssyncset.done $0x0  }
0x6d: {  	[sflag:s3] =	ssyncadd.s32 $0xFFFFF800  }
0x6e: {  	_ =	swait.ge [sflag:s3], $0x800  }
0x6f: {  	[sflag:s3] =	ssyncset.done $0x0  }
0x70: {  	[sflag:s3] =	ssyncadd.s32 $0xFFFFF800  }
0x71: {  	_ =	swait.ge [sflag:s3], $0x800  }
0x72: {  	[sflag:s3] =	ssyncset.done $0x0  }
0x73: {  	[sflag:s3] =	ssyncadd.s32 $0xFFFFF800  }
0x74: {  	_ =	swait.ge [sflag:s3], $0x800  }
0x75: {  	[sflag:s3] =	ssyncset.done $0x0  }
0x76: {  	[sflag:s3] =	ssyncadd.s32 $0xFFFFF800  }
0x77: {  	_ =	swait.ge [sflag:s3], $0x800  }
0x78: {  	[sflag:s3] =	ssyncset.done $0x0  }
0x79: {  	[sflag:s3] =	ssyncadd.s32 $0xFFFFF800  }
0x7a: {  	_ =	swait.ge [sflag:s3], $0x800  }
0x7b: {  	[sflag:s3] =	ssyncset.done $0x0  }
0x7c: {  	[sflag:s3] =	ssyncadd.s32 $0xFFFFF800  }
0x7d: {  	_ =	swait.ge [sflag:s3], $0x800  }
0x7e: {  	s25 =	sshll.u32 s11, $0x5;
	[dreg:$0x1d] =	wrdreg s11;
	[sflag:s3] =	ssyncset.done $0x0  }
0x7f: {  	[dreg:$0x1f] =	wrdreg s25;
	[sflag:s3] =	ssyncadd.s32 $0xFFFFF800  }
0x80: {  	s14 =	rddreg [dreg:$0xe];
	_ =	swait.ge [sflag:s3], $0x800  }
0x81: {  	s11 =	sor.u32 s25, s14;
	[sflag:s3] =	ssyncset.done $0x0  }
0x82: {  	s14 =	sor.u32 $0x10, s11;
	[sflag:s3] =	ssyncadd.s32 $0xFFFFF800  }
0x83: {  	s24 =	simm.s32 $0x0;
	s25 =	sshrl.u32 s14, $0x3;
	s15 =	rddreg [dreg:$0x0]  }
0x84: {  	[smem:$0x7FD] =	sst s11;
	s3 =	simm.s32 $0x10980;
	s15 =	sadd.s32 s15, s25  }
0x85: {  	[tilespmem:s3], [sflag:$0x2] =	stream.linear.gather [hbm4b:s15+s24], $0x10, $0x38;
	[tilespmem:$0x11380] =	vst v63  }
0x86: {  	_ =	swait.ge [sflag:s19], $0x10  }
0x87: {  	[sflag:s19] =	ssyncset.done $0x0  }
0x88: {  	[sflag:s19] =	ssyncadd.s32 $0xFFFFFFF0  }
0x89: {  	s11 =	rddreg [dreg:$0x1]  }
0x8a: {  	s15 =	sadd.s32 s11, s25;
	s11 =	simm.s32 $0x10A00  }
0x8b: {  	[tilespmem:s11], [sflag:$0x2] =	stream.linear.gather [hbm4b:s15+s24], $0x10, $0x38;
	[tilespmem:$0x11380] =	vst v63  }
0x8c: {  	_ =	swait.ge [sflag:s19], $0x10  }
0x8d: {  	[sflag:s19] =	ssyncset.done $0x0  }
0x8e: {  	[sflag:s19] =	ssyncadd.s32 $0xFFFFFFF0  }
0x8f: {  	s15 =	rddreg [dreg:$0x2]  }
0x90: {  	[dreg:$0x1e] =	wrdreg s25;
	s15 =	sadd.s32 s15, s25;
	s25 =	simm.s32 $0x10A80  }
0x91: {  	[tilespmem:s25], [sflag:$0x2] =	stream.linear.gather [hbm4b:s15+s24], $0x10, $0x38;
	[tilespmem:$0x11380] =	vst v63  }
0x92: {  	_ =	swait.ge [sflag:s19], $0x10  }
0x93: {  	s14 =	sshll.u32 s14, $0x4;
	[sflag:s19] =	ssyncset.done $0x0;
	s25 =	rddreg [dreg:$0xf]  }
0x94: {  	[sflag:s19] =	ssyncadd.s32 $0xFFFFFFF0;
	s14 =	sadd.s32 s25, s14;
	s25 =	simm.s32 $0x10B00  }
0x95: {  	[tilespmem:s25], [sflag:$0x2] =	stream.linear.gather [hbm4b:s14+s24], $0x800, $0x38;
	[tilespmem:$0x11380] =	vst v63  }
0x96: {  	_ =	swait.ge [sflag:s19], $0x800  }
0x97: {  	[sflag:s19] =	ssyncset.done $0x0  }
0x98: {  	[sflag:s19] =	ssyncadd.s32 $0xFFFFF800  }
0x99: {  	s19 =	simm.s32 $0x10;
	s15 =	rddreg [dreg:$0x4]  }
0x9a: {  	[tilespmem:s16], [sflag:$0x1] =	stream.indirect.gather [hbm4b:s15+s19], $0x80, s3, s19, $0xb8;
	[tilespmem:$0x11380] =	vst v63  }
0x9b: {  	_ = 	snop  }
0x9c: {  	[tilespmem:s1], [sflag:$0x1] =	stream.indirect.gather [hbm4b:s15+s19], $0x80, s11, s19, $0xb8;
	[tilespmem:$0x11380] =	vst v63  }
0x9d: {  	v7 =	vld [tilespmem:$0x10A80];
	_ =	sdelay $0x4  }
0x9e: {  	v8 =	vshll.u32 v7, $0x1  }
0x9f: {  	v7 =	vand.u32 $0x7, v7;
	v8 =	vand.u32 $0xFFFFFFF0, v8  }
0xa0: {  	v7 =	vor.u32 v7, v8  }
0xa1: {  	v8 =	vperm.xlane v7, v0;
	_ =	sdelay $0x1  }
0xa2: {  	v7 =	vperm.xlane v7, v2;
	v8 =	vadd.s32 v1, v8;
	_ =	sdelay $0x1  }
0xa3: {  	v7 =	vadd.s32 v1, v7;
	_ =	sdelay $0x1  }
0xa4: {  	s24 =	simm.s32 $0x0;
	s16 =	rddreg [dreg:$0x5]  }
0xa5: {  	[tilespmem:s4], [sflag:$0x1] =	stream.indirect_vreg.gather [hbm4b:s16+s24], $0x80, v8, vm0, $0xb8;
	[tilespmem:$0x11380] =	vst v63  }
0xa6: {  	s25 =	simm.s32 $0x9800  }
0xa7: {  	[tilespmem:s25], [sflag:$0x1] =	stream.indirect_vreg.gather [hbm4b:s16+s24], $0x80, v7, vm0, $0xb8;
	[tilespmem:$0x11380] =	vst v63  }
0xa8: {  	s16 =	rddreg [dreg:$0x6]  }
0xa9: {  	[tilespmem:s5], [sflag:$0x1] =	stream.indirect.gather [hbm4b:s16+s19], $0x80, s3, s19, $0xb8;
	[tilespmem:$0x11380] =	vst v63  }
0xaa: {  	s24 =	rddreg [dreg:$0x8]  }
0xab: {  	[tilespmem:s6], [sflag:$0x1] =	stream.indirect.gather [hbm4b:s24+s19], $0x80, s3, s19, $0xb8;
	[tilespmem:$0x11380] =	vst v63  }
0xac: {  	s28 =	rddreg [dreg:$0xa]  }
0xad: {  	[tilespmem:s8], [sflag:$0x1] =	stream.indirect.gather [hbm4b:s28+s19], $0x80, s3, s19, $0xb8;
	[tilespmem:$0x11380] =	vst v63  }
0xae: {  	s15 =	rddreg [dreg:$0x7]  }
0xaf: {  	[tilespmem:s9], [sflag:$0x1] =	stream.indirect.gather [hbm4b:s15+s19], $0x80, s3, s19, $0xb8;
	[tilespmem:$0x11380] =	vst v63  }
0xb0: {  	s25 =	rddreg [dreg:$0x9]  }
0xb1: {  	[tilespmem:s10], [sflag:$0x1] =	stream.indirect.gather [hbm4b:s25+s19], $0x80, s3, s19, $0xb8;
	[tilespmem:$0x11380] =	vst v63  }
0xb2: {  	s14 =	rddreg [dreg:$0xb]  }
0xb3: {  	[tilespmem:s12], [sflag:$0x1] =	stream.indirect.gather [hbm4b:s14+s19], $0x80, s3, s19, $0xb8;
	[tilespmem:$0x11380] =	vst v63  }
0xb4: {  	_ = 	snop  }
0xb5: {  	[tilespmem:s30], [sflag:$0x1] =	stream.indirect.gather [hbm4b:s16+s19], $0x80, s11, s19, $0xb8;
	[tilespmem:$0x11380] =	vst v63  }
0xb6: {  	_ = 	snop  }
0xb7: {  	[tilespmem:s7], [sflag:$0x1] =	stream.indirect.gather [hbm4b:s24+s19], $0x80, s11, s19, $0xb8;
	[tilespmem:$0x11380] =	vst v63  }
0xb8: {  	_ = 	snop  }
0xb9: {  	[tilespmem:s29], [sflag:$0x1] =	stream.indirect.gather [hbm4b:s28+s19], $0x80, s11, s19, $0xb8;
	[tilespmem:$0x11380] =	vst v63  }
0xba: {  	_ = 	snop  }
0xbb: {  	[tilespmem:s17], [sflag:$0x1] =	stream.indirect.gather [hbm4b:s15+s19], $0x80, s11, s19, $0xb8;
	[tilespmem:$0x11380] =	vst v63  }
0xbc: {  	s1 =	simm.s32 $0x0  }
0xbd: {  	v10 =	vor.u32 s1, v3;
	[tilespmem:s18], [sflag:$0x1] =	stream.indirect.gather [hbm4b:s25+s19], $0x80, s11, s19, $0xb8;
	[tilespmem:$0x11380] =	vst v63  }
0xbe: {  	s15 =	simm.s32 $0x10180  }
0xbf: {  	[tilespmem:s31], [sflag:$0x1] =	stream.indirect.gather [hbm4b:s14+s19], $0x80, s11, s19, $0xb8;
	[tilespmem:$0x11380] =	vst v63  }
0xc0: {  	v8 =	vld.idx.msk [tilespmem:v3+s15+$0x0], $0xffff  }
0xc1: {  	v9 =	vld.idx.msk [tilespmem:v4+s15+$0x0], $0xffff  }
0xc2: {  	v7 =	vld.idx.msk [tilespmem:v10+s0+$0x0], $0xffff  }
0xc3: {  	s16 =	simm.s32 $0x2800;
	v11 =	vld.idx.msk [tilespmem:v10+s13+$0x0], $0xffff  }
0xc4: {  	s14 =	simm.s32 $0x1;
	s19 =	simm.s32 $0x4000;
	v12 =	vld.idx.msk [tilespmem:v10+s16+$0x0], $0xffff  }
0xc5: {  	v13 =	vld.idx.msk [tilespmem:v10+s19+$0x0], $0xffff;
	v15 =	vor.u32 s14, v3  }
0xc6: {  	v14 =	vld.idx.msk [tilespmem:v10+s21+$0x0], $0xffff  }
0xc7: {  	v16 =	vld.idx.msk [tilespmem:v10+s2+$0x0], $0xffff  }
0xc8: {  	v17 =	vld.idx.msk [tilespmem:v10+s23+$0x0], $0xffff  }
0xc9: {  	v18 =	vld.idx.msk [tilespmem:v10+s26+$0x0], $0xffff  }
0xca: {  	v19 =	vld.idx.msk [tilespmem:v15+s0+$0x0], $0xffff  }
0xcb: {  	v20 =	vld.idx.msk [tilespmem:v15+s13+$0x0], $0xffff  }
0xcc: {  	v21 =	vld.idx.msk [tilespmem:v15+s21+$0x0], $0xffff  }
0xcd: {  	v22 =	vld.idx.msk [tilespmem:v15+s2+$0x0], $0xffff  }
0xce: {  	v23 =	vld.idx.msk [tilespmem:v15+s23+$0x0], $0xffff  }
0xcf: {  	v14 =	vmul.f32 v14, v8;
	v24 =	vld.idx.msk [tilespmem:v15+s26+$0x0], $0xffff  }
0xd0: {  	v16 =	vmul.f32 v16, v9;
	v25 =	vld.idx.msk [tilespmem:v15+s16+$0x0], $0xffff;
	v18 =	vmul.f32 v18, v9  }
0xd1: {  	v34 =	vor.u32 s14, v5;
	v17 =	vmul.f32 v17, v8;
	v26 =	vld.idx.msk [tilespmem:v15+s19+$0x0], $0xffff;
	v27 =	vadd.f32 v7, v14  }
0xd2: {  	v18 =	vadd.f32 v13, v18;
	v7 =	vmul.f32 v21, v8;
	v21 =	vadd.f32 v11, v16  }
0xd3: {  	v11 =	vmul.f32 v22, v9;
	v22 =	vadd.f32 v12, v17;
	v12 =	vmul.f32 v23, v8  }
0xd4: {  	v13 =	vmul.f32 v24, v9;
	v16 =	vmul.f32 v27, v27;
	v19 =	vadd.f32 v19, v7  }
0xd5: {  	v23 =	vadd.f32 v20, v11;
	v17 =	vmul.f32 v21, v21;
	v20 =	vadd.f32 v25, v12  }
0xd6: {  	v24 =	vmul.f32 v22, v22;
	v25 =	vmul.f32 v18, v18;
	v26 =	vadd.f32 v26, v13  }
0xd7: {  	v11 =	vor.u32 s1, v6;
	v13 =	vmul.f32 $2.755731880e-06, v16;
	v28 =	vmul.f32 v19, v19  }
0xd8: {  	s15 =	simm.s32 $0x2;
	v12 =	vor.u32 s1, v5;
	v29 =	vmul.f32 v23, v23;
	v30 =	vmul.f32 v20, v20  }
0xd9: {  	v7 =	vor.u32 s15, v3;
	v31 =	vmul.f32 v26, v26;
	v32 =	vmul.f32 $2.755731880e-06, v24  }
0xda: {  	v14 =	vmul.f32 $2.755731880e-06, v17;
	v33 =	vmul.f32 $2.755731880e-06, v25;
	v13 =	vadd.f32 $-1.984127010e-04, v13  }
0xdb: {  	v35 =	vmul.f32 $2.755731880e-06, v28;
	v36 =	vmul.f32 $2.755731880e-06, v29;
	v32 =	vadd.f32 $-1.984127010e-04, v32  }
0xdc: {  	v14 =	vadd.f32 $-1.984127010e-04, v14;
	v37 =	vmul.f32 $2.755731880e-06, v30;
	v33 =	vadd.f32 $-1.984127010e-04, v33  }
0xdd: {  	v39 =	vmul.f32 $2.755731880e-06, v31;
	v40 =	vld.idx.msk [tilespmem:v11+s20+$0x0], $0xffff;
	v11 =	vmul.f32 v13, v16;
	v35 =	vadd.f32 $-1.984127010e-04, v35  }
0xde: {  	v63 =	vld.idx.msk [tilespmem:v10+s22+$0x0], $0xffff;
	v13 =	vmul.f32 v14, v17;
	v14 =	vadd.f32 $-1.984127010e-04, v36;
	v32 =	vmul.f32 v32, v24  }
0xdf: {  	s23 =	simm.s32 $0x800;
	v41 =	vld.idx.msk [tilespmem:v12+s20+$0x0], $0xffff;
	v33 =	vmul.f32 v33, v25;
	v37 =	vadd.f32 $-1.984127010e-04, v37;
	v12 =	vadd.f32 $-1.984127010e-04, v39  }
0xe0: {  	s21 =	simm.s32 $0x6000;
	v38 =	vld.idx.msk [tilespmem:v10+s23+$0x0], $0xffff;
	v11 =	vadd.f32 $8.333333770e-03, v11;
	v35 =	vmul.f32 v35, v28;
	v14 =	vmul.f32 v14, v29  }
0xe1: {  	s26 =	simm.s32 $0x7800;
	v52 =	vld.idx.msk [tilespmem:v10+s21+$0x0], $0xffff;
	v13 =	vadd.f32 $8.333333770e-03, v13;
	v37 =	vmul.f32 v37, v30;
	v32 =	vadd.f32 $8.333333770e-03, v32  }
0xe2: {  	v42 =	vld.idx.msk [tilespmem:v10+s26+$0x0], $0xffff;
	s26 =	simm.s32 $0x3000;
	v33 =	vadd.f32 $8.333333770e-03, v33;
	v12 =	vmul.f32 v12, v31;
	v44 =	vmul.f32 v11, v16  }
0xe3: {  	s21 =	simm.s32 $0x4800;
	v43 =	vld.idx.msk [tilespmem:v10+s26+$0x0], $0xffff;
	v35 =	vadd.f32 $8.333333770e-03, v35;
	v14 =	vadd.f32 $8.333333770e-03, v14;
	v32 =	vmul.f32 v32, v24  }
0xe4: {  	v45 =	vld.idx.msk [tilespmem:v10+s21+$0x0], $0xffff;
	v10 =	vmul.f32 v13, v17;
	v37 =	vadd.f32 $8.333333770e-03, v37;
	v33 =	vmul.f32 v33, v25  }
0xe5: {  	v56 =	vld.idx.msk [tilespmem:v15+s22+$0x0], $0xffff;
	v46 =	vadd.f32 $8.333333770e-03, v12;
	v44 =	vadd.f32 $-1.666666720e-01, v44;
	v35 =	vmul.f32 v35, v28  }
0xe6: {  	s3 =	simm.s32 $0x7800;
	v57 =	vld.idx.msk [tilespmem:v34+s20+$0x0], $0xffff;
	v10 =	vadd.f32 $-1.666666720e-01, v10;
	v47 =	vmul.f32 v14, v29;
	v32 =	vadd.f32 $-1.666666720e-01, v32  }
0xe7: {  	v61 =	vld.idx.msk [tilespmem:v15+s3+$0x0], $0xffff;
	v33 =	vadd.f32 $-1.666666720e-01, v33;
	v37 =	vmul.f32 v37, v30;
	v46 =	vmul.f32 v46, v31  }
0xe8: {  	s0 =	simm.s32 $0x5000;
	v60 =	vld.idx.msk [tilespmem:v15+s26+$0x0], $0xffff;
	v44 =	vmul.f32 v44, v16;
	v35 =	vadd.f32 $-1.666666720e-01, v35;
	v47 =	vadd.f32 $-1.666666720e-01, v47  }
0xe9: {  	s1 =	simm.s32 $0x5800;
	v48 =	vld.idx.msk [tilespmem:v7+s0+$0x0], $0xffff;
	v49 =	vmul.f32 v10, v17;
	v10 =	vadd.f32 $-1.666666720e-01, v37;
	v24 =	vmul.f32 v32, v24  }
0xea: {  	s16 =	simm.s32 $0x7000;
	v11 =	vld.idx.msk [tilespmem:v7+s1+$0x0], $0xffff;
	v25 =	vmul.f32 v33, v25;
	v53 =	vadd.f32 $-1.666666720e-01, v46;
	v58 =	vmul.f32 v44, v27  }
0xeb: {  	v62 =	vimm.f32 $0.0e+00;
	s25 =	simm.s32 $0x2800;
	v12 =	vld.idx.msk [tilespmem:v7+s16+$0x0], $0xffff;
	v28 =	vmul.f32 v35, v28;
	v29 =	vmul.f32 v47, v29  }
0xec: {  	s11 =	simm.s32 $0x4000;
	v13 =	vld.idx.msk [tilespmem:v7+s25+$0x0], $0xffff;
	v55 =	vadd.f32 v41, v63;
	v30 =	vmul.f32 v10, v30;
	v31 =	vmul.f32 v53, v31  }
0xed: {  	v54 =	vor.u32 s14, v6;
	s14 =	simm.s32 $0x3;
	s13 =	simm.s32 $0x6800;
	v14 =	vld.idx.msk [tilespmem:v7+s11+$0x0], $0xffff;
	v24 =	vmul.f32 v24, v22;
	v25 =	vmul.f32 v25, v18  }
0xee: {  	s24 =	simm.s32 $0x2000;
	v16 =	vld.idx.msk [tilespmem:v7+s13+$0x0], $0xffff;
	v10 =	vor.u32 s14, v3;
	v59 =	vmul.f32 v49, v21;
	v35 =	vsub.f32 v55, v38  }
0xef: {  	v17 =	vld.idx.msk [tilespmem:v7+s24+$0x0], $0xffff;
	v22 =	vadd.f32 v24, v22;
	v18 =	vadd.f32 v25, v18;
	v25 =	vmul.f32 v28, v19  }
0xf0: {  	s2 =	simm.s32 $0x6000;
	v27 =	vadd.f32 v58, v27;
	v24 =	vld.idx.msk [tilespmem:v15+s21+$0x0], $0xffff;
	v28 =	vmul.f32 v30, v20;
	v30 =	vmul.f32 v31, v26  }
0xf1: {  	v31 =	vld.idx.msk [tilespmem:v15+s2+$0x0], $0xffff;
	v21 =	vadd.f32 v59, v21;
	v22 =	vmul.f32 v22, v43;
	v18 =	vmul.f32 v18, v45  }
0xf2: {  	v15 =	vld.idx.msk [tilespmem:v15+s23+$0x0], $0xffff;
	v29 =	vmul.f32 v29, v23;
	v27 =	vmul.f32 v27, v52;
	v28 =	vadd.f32 v28, v20  }
0xf3: {  	s28 =	simm.s32 $0x3800;
	v26 =	vadd.f32 v30, v26;
	v21 =	vmul.f32 v21, v42;
	v30 =	vld.idx.msk [tilespmem:v54+s20+$0x0], $0xffff;
	v22 =	vadd.f32 v18, v22  }
0xf4: {  	v20 =	vld.idx.msk [tilespmem:v7+s28+$0x0], $0xffff;
	v25 =	vadd.f32 v25, v19;
	v23 =	vadd.f32 v29, v23;
	v28 =	vmul.f32 v28, v60  }
0xf5: {  	v19 =	vld.idx.msk [tilespmem:v10+s16+$0x0], $0xffff;
	v21 =	vadd.f32 v21, v27;
	v24 =	vmul.f32 v26, v24;
	v27 =	vadd.f32 v22, v40  }
0xf6: {  	v29 =	vadd.f32 v57, v56;
	v18 =	vld.idx.msk [tilespmem:v10+s1+$0x0], $0xffff;
	v25 =	vmul.f32 v25, v31;
	v31 =	vmul.f32 v23, v61  }
0xf7: {  	v26 =	vand.u32 $0x7FFFFFFF, v35;
	v23 =	vld.idx.msk [tilespmem:v10+s24+$0x0], $0xffff;
	v28 =	vadd.f32 v24, v28;
	v27 =	vsub.f32 v27, v21  }
0xf8: {  	v22 =	vld.idx.msk [tilespmem:v10+s0+$0x0], $0xffff;
	v63 =	vadd.f32 v26, v62;
	v25 =	vadd.f32 v31, v25  }
0xf9: {  	v24 =	vld.idx.msk [tilespmem:v10+s13+$0x0], $0xffff;
	v21 =	vsub.f32 v29, v15;
	v29 =	vand.u32 $0x7FFFFFFF, v27;
	v27 =	vadd.f32 v28, v30  }
0xfa: {  	s19 =	simm.s32 $0x4;
	v26 =	vld.idx.msk [tilespmem:v10+s28+$0x0], $0xffff;
	v15 =	vmul.f32 v48, v8;
	v28 =	vadd.f32 v29, v63  }
.LBB2_3:
0xfb: {  	p0 =	slt.u32 s19, $0x7E;
	v16 =	vmul.f32 v16, v9;
	v29 =	vld.idx.msk [tilespmem:v10+s25+$0x0], $0xffff;
	v21 =	vand.u32 $0x7FFFFFFF, v21;
	v25 =	vsub.f32 v27, v25  }
0xfc: {  	v17 =	vmul.f32 v17, v8;
	v27 =	vmul.f32 v20, v9;
	v30 =	vld.idx.msk [tilespmem:v10+s11+$0x0], $0xffff;
	v28 =	vadd.f32 v28, v21  }
0xfd: {  	v21 =	vadd.f32 v11, v15;
	v11 =	vmul.f32 v22, v8;
	v15 =	vand.u32 $0x7FFFFFFF, v25  }
0xfe: {  	v20 =	vadd.f32 v12, v16;
	v12 =	vmul.f32 v24, v9;
	v15 =	vadd.f32 v15, v28  }
0xff: {  	v24 =	vadd.f32 v13, v17;
	v25 =	vadd.f32 v14, v27;
	v13 =	vmul.f32 v23, v8  }
0x100: {  	v18 =	vadd.f32 v18, v11;
	v14 =	vmul.f32 v26, v9;
	v19 =	vadd.f32 v19, v12  }
0x101: {  	v16 =	vmul.f32 v21, v21;
	v17 =	vmul.f32 v20, v20;
	v22 =	vadd.f32 v29, v13  }
0x102: {  	v26 =	vmul.f32 v24, v24;
	v27 =	vmul.f32 v25, v25;
	v23 =	vadd.f32 v30, v14  }
0x103: {  	v11 =	vor.u32 s15, v6;
	v28 =	vmul.f32 v18, v18;
	v29 =	vmul.f32 v19, v19  }
0x104: {  	v12 =	vor.u32 s15, v5;
	s15 =	smov.u32 s19;
	v30 =	vmul.f32 v22, v22;
	v31 =	vmul.f32 v23, v23  }
0x105: {  	v13 =	vmul.f32 $2.755731880e-06, v16;
	v14 =	vor.u32 s19, v3;
	v32 =	vmul.f32 $2.755731880e-06, v17  }
0x106: {  	v35 =	vor.u32 s14, v5;
	v33 =	vmul.f32 $2.755731880e-06, v26;
	v34 =	vmul.f32 $2.755731880e-06, v27  }
0x107: {  	v13 =	vadd.f32 $-1.984127010e-04, v13;
	v36 =	vmul.f32 $2.755731880e-06, v28;
	v37 =	vmul.f32 $2.755731880e-06, v29  }
0x108: {  	v33 =	vadd.f32 $-1.984127010e-04, v33;
	v32 =	vadd.f32 $-1.984127010e-04, v32;
	v38 =	vmul.f32 $2.755731880e-06, v30  }
0x109: {  	v34 =	vadd.f32 $-1.984127010e-04, v34;
	v36 =	vadd.f32 $-1.984127010e-04, v36;
	v40 =	vmul.f32 $2.755731880e-06, v31;
	v39 =	vld.idx.msk [tilespmem:v7+s23+$0x0], $0xffff  }
0x10a: {  	v41 =	vld.idx.msk [tilespmem:v11+s20+$0x0], $0xffff;
	v11 =	vmul.f32 v13, v16;
	v13 =	vmul.f32 v32, v17;
	v32 =	vadd.f32 $-1.984127010e-04, v37  }
0x10b: {  	v33 =	vmul.f32 v33, v26;
	v34 =	vmul.f32 v34, v27;
	v38 =	vadd.f32 $-1.984127010e-04, v38;
	v37 =	vld.idx.msk [tilespmem:v7+s22+$0x0], $0xffff  }
0x10c: {  	v36 =	vmul.f32 v36, v28;
	v42 =	vld.idx.msk [tilespmem:v12+s20+$0x0], $0xffff;
	v12 =	vadd.f32 $-1.984127010e-04, v40;
	v32 =	vmul.f32 v32, v29  }
0x10d: {  	v38 =	vmul.f32 v38, v30;
	v11 =	vadd.f32 $8.333333770e-03, v11;
	v13 =	vadd.f32 $8.333333770e-03, v13;
	v40 =	vld.idx.msk [tilespmem:v7+s2+$0x0], $0xffff  }
0x10e: {  	v33 =	vadd.f32 $8.333333770e-03, v33;
	v34 =	vadd.f32 $8.333333770e-03, v34;
	v43 =	vld.idx.msk [tilespmem:v7+s3+$0x0], $0xffff;
	v12 =	vmul.f32 v12, v31  }
0x10f: {  	v36 =	vadd.f32 $8.333333770e-03, v36;
	v45 =	vmul.f32 v11, v16;
	v32 =	vadd.f32 $8.333333770e-03, v32;
	v44 =	vld.idx.msk [tilespmem:v7+s26+$0x0], $0xffff  }
0x110: {  	v33 =	vmul.f32 v33, v26;
	v38 =	vadd.f32 $8.333333770e-03, v38;
	v13 =	vmul.f32 v13, v17;
	v46 =	vld.idx.msk [tilespmem:v7+s21+$0x0], $0xffff;
	v7 =	vmovc v14  }
0x111: {  	v34 =	vmul.f32 v34, v27;
	v36 =	vmul.f32 v36, v28;
	v47 =	vadd.f32 $8.333333770e-03, v12;
	v11 =	vld.idx.msk [tilespmem:v14+s1+$0x0], $0xffff  }
0x112: {  	v45 =	vadd.f32 $-1.666666720e-01, v45;
	v48 =	vadd.f32 $-1.666666720e-01, v13;
	v32 =	vmul.f32 v32, v29;
	v12 =	vld.idx.msk [tilespmem:v14+s16+$0x0], $0xffff  }
0x113: {  	v33 =	vadd.f32 $-1.666666720e-01, v33;
	v34 =	vadd.f32 $-1.666666720e-01, v34;
	v38 =	vmul.f32 v38, v30;
	v13 =	vld.idx.msk [tilespmem:v14+s25+$0x0], $0xffff  }
0x114: {  	v36 =	vadd.f32 $-1.666666720e-01, v36;
	v47 =	vmul.f32 v47, v31;
	v32 =	vadd.f32 $-1.666666720e-01, v32;
	v14 =	vld.idx.msk [tilespmem:v14+s11+$0x0], $0xffff  }
0x115: {  	v38 =	vadd.f32 $-1.666666720e-01, v38;
	v45 =	vmul.f32 v45, v16;
	v48 =	vmul.f32 v48, v17;
	v49 =	vld.idx.msk [tilespmem:v7+s0+$0x0], $0xffff  }
0x116: {  	v26 =	vmul.f32 v33, v26;
	v27 =	vmul.f32 v34, v27;
	v33 =	vadd.f32 $-1.666666720e-01, v47;
	v16 =	vld.idx.msk [tilespmem:v7+s13+$0x0], $0xffff  }
0x117: {  	v34 =	vor.u32 s14, v6;
	v28 =	vmul.f32 v36, v28;
	v29 =	vmul.f32 v32, v29;
	v17 =	vld.idx.msk [tilespmem:v7+s24+$0x0], $0xffff  }
0x118: {  	s14 =	sadd.s32 $0x1, s19;
	v30 =	vmul.f32 v38, v30;
	v32 =	vadd.f32 v42, v37;
	v31 =	vmul.f32 v33, v31;
	v36 =	vld.idx.msk [tilespmem:v10+s22+$0x0], $0xffff  }
0x119: {  	v26 =	vmul.f32 v26, v24;
	v27 =	vmul.f32 v27, v25;
	v33 =	vor.u32 s14, v3;
	v35 =	vld.idx.msk [tilespmem:v35+s20+$0x0], $0xffff  }
0x11a: {  	v37 =	vmul.f32 v45, v21;
	v38 =	vmul.f32 v48, v20;
	v32 =	vsub.f32 v32, v39;
	v39 =	vld.idx.msk [tilespmem:v10+s26+$0x0], $0xffff  }
0x11b: {  	v24 =	vadd.f32 v26, v24;
	v25 =	vadd.f32 v27, v25;
	v27 =	vmul.f32 v28, v18;
	v26 =	vld.idx.msk [tilespmem:v10+s21+$0x0], $0xffff  }
0x11c: {  	v28 =	vmul.f32 v30, v22;
	v21 =	vadd.f32 v37, v21;
	v30 =	vmul.f32 v31, v23;
	v31 =	vld.idx.msk [tilespmem:v10+s2+$0x0], $0xffff  }
0x11d: {  	v24 =	vmul.f32 v24, v44;
	v25 =	vmul.f32 v25, v46;
	v20 =	vadd.f32 v38, v20;
	v37 =	vld.idx.msk [tilespmem:v10+s3+$0x0], $0xffff  }
0x11e: {  	v38 =	vld.idx.msk [tilespmem:v10+s23+$0x0], $0xffff;
	v10 =	vadd.f32 v28, v22;
	v22 =	vadd.f32 v30, v23;
	v23 =	vmul.f32 v29, v19  }
0x11f: {  	v24 =	vadd.f32 v25, v24;
	v21 =	vmul.f32 v21, v40;
	v25 =	vmul.f32 v20, v43;
	v28 =	vld.idx.msk [tilespmem:v34+s20+$0x0], $0xffff  }
0x120: {  	v34 =	vadd.f32 v27, v18;
	v20 =	vld.idx.msk [tilespmem:v7+s28+$0x0], $0xffff;
	v29 =	vmul.f32 v10, v39;
	v23 =	vadd.f32 v23, v19  }
0x121: {  	v24 =	vadd.f32 v24, v41;
	v21 =	vadd.f32 v25, v21;
	v25 =	vmul.f32 v22, v26;
	v18 =	vld.idx.msk [tilespmem:v33+s1+$0x0], $0xffff  }
.Ltmp0:
0x122: {  	v30 =	vadd.f32 v35, v36;
	v26 =	vand.u32 $0x7FFFFFFF, v32;
	v27 =	vmul.f32 v34, v31;
	v19 =	vld.idx.msk [tilespmem:v33+s16+$0x0], $0xffff;
	v10 =	vmovc v33;
	(pc) =	sbr.rel @p0 .LBB2_3-.Ltmp0, $4  }
0x123: {  	v31 =	vsub.f32 v24, v21;
	v29 =	vadd.f32 v25, v29;
	v25 =	vmul.f32 v23, v37;
	v22 =	vld.idx.msk [tilespmem:v33+s0+$0x0], $0xffff  }
0x124: {  	v32 =	vadd.f32 v26, v15;
	v21 =	vsub.f32 v30, v38;
	v24 =	vld.idx.msk [tilespmem:v33+s13+$0x0], $0xffff  }
0x125: {  	v30 =	vand.u32 $0x7FFFFFFF, v31;
	v25 =	vadd.f32 v25, v27;
	v27 =	vadd.f32 v29, v28;
	v23 =	vld.idx.msk [tilespmem:v33+s24+$0x0], $0xffff  }
0x126: {  	s19 =	sadd.s32 $0x2, s19;
	v15 =	vmul.f32 v49, v8;
	v28 =	vadd.f32 v30, v32;
	v26 =	vld.idx.msk [tilespmem:v33+s28+$0x0], $0xffff  }
0x127: {  	v16 =	vmul.f32 v16, v9  }
0x128: {  	v21 =	vand.u32 $0x7FFFFFFF, v21;
	v25 =	vsub.f32 v27, v25;
	v17 =	vmul.f32 v17, v8  }
0x129: {  	v20 =	vmul.f32 v20, v9;
	v33 =	vor.u32 s14, v5;
	v21 =	vadd.f32 v28, v21  }
0x12a: {  	v11 =	vadd.f32 v11, v15;
	v15 =	vmul.f32 v22, v8;
	v28 =	vor.u32 s15, v5  }
0x12b: {  	v29 =	vld.idx.msk [tilespmem:v10+s25+$0x0], $0xffff;
	v12 =	vadd.f32 v12, v16;
	v16 =	vmul.f32 v24, v9;
	v13 =	vadd.f32 v13, v17  }
0x12c: {  	v27 =	vld.idx.msk [tilespmem:v10+s11+$0x0], $0xffff;
	v14 =	vadd.f32 v14, v20;
	v22 =	vand.u32 $0x7FFFFFFF, v25;
	v8 =	vmul.f32 v23, v8  }
0x12d: {  	v15 =	vadd.f32 v18, v15;
	v17 =	vmul.f32 v11, v11;
	v9 =	vmul.f32 v26, v9  }
0x12e: {  	v16 =	vadd.f32 v19, v16;
	v18 =	vmul.f32 v12, v12;
	v19 =	vmul.f32 v13, v13  }
0x12f: {  	v25 =	vor.u32 s15, v6;
	v20 =	vmul.f32 v14, v14;
	v23 =	vmul.f32 v15, v15  }
0x130: {  	v8 =	vadd.f32 v29, v8;
	v29 =	vmul.f32 $2.755731880e-06, v17;
	v24 =	vmul.f32 v16, v16  }
0x131: {  	v9 =	vadd.f32 v27, v9;
	v30 =	vmul.f32 $2.755731880e-06, v18;
	v31 =	vmul.f32 $2.755731880e-06, v19  }
0x132: {  	v32 =	vmul.f32 $2.755731880e-06, v20;
	v26 =	vmul.f32 v8, v8;
	v29 =	vadd.f32 $-1.984127010e-04, v29  }
0x133: {  	v34 =	vmul.f32 $2.755731880e-06, v23;
	v27 =	vmul.f32 v9, v9;
	v31 =	vadd.f32 $-1.984127010e-04, v31  }
0x134: {  	v35 =	vmul.f32 $2.755731880e-06, v24;
	v30 =	vadd.f32 $-1.984127010e-04, v30;
	v32 =	vadd.f32 $-1.984127010e-04, v32  }
0x135: {  	v36 =	vmul.f32 $2.755731880e-06, v26;
	v34 =	vadd.f32 $-1.984127010e-04, v34;
	v29 =	vmul.f32 v29, v17  }
0x136: {  	v37 =	vmul.f32 $2.755731880e-06, v27;
	v30 =	vmul.f32 v30, v18;
	v35 =	vadd.f32 $-1.984127010e-04, v35  }
0x137: {  	v31 =	vmul.f32 v31, v19;
	v32 =	vmul.f32 v32, v20;
	v36 =	vadd.f32 $-1.984127010e-04, v36  }
0x138: {  	v34 =	vmul.f32 v34, v23;
	v29 =	vadd.f32 $8.333333770e-03, v29;
	v37 =	vadd.f32 $-1.984127010e-04, v37  }
0x139: {  	v35 =	vmul.f32 v35, v24;
	v30 =	vadd.f32 $8.333333770e-03, v30;
	v31 =	vadd.f32 $8.333333770e-03, v31  }
0x13a: {  	v32 =	vadd.f32 $8.333333770e-03, v32;
	v36 =	vmul.f32 v36, v26;
	v29 =	vmul.f32 v29, v17  }
0x13b: {  	v34 =	vadd.f32 $8.333333770e-03, v34;
	v37 =	vmul.f32 v37, v27;
	v31 =	vmul.f32 v31, v19  }
0x13c: {  	v35 =	vadd.f32 $8.333333770e-03, v35;
	v30 =	vmul.f32 v30, v18;
	v32 =	vmul.f32 v32, v20  }
0x13d: {  	v38 =	vld.idx.msk [tilespmem:v7+s23+$0x0], $0xffff;
	v36 =	vadd.f32 $8.333333770e-03, v36;
	v34 =	vmul.f32 v34, v23;
	v29 =	vadd.f32 $-1.666666720e-01, v29  }
0x13e: {  	v39 =	vld.idx.msk [tilespmem:v7+s22+$0x0], $0xffff;
	v37 =	vadd.f32 $8.333333770e-03, v37;
	v30 =	vadd.f32 $-1.666666720e-01, v30;
	v35 =	vmul.f32 v35, v24  }
0x13f: {  	v40 =	vld.idx.msk [tilespmem:v7+s2+$0x0], $0xffff;
	v31 =	vadd.f32 $-1.666666720e-01, v31;
	v32 =	vadd.f32 $-1.666666720e-01, v32;
	v36 =	vmul.f32 v36, v26  }
0x140: {  	v28 =	vld.idx.msk [tilespmem:v28+s20+$0x0], $0xffff;
	v34 =	vadd.f32 $-1.666666720e-01, v34;
	v17 =	vmul.f32 v29, v17;
	v37 =	vmul.f32 v37, v27  }
0x141: {  	v54 =	vld.idx.msk [tilespmem:v10+s26+$0x0], $0xffff;
	v35 =	vadd.f32 $-1.666666720e-01, v35;
	v18 =	vmul.f32 v30, v18;
	v19 =	vmul.f32 v31, v19  }
0x142: {  	v21 =	vadd.f32 v22, v21;
	v22 =	vld.idx.msk [tilespmem:v7+s26+$0x0], $0xffff;
	v20 =	vmul.f32 v32, v20;
	v23 =	vmul.f32 v34, v23  }
0x143: {  	v30 =	vld.idx.msk [tilespmem:v7+s3+$0x0], $0xffff;
	v29 =	vadd.f32 $-1.666666720e-01, v36;
	v17 =	vmul.f32 v17, v11;
	v24 =	vmul.f32 v35, v24  }
0x144: {  	v7 =	vld.idx.msk [tilespmem:v7+s21+$0x0], $0xffff;
	v31 =	vadd.f32 $-1.666666720e-01, v37;
	v19 =	vmul.f32 v19, v13;
	v20 =	vmul.f32 v20, v14  }
0x145: {  	v53 =	vld.idx.msk [tilespmem:v33+s20+$0x0], $0xffff;
	v28 =	vadd.f32 v28, v39;
	v18 =	vmul.f32 v18, v12;
	v26 =	vmul.f32 v29, v26  }
0x146: {  	v25 =	vld.idx.msk [tilespmem:v25+s20+$0x0], $0xffff;
	v29 =	vor.u32 s14, v6;
	v11 =	vadd.f32 v17, v11;
	v27 =	vmul.f32 v31, v27  }
0x147: {  	v31 =	vld.idx.msk [tilespmem:v10+s22+$0x0], $0xffff;
	v13 =	vadd.f32 v19, v13;
	v14 =	vadd.f32 v20, v14;
	v19 =	vmul.f32 v23, v15  }
0x148: {  	v20 =	vld.idx.msk [tilespmem:v10+s21+$0x0], $0xffff;
	v12 =	vadd.f32 v18, v12;
	v17 =	vmul.f32 v26, v8;
	v23 =	vmul.f32 v27, v9  }
0x149: {  	v28 =	vsub.f32 v28, v38;
	v26 =	vld.idx.msk [tilespmem:v10+s2+$0x0], $0xffff;
	v13 =	vmul.f32 v13, v22;
	v7 =	vmul.f32 v14, v7  }
0x14a: {  	v11 =	vmul.f32 v11, v40;
	v14 =	vld.idx.msk [tilespmem:v10+s3+$0x0], $0xffff;
	v12 =	vmul.f32 v12, v30;
	v8 =	vadd.f32 v17, v8  }
0x14b: {  	v10 =	vld.idx.msk [tilespmem:v10+s23+$0x0], $0xffff;
	v17 =	vmul.f32 v24, v16;
	v9 =	vadd.f32 v23, v9;
	v7 =	vadd.f32 v7, v13  }
0x14c: {  	v15 =	vadd.f32 v19, v15;
	v13 =	vld.idx.msk [tilespmem:v29+s20+$0x0], $0xffff;
	v11 =	vadd.f32 v12, v11;
	v8 =	vmul.f32 v8, v54  }
0x14d: {  	v16 =	vadd.f32 v17, v16;
	v7 =	vadd.f32 v7, v25;
	v9 =	vmul.f32 v9, v20  }
0x14e: {  	v12 =	vand.u32 $0x7FFFFFFF, v28;
	v17 =	vadd.f32 v53, v31;
	v15 =	vmul.f32 v15, v26  }
0x14f: {  	v7 =	vsub.f32 v7, v11;
	v8 =	vadd.f32 v9, v8;
	v9 =	vmul.f32 v16, v14  }
0x150: {  	v10 =	vsub.f32 v17, v10;
	v11 =	vadd.f32 v12, v21  }
0x151: {  	v7 =	vand.u32 $0x7FFFFFFF, v7;
	v9 =	vadd.f32 v9, v15;
	v8 =	vadd.f32 v8, v13  }
0x152: {  	v7 =	vadd.f32 v7, v11  }
0x153: {  	v10 =	vand.u32 $0x7FFFFFFF, v10;
	v8 =	vsub.f32 v8, v9  }
0x154: {  	v7 =	vadd.f32 v7, v10  }
0x155: {  	v8 =	vand.u32 $0x7FFFFFFF, v8  }
0x156: {  	s15 =	sld [smem:$0x7FD];
	v7 =	vadd.f32 v8, v7;
	_ =	sdelay $0x1  }
0x157: {  	v7 =	vsub.f32 $0.0e+00, v7  }
0x158: {  	s19 =	rddreg [dreg:$0xc];
	s14 =	sshrl.u32 s15, $0x3  }
0x159: {  	s15 =	sadd.s32 s19, s14;
	s19 =	simm.s32 $0x0;
	s22 =	simm.s32 $0x11300;
	[tilespmem:$0x11300] =	vst v7  }
0x15a: {  	[hbm4b:s15+s19] =	stream.linear.scatter [tilespmem:s22], [sflag:$0x2], $0x10, $0x38;
	[tilespmem:$0x11380] =	vst v63  }
0x15b: {  	s15 =	simm.s32 $0x2  }
0x15c: {  	_ =	swait.ge [sflag:s15], $0x10  }
0x15d: {  	[sflag:s15] =	ssyncset.done $0x0  }
0x15e: {  	[sflag:s15] =	ssyncadd.s32 $0xFFFFFFF0;
	s15 =	simm.s32 $0x1  }
0x15f: {  	_ =	swait.ge [sflag:s15], $0x800  }
0x160: {  	[sflag:s15] =	ssyncset.done $0x0  }
0x161: {  	[sflag:s15] =	ssyncadd.s32 $0xFFFFF800  }
0x162: {  	_ =	swait.ge [sflag:s15], $0x800  }
0x163: {  	[sflag:s15] =	ssyncset.done $0x0  }
0x164: {  	[sflag:s15] =	ssyncadd.s32 $0xFFFFF800  }
0x165: {  	_ =	swait.ge [sflag:s15], $0x1000  }
0x166: {  	[sflag:s15] =	ssyncset.done $0x0  }
0x167: {  	[sflag:s15] =	ssyncadd.s32 $0xFFFFF000  }
0x168: {  	_ =	swait.ge [sflag:s15], $0x800  }
0x169: {  	[sflag:s15] =	ssyncset.done $0x0  }
0x16a: {  	[sflag:s15] =	ssyncadd.s32 $0xFFFFF800  }
0x16b: {  	_ =	swait.ge [sflag:s15], $0x800  }
0x16c: {  	[sflag:s15] =	ssyncset.done $0x0  }
0x16d: {  	[sflag:s15] =	ssyncadd.s32 $0xFFFFF800  }
0x16e: {  	_ =	swait.ge [sflag:s15], $0x800  }
0x16f: {  	[sflag:s15] =	ssyncset.done $0x0  }
0x170: {  	[sflag:s15] =	ssyncadd.s32 $0xFFFFF800  }
0x171: {  	_ =	swait.ge [sflag:s15], $0x800  }
0x172: {  	[sflag:s15] =	ssyncset.done $0x0  }
0x173: {  	[sflag:s15] =	ssyncadd.s32 $0xFFFFF800  }
0x174: {  	_ =	swait.ge [sflag:s15], $0x800  }
0x175: {  	[sflag:s15] =	ssyncset.done $0x0  }
0x176: {  	[sflag:s15] =	ssyncadd.s32 $0xFFFFF800  }
0x177: {  	_ =	swait.ge [sflag:s15], $0x800  }
0x178: {  	[sflag:s15] =	ssyncset.done $0x0  }
0x179: {  	[sflag:s15] =	ssyncadd.s32 $0xFFFFF800  }
0x17a: {  	_ =	swait.ge [sflag:s15], $0x800  }
0x17b: {  	[sflag:s15] =	ssyncset.done $0x0  }
0x17c: {  	[sflag:s15] =	ssyncadd.s32 $0xFFFFF800  }
0x17d: {  	_ =	swait.ge [sflag:s15], $0x800  }
0x17e: {  	[sflag:s15] =	ssyncset.done $0x0  }
0x17f: {  	[sflag:s15] =	ssyncadd.s32 $0xFFFFF800  }
0x180: {  	_ =	swait.ge [sflag:s15], $0x800  }
0x181: {  	[sflag:s15] =	ssyncset.done $0x0  }
0x182: {  	[sflag:s15] =	ssyncadd.s32 $0xFFFFF800  }
0x183: {  	_ =	swait.ge [sflag:s15], $0x800  }
0x184: {  	[sflag:s15] =	ssyncset.done $0x0  }
0x185: {  	[sflag:s15] =	ssyncadd.s32 $0xFFFFF800  }
0x186: {  	_ =	swait.ge [sflag:s15], $0x800  }
0x187: {  	[sflag:s15] =	ssyncset.done $0x0  }
0x188: {  	[sflag:s15] =	ssyncadd.s32 $0xFFFFF800  }
0x189: {  	_ =	swait.ge [sflag:s15], $0x800  }
0x18a: {  	s19 =	rddreg [dreg:$0x1b]  }
0x18b: {  	s22 =	rddreg [dreg:$0x1f];
	[sflag:s15] =	ssyncset.done $0x0  }
0x18c: {  	s14 =	sadd.s32 s22, s19;
	[sflag:s15] =	ssyncadd.s32 $0xFFFFF800  }
0x18d: {  	s22 =	simm.s32 $0x10000;
	s19 =	sshrl.u32 s14, $0x3;
	s15 =	rddreg [dreg:$0x0]  }
0x18e: {  	[smem:$0x7FC] =	sst s14;
	s14 =	sadd.s32 s15, s19;
	s15 =	simm.s32 $0x0  }
0x18f: {  	[tilespmem:s22], [sflag:$0x2] =	stream.linear.gather [hbm4b:s14+s15], $0x10, $0x38;
	[tilespmem:$0x11380] =	vst v63  }
0x190: {  	s22 =	simm.s32 $0x2  }
0x191: {  	_ =	swait.ge [sflag:s22], $0x10  }
0x192: {  	[sflag:s22] =	ssyncset.done $0x0  }
0x193: {  	[sflag:s22] =	ssyncadd.s32 $0xFFFFFFF0  }
0x194: {  	s14 =	rddreg [dreg:$0x1]  }
0x195: {  	s15 =	simm.s32 $0x10080;
	s22 =	simm.s32 $0x0;
	s14 =	sadd.s32 s14, s19  }
0x196: {  	[tilespmem:s15], [sflag:$0x2] =	stream.linear.gather [hbm4b:s14+s22], $0x10, $0x38;
	[tilespmem:$0x11380] =	vst v63  }
0x197: {  	s22 =	simm.s32 $0x2  }
0x198: {  	_ =	swait.ge [sflag:s22], $0x10  }
0x199: {  	[sflag:s22] =	ssyncset.done $0x0  }
0x19a: {  	[sflag:s22] =	ssyncadd.s32 $0xFFFFFFF0  }
0x19b: {  	s14 =	rddreg [dreg:$0x2]  }
0x19c: {  	s15 =	simm.s32 $0x0;
	s14 =	sadd.s32 s14, s19;
	s19 =	simm.s32 $0x10100  }
0x19d: {  	[tilespmem:s19], [sflag:$0x2] =	stream.linear.gather [hbm4b:s14+s15], $0x10, $0x38;
	[tilespmem:$0x11380] =	vst v63  }
0x19e: {  	_ =	swait.ge [sflag:s22], $0x10  }
0x19f: {  	s15 =	sld [smem:$0x7FC];
	_ =	sdelay $0x1  }
0x1a0: {  	s19 =	simm.s32 $0x0  }
0x1a1: {  	[sflag:s22] =	ssyncset.done $0x0;
	s14 =	sshll.u32 s15, $0x4;
	s15 =	rddreg [dreg:$0xf]  }
0x1a2: {  	[sflag:s22] =	ssyncadd.s32 $0xFFFFFFF0;
	s14 =	sadd.s32 s15, s14;
	s15 =	simm.s32 $0x10180  }
0x1a3: {  	[tilespmem:s15], [sflag:$0x2] =	stream.linear.gather [hbm4b:s14+s19], $0x800, $0x38;
	[tilespmem:$0x11380] =	vst v63  }
0x1a4: {  	_ =	swait.ge [sflag:s22], $0x800  }
0x1a5: {  	[sflag:s22] =	ssyncset.done $0x0  }
0x1a6: {  	[sflag:s22] =	ssyncadd.s32 $0xFFFFF800  }
0x1a7: {  	s15 =	simm.s32 $0x10000;
	s22 =	simm.s32 $0x10;
	s14 =	rddreg [dreg:$0x4]  }
0x1a8: {  	[tilespmem:s19], [sflag:$0x1] =	stream.indirect.gather [hbm4b:s14+s22], $0x80, s15, s22, $0xb8;
	[tilespmem:$0x11380] =	vst v63  }
0x1a9: {  	s19 =	simm.s32 $0x10080  }
0x1aa: {  	[tilespmem:s23], [sflag:$0x1] =	stream.indirect.gather [hbm4b:s14+s22], $0x80, s19, s22, $0xb8;
	[tilespmem:$0x11380] =	vst v63  }
0x1ab: {  	v7 =	vld [tilespmem:$0x10100];
	_ =	sdelay $0x4  }
0x1ac: {  	v8 =	vshll.u32 v7, $0x1  }
0x1ad: {  	v7 =	vand.u32 $0x7, v7;
	v8 =	vand.u32 $0xFFFFFFF0, v8  }
0x1ae: {  	v7 =	vor.u32 v7, v8  }
0x1af: {  	v8 =	vperm.xlane v7, v0;
	_ =	sdelay $0x1  }
0x1b0: {  	v7 =	vperm.xlane v7, v2;
	v8 =	vadd.s32 v1, v8;
	_ =	sdelay $0x1  }
0x1b1: {  	v7 =	vadd.s32 v1, v7;
	_ =	sdelay $0x1  }
0x1b2: {  	s15 =	simm.s32 $0x0;
	s19 =	rddreg [dreg:$0x5]  }
0x1b3: {  	[tilespmem:s20], [sflag:$0x1] =	stream.indirect_vreg.gather [hbm4b:s19+s15], $0x80, v8, vm0, $0xb8;
	[tilespmem:$0x11380] =	vst v63  }
0x1b4: {  	s23 =	simm.s32 $0x1800  }
0x1b5: {  	[tilespmem:s23], [sflag:$0x1] =	stream.indirect_vreg.gather [hbm4b:s19+s15], $0x80, v7, vm0, $0xb8;
	[tilespmem:$0x11380] =	vst v63  }
0x1b6: {  	s23 =	rddreg [dreg:$0x6];
	s19 =	simm.s32 $0x10000  }
0x1b7: {  	[tilespmem:s24], [sflag:$0x1] =	stream.indirect.gather [hbm4b:s23+s22], $0x80, s19, s22, $0xb8;
	[tilespmem:$0x11380] =	vst v63  }
0x1b8: {  	s19 =	rddreg [dreg:$0x8];
	s24 =	simm.s32 $0x10000  }
0x1b9: {  	[tilespmem:s25], [sflag:$0x1] =	stream.indirect.gather [hbm4b:s19+s22], $0x80, s24, s22, $0xb8;
	[tilespmem:$0x11380] =	vst v63  }
0x1ba: {  	s25 =	rddreg [dreg:$0xa]  }
0x1bb: {  	[tilespmem:s26], [sflag:$0x1] =	stream.indirect.gather [hbm4b:s25+s22], $0x80, s24, s22, $0xb8;
	[tilespmem:$0x11380] =	vst v63  }
0x1bc: {  	s15 =	smov.u32 s25;
	s25 =	rddreg [dreg:$0x7]  }
0x1bd: {  	[tilespmem:s28], [sflag:$0x1] =	stream.indirect.gather [hbm4b:s25+s22], $0x80, s24, s22, $0xb8;
	[tilespmem:$0x11380] =	vst v63  }
0x1be: {  	s14 =	rddreg [dreg:$0x9]  }
0x1bf: {  	[tilespmem:s11], [sflag:$0x1] =	stream.indirect.gather [hbm4b:s14+s22], $0x80, s24, s22, $0xb8;
	[tilespmem:$0x11380] =	vst v63  }
0x1c0: {  	s28 =	rddreg [dreg:$0xb];
	s24 =	simm.s32 $0x10000  }
0x1c1: {  	[tilespmem:s21], [sflag:$0x1] =	stream.indirect.gather [hbm4b:s28+s22], $0x80, s24, s22, $0xb8;
	[tilespmem:$0x11380] =	vst v63  }
0x1c2: {  	s21 =	simm.s32 $0x10080  }
0x1c3: {  	[tilespmem:s0], [sflag:$0x1] =	stream.indirect.gather [hbm4b:s23+s22], $0x80, s21, s22, $0xb8;
	[tilespmem:$0x11380] =	vst v63  }
0x1c4: {  	_ = 	snop  }
0x1c5: {  	[tilespmem:s1], [sflag:$0x1] =	stream.indirect.gather [hbm4b:s19+s22], $0x80, s21, s22, $0xb8;
	[tilespmem:$0x11380] =	vst v63  }
0x1c6: {  	_ = 	snop  }
0x1c7: {  	[tilespmem:s2], [sflag:$0x1] =	stream.indirect.gather [hbm4b:s15+s22], $0x80, s21, s22, $0xb8;
	[tilespmem:$0x11380] =	vst v63  }
0x1c8: {  	_ = 	snop  }
0x1c9: {  	[tilespmem:s13], [sflag:$0x1] =	stream.indirect.gather [hbm4b:s25+s22], $0x80, s21, s22, $0xb8;
	[tilespmem:$0x11380] =	vst v63  }
0x1ca: {  	s24 =	simm.s32 $0x0  }
0x1cb: {  	v10 =	vor.u32 s24, v3;
	[tilespmem:s16], [sflag:$0x1] =	stream.indirect.gather [hbm4b:s14+s22], $0x80, s21, s22, $0xb8;
	[tilespmem:$0x11380] =	vst v63  }
0x1cc: {  	s23 =	simm.s32 $0x10080;
	s25 =	simm.s32 $0x10B00  }
0x1cd: {  	[tilespmem:s3], [sflag:$0x1] =	stream.indirect.gather [hbm4b:s28+s22], $0x80, s23, s22, $0xb8;
	[tilespmem:$0x11380] =	vst v63  }
0x1ce: {  	v8 =	vld.idx.msk [tilespmem:v3+s25+$0x0], $0xffff  }
0x1cf: {  	v9 =	vld.idx.msk [tilespmem:v4+s25+$0x0], $0xffff  }
0x1d0: {  	v7 =	vld.idx.msk [tilespmem:v10+s7+$0x0], $0xffff  }
0x1d1: {  	v11 =	vld.idx.msk [tilespmem:v10+s18+$0x0], $0xffff  }
0x1d2: {  	s26 =	simm.s32 $0x1;
	v12 =	vld.idx.msk [tilespmem:v10+s6+$0x0], $0xffff  }
0x1d3: {  	v15 =	vor.u32 s26, v3;
	v13 =	vld.idx.msk [tilespmem:v10+s10+$0x0], $0xffff  }
0x1d4: {  	v14 =	vld.idx.msk [tilespmem:v10+s30+$0x0], $0xffff  }
0x1d5: {  	v16 =	vld.idx.msk [tilespmem:v10+s17+$0x0], $0xffff  }
0x1d6: {  	v17 =	vld.idx.msk [tilespmem:v10+s5+$0x0], $0xffff  }
0x1d7: {  	v18 =	vld.idx.msk [tilespmem:v10+s9+$0x0], $0xffff  }
0x1d8: {  	v19 =	vld.idx.msk [tilespmem:v15+s7+$0x0], $0xffff  }
0x1d9: {  	v20 =	vld.idx.msk [tilespmem:v15+s18+$0x0], $0xffff  }
0x1da: {  	v21 =	vld.idx.msk [tilespmem:v15+s30+$0x0], $0xffff  }
0x1db: {  	v22 =	vld.idx.msk [tilespmem:v15+s17+$0x0], $0xffff  }
0x1dc: {  	v23 =	vld.idx.msk [tilespmem:v15+s5+$0x0], $0xffff  }
0x1dd: {  	v24 =	vld.idx.msk [tilespmem:v15+s9+$0x0], $0xffff;
	v14 =	vmul.f32 v14, v8  }
0x1de: {  	v57 =	vor.u32 s26, v5;
	v25 =	vld.idx.msk [tilespmem:v15+s6+$0x0], $0xffff;
	v16 =	vmul.f32 v16, v9  }
0x1df: {  	v26 =	vld.idx.msk [tilespmem:v15+s10+$0x0], $0xffff;
	v17 =	vmul.f32 v17, v8;
	v18 =	vmul.f32 v18, v9;
	v27 =	vadd.f32 v7, v14  }
0x1e0: {  	v7 =	vmul.f32 v21, v8;
	v21 =	vadd.f32 v11, v16;
	v11 =	vmul.f32 v22, v9  }
0x1e1: {  	v22 =	vadd.f32 v12, v17;
	v18 =	vadd.f32 v13, v18;
	v12 =	vmul.f32 v23, v8  }
0x1e2: {  	v13 =	vmul.f32 v24, v9;
	v19 =	vadd.f32 v19, v7;
	v23 =	vadd.f32 v20, v11  }
0x1e3: {  	v16 =	vmul.f32 v27, v27;
	v17 =	vmul.f32 v21, v21;
	v20 =	vadd.f32 v25, v12  }
0x1e4: {  	v24 =	vmul.f32 v22, v22;
	v25 =	vmul.f32 v18, v18;
	v26 =	vadd.f32 v26, v13  }
0x1e5: {  	v54 =	vor.u32 s26, v6;
	s28 =	simm.s32 $0x0;
	v28 =	vmul.f32 v19, v19;
	v29 =	vmul.f32 v23, v23  }
0x1e6: {  	v11 =	vor.u32 s28, v6;
	v30 =	vmul.f32 v20, v20;
	v31 =	vmul.f32 v26, v26  }
0x1e7: {  	s15 =	simm.s32 $0x2;
	v12 =	vor.u32 s28, v5;
	v13 =	vmul.f32 $2.755731880e-06, v16;
	v14 =	vmul.f32 $2.755731880e-06, v17  }
0x1e8: {  	v7 =	vor.u32 s15, v3;
	v55 =	vmul.f32 $2.755731880e-06, v24;
	v56 =	vmul.f32 $2.755731880e-06, v25  }
0x1e9: {  	v13 =	vadd.f32 $-1.984127010e-04, v13;
	v58 =	vmul.f32 $2.755731880e-06, v28;
	v59 =	vmul.f32 $2.755731880e-06, v29  }
0x1ea: {  	s11 =	simm.s32 $0x8800;
	v32 =	vadd.f32 $-1.984127010e-04, v55;
	v14 =	vadd.f32 $-1.984127010e-04, v14;
	v60 =	vmul.f32 $2.755731880e-06, v30  }
0x1eb: {  	v61 =	vld.idx.msk [tilespmem:v10+s11+$0x0], $0xffff;
	v33 =	vadd.f32 $-1.984127010e-04, v56;
	v62 =	vmul.f32 $2.755731880e-06, v31;
	v35 =	vadd.f32 $-1.984127010e-04, v58  }
0x1ec: {  	s3 =	simm.s32 $0x8000;
	v40 =	vld.idx.msk [tilespmem:v11+s4+$0x0], $0xffff;
	v11 =	vmul.f32 v13, v16;
	v13 =	vmul.f32 v14, v17;
	v14 =	vadd.f32 $-1.984127010e-04, v59  }
0x1ed: {  	v63 =	vld.idx.msk [tilespmem:v10+s3+$0x0], $0xffff;
	v32 =	vmul.f32 v32, v24;
	v33 =	vmul.f32 v33, v25;
	v37 =	vadd.f32 $-1.984127010e-04, v60  }
0x1ee: {  	v41 =	vld.idx.msk [tilespmem:v12+s4+$0x0], $0xffff;
	v12 =	vadd.f32 $-1.984127010e-04, v62;
	v35 =	vmul.f32 v35, v28;
	v14 =	vmul.f32 v14, v29  }
0x1ef: {  	v52 =	vld.idx.msk [tilespmem:v10+s29+$0x0], $0xffff;
	v11 =	vadd.f32 $8.333333770e-03, v11;
	v13 =	vadd.f32 $8.333333770e-03, v13;
	v37 =	vmul.f32 v37, v30  }
0x1f0: {  	v42 =	vld.idx.msk [tilespmem:v10+s31+$0x0], $0xffff;
	v32 =	vadd.f32 $8.333333770e-03, v32;
	v33 =	vadd.f32 $8.333333770e-03, v33;
	v12 =	vmul.f32 v12, v31  }
0x1f1: {  	v43 =	vld.idx.msk [tilespmem:v10+s8+$0x0], $0xffff;
	v44 =	vmul.f32 v11, v16;
	v35 =	vadd.f32 $8.333333770e-03, v35;
	v14 =	vadd.f32 $8.333333770e-03, v14  }
0x1f2: {  	v45 =	vld.idx.msk [tilespmem:v10+s12+$0x0], $0xffff;
	v32 =	vmul.f32 v32, v24;
	v10 =	vmul.f32 v13, v17;
	v37 =	vadd.f32 $8.333333770e-03, v37  }
0x1f3: {  	v57 =	vld.idx.msk [tilespmem:v57+s4+$0x0], $0xffff;
	v33 =	vmul.f32 v33, v25;
	v46 =	vadd.f32 $8.333333770e-03, v12;
	v35 =	vmul.f32 v35, v28  }
0x1f4: {  	v56 =	vld.idx.msk [tilespmem:v15+s3+$0x0], $0xffff;
	v44 =	vadd.f32 $-1.666666720e-01, v44;
	v10 =	vadd.f32 $-1.666666720e-01, v10;
	v47 =	vmul.f32 v14, v29  }
0x1f5: {  	v48 =	vld.idx.msk [tilespmem:v7+s30+$0x0], $0xffff;
	v32 =	vadd.f32 $-1.666666720e-01, v32;
	v33 =	vadd.f32 $-1.666666720e-01, v33;
	v37 =	vmul.f32 v37, v30  }
0x1f6: {  	v60 =	vld.idx.msk [tilespmem:v15+s8+$0x0], $0xffff;
	v46 =	vmul.f32 v46, v31;
	v35 =	vadd.f32 $-1.666666720e-01, v35;
	v47 =	vadd.f32 $-1.666666720e-01, v47  }
0x1f7: {  	v11 =	vld.idx.msk [tilespmem:v7+s7+$0x0], $0xffff;
	v44 =	vmul.f32 v44, v16;
	v49 =	vmul.f32 v10, v17;
	v10 =	vadd.f32 $-1.666666720e-01, v37  }
0x1f8: {  	v12 =	vld.idx.msk [tilespmem:v7+s18+$0x0], $0xffff;
	v24 =	vmul.f32 v32, v24;
	v25 =	vmul.f32 v33, v25;
	v53 =	vadd.f32 $-1.666666720e-01, v46  }
0x1f9: {  	v62 =	vimm.f32 $0.0e+00;
	v13 =	vld.idx.msk [tilespmem:v7+s6+$0x0], $0xffff;
	v28 =	vmul.f32 v35, v28;
	v29 =	vmul.f32 v47, v29  }
0x1fa: {  	s14 =	simm.s32 $0x3;
	v55 =	vadd.f32 v41, v63;
	v14 =	vld.idx.msk [tilespmem:v7+s10+$0x0], $0xffff;
	v30 =	vmul.f32 v10, v30;
	v31 =	vmul.f32 v53, v31  }
0x1fb: {  	v16 =	vld.idx.msk [tilespmem:v7+s17+$0x0], $0xffff;
	v10 =	vor.u32 s14, v3;
	v24 =	vmul.f32 v24, v22;
	v25 =	vmul.f32 v25, v18  }
0x1fc: {  	v17 =	vld.idx.msk [tilespmem:v7+s5+$0x0], $0xffff;
	v58 =	vmul.f32 v44, v27;
	v59 =	vmul.f32 v49, v21;
	v35 =	vsub.f32 v55, v61  }
0x1fd: {  	v61 =	vld.idx.msk [tilespmem:v15+s31+$0x0], $0xffff;
	v22 =	vadd.f32 v24, v22;
	v18 =	vadd.f32 v25, v18;
	v25 =	vmul.f32 v28, v19  }
0x1fe: {  	v24 =	vld.idx.msk [tilespmem:v15+s12+$0x0], $0xffff;
	v27 =	vadd.f32 v58, v27;
	v28 =	vmul.f32 v30, v20;
	v30 =	vmul.f32 v31, v26  }
0x1ff: {  	v31 =	vld.idx.msk [tilespmem:v15+s29+$0x0], $0xffff;
	v21 =	vadd.f32 v59, v21;
	v22 =	vmul.f32 v22, v43;
	v18 =	vmul.f32 v18, v45  }
0x200: {  	v15 =	vld.idx.msk [tilespmem:v15+s11+$0x0], $0xffff;
	v29 =	vmul.f32 v29, v23;
	v28 =	vadd.f32 v28, v20;
	v26 =	vadd.f32 v30, v26  }
0x201: {  	v27 =	vmul.f32 v27, v52;
	v21 =	vmul.f32 v21, v42;
	v30 =	vld.idx.msk [tilespmem:v54+s4+$0x0], $0xffff;
	v22 =	vadd.f32 v18, v22  }
0x202: {  	v20 =	vld.idx.msk [tilespmem:v7+s9+$0x0], $0xffff;
	v25 =	vadd.f32 v25, v19;
	v23 =	vadd.f32 v29, v23;
	v28 =	vmul.f32 v28, v60  }
0x203: {  	v19 =	vld.idx.msk [tilespmem:v10+s18+$0x0], $0xffff;
	v21 =	vadd.f32 v21, v27;
	v24 =	vmul.f32 v26, v24;
	v27 =	vadd.f32 v22, v40  }
0x204: {  	v29 =	vadd.f32 v57, v56;
	v18 =	vld.idx.msk [tilespmem:v10+s7+$0x0], $0xffff;
	v25 =	vmul.f32 v25, v31;
	v31 =	vmul.f32 v23, v61  }
0x205: {  	v26 =	vand.u32 $0x7FFFFFFF, v35;
	v23 =	vld.idx.msk [tilespmem:v10+s5+$0x0], $0xffff;
	v28 =	vadd.f32 v24, v28;
	v27 =	vsub.f32 v27, v21  }
0x206: {  	s26 =	simm.s32 $0x3800;
	v22 =	vld.idx.msk [tilespmem:v10+s30+$0x0], $0xffff;
	v63 =	vadd.f32 v26, v62;
	v25 =	vadd.f32 v31, v25  }
0x207: {  	s0 =	simm.s32 $0x5800;
	s19 =	simm.s32 $0x4;
	s2 =	simm.s32 $0x6800;
	v24 =	vld.idx.msk [tilespmem:v10+s17+$0x0], $0xffff;
	v21 =	vsub.f32 v29, v15;
	v29 =	vand.u32 $0x7FFFFFFF, v27;
	v27 =	vadd.f32 v28, v30  }
0x208: {  	s13 =	simm.s32 $0x7000;
	s21 =	simm.s32 $0x5000;
	s23 =	simm.s32 $0x2000;
	v26 =	vld.idx.msk [tilespmem:v10+s9+$0x0], $0xffff;
	v15 =	vmul.f32 v48, v8;
	v28 =	vadd.f32 v29, v63  }
.LBB2_5:
0x209: {  	p0 =	slt.u32 s19, $0x7E;
	v16 =	vmul.f32 v16, v9;
	v29 =	vld.idx.msk [tilespmem:v10+s6+$0x0], $0xffff;
	v21 =	vand.u32 $0x7FFFFFFF, v21;
	v25 =	vsub.f32 v27, v25  }
0x20a: {  	v17 =	vmul.f32 v17, v8;
	v27 =	vmul.f32 v20, v9;
	v30 =	vld.idx.msk [tilespmem:v10+s10+$0x0], $0xffff;
	v28 =	vadd.f32 v28, v21  }
0x20b: {  	v21 =	vadd.f32 v11, v15;
	v11 =	vmul.f32 v22, v8;
	v15 =	vand.u32 $0x7FFFFFFF, v25  }
0x20c: {  	v20 =	vadd.f32 v12, v16;
	v12 =	vmul.f32 v24, v9;
	v15 =	vadd.f32 v15, v28  }
0x20d: {  	v24 =	vadd.f32 v13, v17;
	v25 =	vadd.f32 v14, v27;
	v13 =	vmul.f32 v23, v8  }
0x20e: {  	v18 =	vadd.f32 v18, v11;
	v14 =	vmul.f32 v26, v9;
	v19 =	vadd.f32 v19, v12  }
0x20f: {  	v16 =	vmul.f32 v21, v21;
	v17 =	vmul.f32 v20, v20;
	v22 =	vadd.f32 v29, v13  }
0x210: {  	v26 =	vmul.f32 v24, v24;
	v27 =	vmul.f32 v25, v25;
	v23 =	vadd.f32 v30, v14  }
0x211: {  	v11 =	vor.u32 s15, v6;
	v28 =	vmul.f32 v18, v18;
	v29 =	vmul.f32 v19, v19  }
0x212: {  	v12 =	vor.u32 s15, v5;
	s15 =	smov.u32 s19;
	v30 =	vmul.f32 v22, v22;
	v31 =	vmul.f32 v23, v23  }
0x213: {  	v13 =	vmul.f32 $2.755731880e-06, v16;
	v14 =	vor.u32 s19, v3;
	v32 =	vmul.f32 $2.755731880e-06, v17  }
0x214: {  	v35 =	vor.u32 s14, v5;
	v33 =	vmul.f32 $2.755731880e-06, v26;
	v34 =	vmul.f32 $2.755731880e-06, v27  }
0x215: {  	v13 =	vadd.f32 $-1.984127010e-04, v13;
	v36 =	vmul.f32 $2.755731880e-06, v28;
	v37 =	vmul.f32 $2.755731880e-06, v29  }
0x216: {  	v33 =	vadd.f32 $-1.984127010e-04, v33;
	v32 =	vadd.f32 $-1.984127010e-04, v32;
	v38 =	vmul.f32 $2.755731880e-06, v30  }
0x217: {  	v34 =	vadd.f32 $-1.984127010e-04, v34;
	v36 =	vadd.f32 $-1.984127010e-04, v36;
	v40 =	vmul.f32 $2.755731880e-06, v31;
	v39 =	vld.idx.msk [tilespmem:v7+s11+$0x0], $0xffff  }
0x218: {  	v41 =	vld.idx.msk [tilespmem:v11+s4+$0x0], $0xffff;
	v11 =	vmul.f32 v13, v16;
	v13 =	vmul.f32 v32, v17;
	v32 =	vadd.f32 $-1.984127010e-04, v37  }
0x219: {  	v33 =	vmul.f32 v33, v26;
	v34 =	vmul.f32 v34, v27;
	v38 =	vadd.f32 $-1.984127010e-04, v38;
	v37 =	vld.idx.msk [tilespmem:v7+s3+$0x0], $0xffff  }
0x21a: {  	v36 =	vmul.f32 v36, v28;
	v42 =	vld.idx.msk [tilespmem:v12+s4+$0x0], $0xffff;
	v12 =	vadd.f32 $-1.984127010e-04, v40;
	v32 =	vmul.f32 v32, v29  }
0x21b: {  	v38 =	vmul.f32 v38, v30;
	v11 =	vadd.f32 $8.333333770e-03, v11;
	v13 =	vadd.f32 $8.333333770e-03, v13;
	v40 =	vld.idx.msk [tilespmem:v7+s29+$0x0], $0xffff  }
0x21c: {  	v33 =	vadd.f32 $8.333333770e-03, v33;
	v34 =	vadd.f32 $8.333333770e-03, v34;
	v43 =	vld.idx.msk [tilespmem:v7+s31+$0x0], $0xffff;
	v12 =	vmul.f32 v12, v31  }
0x21d: {  	v36 =	vadd.f32 $8.333333770e-03, v36;
	v45 =	vmul.f32 v11, v16;
	v32 =	vadd.f32 $8.333333770e-03, v32;
	v44 =	vld.idx.msk [tilespmem:v7+s8+$0x0], $0xffff  }
0x21e: {  	v33 =	vmul.f32 v33, v26;
	v38 =	vadd.f32 $8.333333770e-03, v38;
	v13 =	vmul.f32 v13, v17;
	v46 =	vld.idx.msk [tilespmem:v7+s12+$0x0], $0xffff;
	v7 =	vmovc v14  }
0x21f: {  	v34 =	vmul.f32 v34, v27;
	v36 =	vmul.f32 v36, v28;
	v47 =	vadd.f32 $8.333333770e-03, v12;
	v11 =	vld.idx.msk [tilespmem:v14+s7+$0x0], $0xffff  }
0x220: {  	v45 =	vadd.f32 $-1.666666720e-01, v45;
	v48 =	vadd.f32 $-1.666666720e-01, v13;
	v32 =	vmul.f32 v32, v29;
	v12 =	vld.idx.msk [tilespmem:v14+s18+$0x0], $0xffff  }
0x221: {  	v33 =	vadd.f32 $-1.666666720e-01, v33;
	v34 =	vadd.f32 $-1.666666720e-01, v34;
	v38 =	vmul.f32 v38, v30;
	v13 =	vld.idx.msk [tilespmem:v14+s6+$0x0], $0xffff  }
0x222: {  	v36 =	vadd.f32 $-1.666666720e-01, v36;
	v47 =	vmul.f32 v47, v31;
	v32 =	vadd.f32 $-1.666666720e-01, v32;
	v14 =	vld.idx.msk [tilespmem:v14+s10+$0x0], $0xffff  }
0x223: {  	v38 =	vadd.f32 $-1.666666720e-01, v38;
	v45 =	vmul.f32 v45, v16;
	v48 =	vmul.f32 v48, v17;
	v49 =	vld.idx.msk [tilespmem:v7+s30+$0x0], $0xffff  }
0x224: {  	v26 =	vmul.f32 v33, v26;
	v27 =	vmul.f32 v34, v27;
	v33 =	vadd.f32 $-1.666666720e-01, v47;
	v16 =	vld.idx.msk [tilespmem:v7+s17+$0x0], $0xffff  }
0x225: {  	v34 =	vor.u32 s14, v6;
	v28 =	vmul.f32 v36, v28;
	v29 =	vmul.f32 v32, v29;
	v17 =	vld.idx.msk [tilespmem:v7+s5+$0x0], $0xffff  }
0x226: {  	s14 =	sadd.s32 $0x1, s19;
	v30 =	vmul.f32 v38, v30;
	v32 =	vadd.f32 v42, v37;
	v31 =	vmul.f32 v33, v31;
	v36 =	vld.idx.msk [tilespmem:v10+s3+$0x0], $0xffff  }
0x227: {  	v26 =	vmul.f32 v26, v24;
	v27 =	vmul.f32 v27, v25;
	v33 =	vor.u32 s14, v3;
	v35 =	vld.idx.msk [tilespmem:v35+s4+$0x0], $0xffff  }
0x228: {  	v37 =	vmul.f32 v45, v21;
	v38 =	vmul.f32 v48, v20;
	v32 =	vsub.f32 v32, v39;
	v39 =	vld.idx.msk [tilespmem:v10+s8+$0x0], $0xffff  }
0x229: {  	v24 =	vadd.f32 v26, v24;
	v25 =	vadd.f32 v27, v25;
	v27 =	vmul.f32 v28, v18;
	v26 =	vld.idx.msk [tilespmem:v10+s12+$0x0], $0xffff  }
0x22a: {  	v28 =	vmul.f32 v30, v22;
	v21 =	vadd.f32 v37, v21;
	v30 =	vmul.f32 v31, v23;
	v31 =	vld.idx.msk [tilespmem:v10+s29+$0x0], $0xffff  }
0x22b: {  	v24 =	vmul.f32 v24, v44;
	v25 =	vmul.f32 v25, v46;
	v20 =	vadd.f32 v38, v20;
	v37 =	vld.idx.msk [tilespmem:v10+s31+$0x0], $0xffff  }
0x22c: {  	v38 =	vld.idx.msk [tilespmem:v10+s11+$0x0], $0xffff;
	v10 =	vadd.f32 v28, v22;
	v22 =	vadd.f32 v30, v23;
	v23 =	vmul.f32 v29, v19  }
0x22d: {  	v24 =	vadd.f32 v25, v24;
	v21 =	vmul.f32 v21, v40;
	v25 =	vmul.f32 v20, v43;
	v28 =	vld.idx.msk [tilespmem:v34+s4+$0x0], $0xffff  }
0x22e: {  	v34 =	vadd.f32 v27, v18;
	v20 =	vld.idx.msk [tilespmem:v7+s9+$0x0], $0xffff;
	v29 =	vmul.f32 v10, v39;
	v23 =	vadd.f32 v23, v19  }
0x22f: {  	v24 =	vadd.f32 v24, v41;
	v21 =	vadd.f32 v25, v21;
	v25 =	vmul.f32 v22, v26;
	v18 =	vld.idx.msk [tilespmem:v33+s7+$0x0], $0xffff  }
.Ltmp1:
0x230: {  	v30 =	vadd.f32 v35, v36;
	v26 =	vand.u32 $0x7FFFFFFF, v32;
	v27 =	vmul.f32 v34, v31;
	v19 =	vld.idx.msk [tilespmem:v33+s18+$0x0], $0xffff;
	v10 =	vmovc v33;
	(pc) =	sbr.rel @p0 .LBB2_5-.Ltmp1, $4  }
0x231: {  	v31 =	vsub.f32 v24, v21;
	v29 =	vadd.f32 v25, v29;
	v25 =	vmul.f32 v23, v37;
	v22 =	vld.idx.msk [tilespmem:v33+s30+$0x0], $0xffff  }
0x232: {  	v32 =	vadd.f32 v26, v15;
	v21 =	vsub.f32 v30, v38;
	v24 =	vld.idx.msk [tilespmem:v33+s17+$0x0], $0xffff  }
0x233: {  	v30 =	vand.u32 $0x7FFFFFFF, v31;
	v25 =	vadd.f32 v25, v27;
	v27 =	vadd.f32 v29, v28;
	v23 =	vld.idx.msk [tilespmem:v33+s5+$0x0], $0xffff  }
0x234: {  	s19 =	sadd.s32 $0x2, s19;
	v15 =	vmul.f32 v49, v8;
	v28 =	vadd.f32 v30, v32;
	v26 =	vld.idx.msk [tilespmem:v33+s9+$0x0], $0xffff  }
0x235: {  	v16 =	vmul.f32 v16, v9;
	v21 =	vand.u32 $0x7FFFFFFF, v21;
	v25 =	vsub.f32 v27, v25  }
0x236: {  	v17 =	vmul.f32 v17, v8;
	v20 =	vmul.f32 v20, v9;
	v61 =	vor.u32 s15, v6  }
0x237: {  	v63 =	vor.u32 s15, v5;
	v33 =	vor.u32 s14, v5;
	v47 =	vor.u32 s14, v6  }
0x238: {  	v21 =	vadd.f32 v28, v21;
	v11 =	vadd.f32 v11, v15;
	v52 =	vmul.f32 v22, v8  }
0x239: {  	v29 =	vld.idx.msk [tilespmem:v10+s6+$0x0], $0xffff;
	v12 =	vadd.f32 v12, v16;
	v53 =	vmul.f32 v24, v9;
	v13 =	vadd.f32 v13, v17  }
0x23a: {  	v51 =	vld.idx.msk [tilespmem:v10+s10+$0x0], $0xffff;
	v14 =	vadd.f32 v14, v20;
	v8 =	vmul.f32 v23, v8;
	v55 =	vmul.f32 v11, v11  }
0x23b: {  	v15 =	vadd.f32 v18, v52;
	v54 =	vmul.f32 v26, v9;
	v56 =	vmul.f32 v12, v12  }
0x23c: {  	v16 =	vadd.f32 v19, v53;
	v57 =	vmul.f32 v13, v13;
	v20 =	vmul.f32 v14, v14  }
0x23d: {  	v58 =	vand.u32 $0x7FFFFFFF, v25;
	v59 =	vmul.f32 v15, v15;
	v42 =	vmul.f32 $2.755731880e-06, v55  }
0x23e: {  	v8 =	vadd.f32 v29, v8;
	v60 =	vmul.f32 v16, v16;
	v30 =	vmul.f32 $2.755731880e-06, v56  }
0x23f: {  	v9 =	vadd.f32 v51, v54;
	v31 =	vmul.f32 $2.755731880e-06, v57;
	v32 =	vmul.f32 $2.755731880e-06, v20  }
0x240: {  	v62 =	vmul.f32 v8, v8;
	v29 =	vadd.f32 $-1.984127010e-04, v42;
	v34 =	vmul.f32 $2.755731880e-06, v59  }
0x241: {  	v27 =	vmul.f32 v9, v9;
	v35 =	vmul.f32 $2.755731880e-06, v60;
	v31 =	vadd.f32 $-1.984127010e-04, v31  }
0x242: {  	v30 =	vadd.f32 $-1.984127010e-04, v30;
	v32 =	vadd.f32 $-1.984127010e-04, v32;
	v36 =	vmul.f32 $2.755731880e-06, v62  }
0x243: {  	v34 =	vadd.f32 $-1.984127010e-04, v34;
	v29 =	vmul.f32 v29, v55;
	v37 =	vmul.f32 $2.755731880e-06, v27  }
0x244: {  	v30 =	vmul.f32 v30, v56;
	v35 =	vadd.f32 $-1.984127010e-04, v35;
	v31 =	vmul.f32 v31, v57  }
0x245: {  	v32 =	vmul.f32 v32, v20;
	v36 =	vadd.f32 $-1.984127010e-04, v36;
	v29 =	vadd.f32 $8.333333770e-03, v29  }
0x246: {  	v34 =	vmul.f32 v34, v59;
	v37 =	vadd.f32 $-1.984127010e-04, v37;
	v30 =	vadd.f32 $8.333333770e-03, v30  }
0x247: {  	v35 =	vmul.f32 v35, v60;
	v31 =	vadd.f32 $8.333333770e-03, v31;
	v32 =	vadd.f32 $8.333333770e-03, v32  }
0x248: {  	v36 =	vmul.f32 v36, v62;
	v29 =	vmul.f32 v29, v55;
	v34 =	vadd.f32 $8.333333770e-03, v34  }
0x249: {  	v37 =	vmul.f32 v37, v27;
	v35 =	vadd.f32 $8.333333770e-03, v35;
	v31 =	vmul.f32 v31, v57  }
0x24a: {  	v30 =	vmul.f32 v30, v56;
	v32 =	vmul.f32 v32, v20;
	v36 =	vadd.f32 $8.333333770e-03, v36  }
0x24b: {  	v38 =	vld.idx.msk [tilespmem:v7+s11+$0x0], $0xffff;
	v34 =	vmul.f32 v34, v59;
	v29 =	vadd.f32 $-1.666666720e-01, v29;
	v37 =	vadd.f32 $8.333333770e-03, v37  }
0x24c: {  	v39 =	vld.idx.msk [tilespmem:v7+s3+$0x0], $0xffff;
	v30 =	vadd.f32 $-1.666666720e-01, v30;
	v35 =	vmul.f32 v35, v60;
	v31 =	vadd.f32 $-1.666666720e-01, v31  }
0x24d: {  	v40 =	vld.idx.msk [tilespmem:v7+s29+$0x0], $0xffff;
	v32 =	vadd.f32 $-1.666666720e-01, v32;
	v36 =	vmul.f32 v36, v62;
	v17 =	vmul.f32 v29, v55  }
0x24e: {  	v28 =	vld.idx.msk [tilespmem:v63+s4+$0x0], $0xffff;
	v34 =	vadd.f32 $-1.666666720e-01, v34;
	v37 =	vmul.f32 v37, v27;
	v18 =	vmul.f32 v30, v56  }
0x24f: {  	v44 =	vld.idx.msk [tilespmem:v7+s31+$0x0], $0xffff;
	v35 =	vadd.f32 $-1.666666720e-01, v35;
	v19 =	vmul.f32 v31, v57;
	v20 =	vmul.f32 v32, v20  }
0x250: {  	v46 =	vld.idx.msk [tilespmem:v7+s8+$0x0], $0xffff;
	v21 =	vadd.f32 v58, v21;
	v23 =	vmul.f32 v34, v59;
	v17 =	vmul.f32 v17, v11  }
0x251: {  	v7 =	vld.idx.msk [tilespmem:v7+s12+$0x0], $0xffff;
	v43 =	vadd.f32 $-1.666666720e-01, v36;
	v24 =	vmul.f32 v35, v60;
	v19 =	vmul.f32 v19, v13  }
0x252: {  	v48 =	vld.idx.msk [tilespmem:v10+s3+$0x0], $0xffff;
	v45 =	vadd.f32 $-1.666666720e-01, v37;
	v20 =	vmul.f32 v20, v14;
	v18 =	vmul.f32 v18, v12  }
0x253: {  	v50 =	vld.idx.msk [tilespmem:v10+s8+$0x0], $0xffff;
	v28 =	vadd.f32 v28, v39;
	v26 =	vmul.f32 v43, v62;
	v51 =	vmul.f32 v23, v15  }
0x254: {  	v52 =	vld.idx.msk [tilespmem:v10+s12+$0x0], $0xffff;
	v11 =	vadd.f32 v17, v11;
	v27 =	vmul.f32 v45, v27;
	v13 =	vadd.f32 v19, v13  }
0x255: {  	v25 =	vld.idx.msk [tilespmem:v61+s4+$0x0], $0xffff;
	v14 =	vadd.f32 v20, v14;
	v57 =	vmul.f32 v24, v16;
	v53 =	vmul.f32 v26, v8  }
0x256: {  	v49 =	vld.idx.msk [tilespmem:v33+s4+$0x0], $0xffff;
	v12 =	vadd.f32 v18, v12;
	v11 =	vmul.f32 v11, v40;
	v54 =	vmul.f32 v27, v9  }
0x257: {  	v28 =	vsub.f32 v28, v38;
	v55 =	vld.idx.msk [tilespmem:v10+s29+$0x0], $0xffff;
	v13 =	vmul.f32 v13, v46;
	v7 =	vmul.f32 v14, v7  }
0x258: {  	v56 =	vld.idx.msk [tilespmem:v10+s31+$0x0], $0xffff;
	v15 =	vadd.f32 v51, v15;
	v12 =	vmul.f32 v12, v44;
	v8 =	vadd.f32 v53, v8  }
0x259: {  	v58 =	vld.idx.msk [tilespmem:v10+s11+$0x0], $0xffff;
	v9 =	vadd.f32 v54, v9;
	v7 =	vadd.f32 v7, v13  }
0x25a: {  	v59 =	vld.idx.msk [tilespmem:v47+s4+$0x0], $0xffff;
	v16 =	vadd.f32 v57, v16;
	v11 =	vadd.f32 v12, v11  }
0x25b: {  	v8 =	vmul.f32 v8, v50;
	v7 =	vadd.f32 v7, v25;
	v9 =	vmul.f32 v9, v52  }
0x25c: {  	v61 =	vadd.f32 v49, v48;
	v60 =	vand.u32 $0x7FFFFFFF, v28;
	v15 =	vmul.f32 v15, v55  }
0x25d: {  	v62 =	vmul.f32 v16, v56;
	v7 =	vsub.f32 v7, v11;
	v8 =	vadd.f32 v9, v8  }
0x25e: {  	v10 =	vsub.f32 v61, v58;
	v63 =	vadd.f32 v60, v21  }
0x25f: {  	v9 =	vadd.f32 v62, v15;
	v7 =	vand.u32 $0x7FFFFFFF, v7;
	v8 =	vadd.f32 v8, v59  }
0x260: {  	v7 =	vadd.f32 v7, v63  }
0x261: {  	v10 =	vand.u32 $0x7FFFFFFF, v10;
	v8 =	vsub.f32 v8, v9  }
0x262: {  	v7 =	vadd.f32 v7, v10  }
0x263: {  	v8 =	vand.u32 $0x7FFFFFFF, v8  }
0x264: {  	v7 =	vadd.f32 v8, v7;
	_ =	sdelay $0x1  }
0x265: {  	s24 =	rddreg [dreg:$0xc];
	v7 =	vsub.f32 $0.0e+00, v7  }
0x266: {  	s1 =	rddreg [dreg:$0x1e];
	s22 =	simm.s32 $0x0  }
0x267: {  	s25 =	simm.s32 $0x11300;
	s19 =	simm.s32 $0x2;
	s14 =	sadd.s32 s24, s1;
	[tilespmem:$0x11300] =	vst v7  }
0x268: {  	[hbm4b:s14+s22] =	stream.linear.scatter [tilespmem:s25], [sflag:$0x2], $0x10, $0x38;
	[tilespmem:$0x11380] =	vst v63  }
0x269: {  	_ =	swait.ge [sflag:s19], $0x10  }
0x26a: {  	s28 =	rddreg [dreg:$0x1d]  }
0x26b: {  	s11 =	sadd.s32 $0x1, s28  }
0x26c: {  	p0 =	sne.s32 s11, $0xF  }
.Ltmp2:
0x26d: {  	_ = 	snop;
	(pc) =	sbr.rel @p0 .LBB2_2-.Ltmp2, $3  }
0x26e: {  	_ =	sdelay $0x1  }
0x26f: {  	[sflag:s19] =	ssyncset.done $0x0  }
0x270: {  	s16 =	simm.s32 $0x8000;
	s1 =	simm.s32 $0x8800;
	[sflag:s19] =	ssyncadd.s32 $0xFFFFFFF0  }
0x271: {  	s3 =	simm.s32 $0x1  }
0x272: {  	_ =	swait.ge [sflag:s3], $0x800  }
0x273: {  	[sflag:s3] =	ssyncset.done $0x0  }
0x274: {  	[sflag:s3] =	ssyncadd.s32 $0xFFFFF800  }
0x275: {  	_ =	swait.ge [sflag:s3], $0x800  }
0x276: {  	[sflag:s3] =	ssyncset.done $0x0  }
0x277: {  	[sflag:s3] =	ssyncadd.s32 $0xFFFFF800  }
0x278: {  	_ =	swait.ge [sflag:s3], $0x1000  }
0x279: {  	[sflag:s3] =	ssyncset.done $0x0  }
0x27a: {  	[sflag:s3] =	ssyncadd.s32 $0xFFFFF000  }
0x27b: {  	_ =	swait.ge [sflag:s3], $0x800  }
0x27c: {  	[sflag:s3] =	ssyncset.done $0x0  }
0x27d: {  	[sflag:s3] =	ssyncadd.s32 $0xFFFFF800  }
0x27e: {  	_ =	swait.ge [sflag:s3], $0x800  }
0x27f: {  	[sflag:s3] =	ssyncset.done $0x0  }
0x280: {  	[sflag:s3] =	ssyncadd.s32 $0xFFFFF800  }
0x281: {  	_ =	swait.ge [sflag:s3], $0x800  }
0x282: {  	[sflag:s3] =	ssyncset.done $0x0  }
0x283: {  	[sflag:s3] =	ssyncadd.s32 $0xFFFFF800  }
0x284: {  	_ =	swait.ge [sflag:s3], $0x800  }
0x285: {  	[sflag:s3] =	ssyncset.done $0x0  }
0x286: {  	[sflag:s3] =	ssyncadd.s32 $0xFFFFF800  }
0x287: {  	_ =	swait.ge [sflag:s3], $0x800  }
0x288: {  	[sflag:s3] =	ssyncset.done $0x0  }
0x289: {  	[sflag:s3] =	ssyncadd.s32 $0xFFFFF800  }
0x28a: {  	_ =	swait.ge [sflag:s3], $0x800  }
0x28b: {  	[sflag:s3] =	ssyncset.done $0x0  }
0x28c: {  	[sflag:s3] =	ssyncadd.s32 $0xFFFFF800  }
0x28d: {  	_ =	swait.ge [sflag:s3], $0x800  }
0x28e: {  	[sflag:s3] =	ssyncset.done $0x0  }
0x28f: {  	[sflag:s3] =	ssyncadd.s32 $0xFFFFF800  }
0x290: {  	_ =	swait.ge [sflag:s3], $0x800  }
0x291: {  	[sflag:s3] =	ssyncset.done $0x0  }
0x292: {  	[sflag:s3] =	ssyncadd.s32 $0xFFFFF800  }
0x293: {  	_ =	swait.ge [sflag:s3], $0x800  }
0x294: {  	[sflag:s3] =	ssyncset.done $0x0  }
0x295: {  	[sflag:s3] =	ssyncadd.s32 $0xFFFFF800  }
0x296: {  	_ =	swait.ge [sflag:s3], $0x800  }
0x297: {  	[sflag:s3] =	ssyncset.done $0x0  }
0x298: {  	[sflag:s3] =	ssyncadd.s32 $0xFFFFF800  }
0x299: {  	_ =	swait.ge [sflag:s3], $0x800  }
0x29a: {  	[sflag:s3] =	ssyncset.done $0x0  }
0x29b: {  	[sflag:s3] =	ssyncadd.s32 $0xFFFFF800  }
0x29c: {  	_ =	swait.ge [sflag:s3], $0x800  }
0x29d: {  	s24 =	simm.s32 $0x0;
	[sflag:s3] =	ssyncset.done $0x0  }
0x29e: {  	s14 =	rddreg [dreg:$0x14];
	[sflag:s3] =	ssyncadd.s32 $0xFFFFF800;
	s3 =	simm.s32 $0x10980  }
0x29f: {  	[tilespmem:s3], [sflag:$0x2] =	stream.linear.gather [hbm4b:s14+s24], $0x10, $0x38;
	[tilespmem:$0x11380] =	vst v63  }
0x2a0: {  	_ =	swait.ge [sflag:s19], $0x10  }
0x2a1: {  	[sflag:s19] =	ssyncset.done $0x0  }
0x2a2: {  	s11 =	simm.s32 $0x10A00;
	s15 =	rddreg [dreg:$0x17];
	[sflag:s19] =	ssyncadd.s32 $0xFFFFFFF0  }
0x2a3: {  	[tilespmem:s11], [sflag:$0x2] =	stream.linear.gather [hbm4b:s15+s24], $0x10, $0x38;
	[tilespmem:$0x11380] =	vst v63  }
0x2a4: {  	_ =	swait.ge [sflag:s19], $0x10  }
0x2a5: {  	[sflag:s19] =	ssyncset.done $0x0  }
0x2a6: {  	s15 =	simm.s32 $0x10A80;
	s25 =	rddreg [dreg:$0x18];
	[sflag:s19] =	ssyncadd.s32 $0xFFFFFFF0  }
0x2a7: {  	[tilespmem:s15], [sflag:$0x2] =	stream.linear.gather [hbm4b:s25+s24], $0x10, $0x38;
	[tilespmem:$0x11380] =	vst v63  }
0x2a8: {  	_ =	swait.ge [sflag:s19], $0x10  }
0x2a9: {  	[sflag:s19] =	ssyncset.done $0x0  }
0x2aa: {  	s25 =	simm.s32 $0x10B00;
	s15 =	rddreg [dreg:$0x15];
	[sflag:s19] =	ssyncadd.s32 $0xFFFFFFF0  }
0x2ab: {  	[tilespmem:s25], [sflag:$0x2] =	stream.linear.gather [hbm4b:s15+s24], $0x800, $0x38;
	[tilespmem:$0x11380] =	vst v63  }
0x2ac: {  	_ =	swait.ge [sflag:s19], $0x800  }
0x2ad: {  	[sflag:s19] =	ssyncset.done $0x0  }
0x2ae: {  	[sflag:s19] =	ssyncadd.s32 $0xFFFFF800  }
0x2af: {  	s19 =	simm.s32 $0x10;
	s15 =	rddreg [dreg:$0x4]  }
0x2b0: {  	[tilespmem:s16], [sflag:$0x1] =	stream.indirect.gather [hbm4b:s15+s19], $0x80, s3, s19, $0xb8;
	[tilespmem:$0x11380] =	vst v63  }
0x2b1: {  	_ = 	snop  }
0x2b2: {  	[tilespmem:s1], [sflag:$0x1] =	stream.indirect.gather [hbm4b:s15+s19], $0x80, s11, s19, $0xb8;
	[tilespmem:$0x11380] =	vst v63  }
0x2b3: {  	v7 =	vld [tilespmem:$0x10A80];
	_ =	sdelay $0x4  }
0x2b4: {  	v8 =	vshll.u32 v7, $0x1  }
0x2b5: {  	v7 =	vand.u32 $0x7, v7;
	v8 =	vand.u32 $0xFFFFFFF0, v8  }
0x2b6: {  	v7 =	vor.u32 v7, v8  }
0x2b7: {  	v8 =	vperm.xlane v7, v0;
	_ =	sdelay $0x1  }
0x2b8: {  	v7 =	vperm.xlane v7, v2;
	v8 =	vadd.s32 v1, v8;
	_ =	sdelay $0x1  }
0x2b9: {  	v7 =	vadd.s32 v1, v7;
	_ =	sdelay $0x1  }
0x2ba: {  	s16 =	rddreg [dreg:$0x5]  }
0x2bb: {  	[tilespmem:s4], [sflag:$0x1] =	stream.indirect_vreg.gather [hbm4b:s16+s24], $0x80, v8, vm0, $0xb8;
	[tilespmem:$0x11380] =	vst v63  }
0x2bc: {  	s25 =	simm.s32 $0x9800  }
0x2bd: {  	[tilespmem:s25], [sflag:$0x1] =	stream.indirect_vreg.gather [hbm4b:s16+s24], $0x80, v7, vm0, $0xb8;
	[tilespmem:$0x11380] =	vst v63  }
0x2be: {  	s1 =	rddreg [dreg:$0x6]  }
0x2bf: {  	[tilespmem:s5], [sflag:$0x1] =	stream.indirect.gather [hbm4b:s1+s19], $0x80, s3, s19, $0xb8;
	[tilespmem:$0x11380] =	vst v63  }
0x2c0: {  	s16 =	rddreg [dreg:$0x8]  }
0x2c1: {  	[tilespmem:s6], [sflag:$0x1] =	stream.indirect.gather [hbm4b:s16+s19], $0x80, s3, s19, $0xb8;
	[tilespmem:$0x11380] =	vst v63  }
0x2c2: {  	s28 =	rddreg [dreg:$0xa]  }
0x2c3: {  	[tilespmem:s8], [sflag:$0x1] =	stream.indirect.gather [hbm4b:s28+s19], $0x80, s3, s19, $0xb8;
	[tilespmem:$0x11380] =	vst v63  }
0x2c4: {  	s15 =	rddreg [dreg:$0x7]  }
0x2c5: {  	[tilespmem:s9], [sflag:$0x1] =	stream.indirect.gather [hbm4b:s15+s19], $0x80, s3, s19, $0xb8;
	[tilespmem:$0x11380] =	vst v63  }
0x2c6: {  	s25 =	rddreg [dreg:$0x9]  }
0x2c7: {  	[tilespmem:s10], [sflag:$0x1] =	stream.indirect.gather [hbm4b:s25+s19], $0x80, s3, s19, $0xb8;
	[tilespmem:$0x11380] =	vst v63  }
0x2c8: {  	s14 =	rddreg [dreg:$0xb]  }
0x2c9: {  	[tilespmem:s12], [sflag:$0x1] =	stream.indirect.gather [hbm4b:s14+s19], $0x80, s3, s19, $0xb8;
	[tilespmem:$0x11380] =	vst v63  }
0x2ca: {  	_ = 	snop  }
0x2cb: {  	[tilespmem:s30], [sflag:$0x1] =	stream.indirect.gather [hbm4b:s1+s19], $0x80, s11, s19, $0xb8;
	[tilespmem:$0x11380] =	vst v63  }
0x2cc: {  	_ = 	snop  }
0x2cd: {  	[tilespmem:s7], [sflag:$0x1] =	stream.indirect.gather [hbm4b:s16+s19], $0x80, s11, s19, $0xb8;
	[tilespmem:$0x11380] =	vst v63  }
0x2ce: {  	_ = 	snop  }
0x2cf: {  	[tilespmem:s29], [sflag:$0x1] =	stream.indirect.gather [hbm4b:s28+s19], $0x80, s11, s19, $0xb8;
	[tilespmem:$0x11380] =	vst v63  }
0x2d0: {  	_ = 	snop  }
0x2d1: {  	[tilespmem:s17], [sflag:$0x1] =	stream.indirect.gather [hbm4b:s15+s19], $0x80, s11, s19, $0xb8;
	[tilespmem:$0x11380] =	vst v63  }
0x2d2: {  	_ = 	snop  }
0x2d3: {  	v10 =	vor.u32 s24, v3;
	[tilespmem:s18], [sflag:$0x1] =	stream.indirect.gather [hbm4b:s25+s19], $0x80, s11, s19, $0xb8;
	[tilespmem:$0x11380] =	vst v63  }
0x2d4: {  	s15 =	simm.s32 $0x10180  }
0x2d5: {  	[tilespmem:s31], [sflag:$0x1] =	stream.indirect.gather [hbm4b:s14+s19], $0x80, s11, s19, $0xb8;
	[tilespmem:$0x11380] =	vst v63  }
0x2d6: {  	v8 =	vld.idx.msk [tilespmem:v3+s15+$0x0], $0xffff  }
0x2d7: {  	v9 =	vld.idx.msk [tilespmem:v4+s15+$0x0], $0xffff  }
0x2d8: {  	v7 =	vld.idx.msk [tilespmem:v10+s0+$0x0], $0xffff  }
0x2d9: {  	s16 =	simm.s32 $0x2800;
	v11 =	vld.idx.msk [tilespmem:v10+s13+$0x0], $0xffff  }
0x2da: {  	s14 =	simm.s32 $0x1;
	s19 =	simm.s32 $0x4000;
	v12 =	vld.idx.msk [tilespmem:v10+s16+$0x0], $0xffff  }
0x2db: {  	v13 =	vld.idx.msk [tilespmem:v10+s19+$0x0], $0xffff;
	v15 =	vor.u32 s14, v3  }
0x2dc: {  	v14 =	vld.idx.msk [tilespmem:v10+s21+$0x0], $0xffff  }
0x2dd: {  	v16 =	vld.idx.msk [tilespmem:v10+s2+$0x0], $0xffff  }
0x2de: {  	v17 =	vld.idx.msk [tilespmem:v10+s23+$0x0], $0xffff  }
0x2df: {  	v18 =	vld.idx.msk [tilespmem:v10+s26+$0x0], $0xffff  }
0x2e0: {  	v19 =	vld.idx.msk [tilespmem:v15+s0+$0x0], $0xffff  }
0x2e1: {  	v20 =	vld.idx.msk [tilespmem:v15+s13+$0x0], $0xffff  }
0x2e2: {  	v21 =	vld.idx.msk [tilespmem:v15+s21+$0x0], $0xffff  }
0x2e3: {  	v22 =	vld.idx.msk [tilespmem:v15+s2+$0x0], $0xffff  }
0x2e4: {  	v23 =	vld.idx.msk [tilespmem:v15+s23+$0x0], $0xffff  }
0x2e5: {  	v14 =	vmul.f32 v14, v8;
	v24 =	vld.idx.msk [tilespmem:v15+s26+$0x0], $0xffff  }
0x2e6: {  	v16 =	vmul.f32 v16, v9;
	v25 =	vld.idx.msk [tilespmem:v15+s16+$0x0], $0xffff;
	v18 =	vmul.f32 v18, v9  }
0x2e7: {  	v34 =	vor.u32 s14, v5;
	v17 =	vmul.f32 v17, v8;
	v26 =	vld.idx.msk [tilespmem:v15+s19+$0x0], $0xffff;
	v27 =	vadd.f32 v7, v14  }
0x2e8: {  	v18 =	vadd.f32 v13, v18;
	v7 =	vmul.f32 v21, v8;
	v21 =	vadd.f32 v11, v16  }
0x2e9: {  	v11 =	vmul.f32 v22, v9;
	v22 =	vadd.f32 v12, v17;
	v12 =	vmul.f32 v23, v8  }
0x2ea: {  	v13 =	vmul.f32 v24, v9;
	v16 =	vmul.f32 v27, v27;
	v19 =	vadd.f32 v19, v7  }
0x2eb: {  	v23 =	vadd.f32 v20, v11;
	v17 =	vmul.f32 v21, v21;
	v20 =	vadd.f32 v25, v12  }
0x2ec: {  	v24 =	vmul.f32 v22, v22;
	v25 =	vmul.f32 v18, v18;
	v26 =	vadd.f32 v26, v13  }
0x2ed: {  	v11 =	vor.u32 s24, v6;
	v13 =	vmul.f32 $2.755731880e-06, v16;
	v28 =	vmul.f32 v19, v19  }
0x2ee: {  	s15 =	simm.s32 $0x2;
	v12 =	vor.u32 s24, v5;
	v29 =	vmul.f32 v23, v23;
	v30 =	vmul.f32 v20, v20  }
0x2ef: {  	v7 =	vor.u32 s15, v3;
	v31 =	vmul.f32 v26, v26;
	v32 =	vmul.f32 $2.755731880e-06, v24  }
0x2f0: {  	v14 =	vmul.f32 $2.755731880e-06, v17;
	v33 =	vmul.f32 $2.755731880e-06, v25;
	v13 =	vadd.f32 $-1.984127010e-04, v13  }
0x2f1: {  	v35 =	vmul.f32 $2.755731880e-06, v28;
	v36 =	vmul.f32 $2.755731880e-06, v29;
	v32 =	vadd.f32 $-1.984127010e-04, v32  }
0x2f2: {  	v14 =	vadd.f32 $-1.984127010e-04, v14;
	v37 =	vmul.f32 $2.755731880e-06, v30;
	v33 =	vadd.f32 $-1.984127010e-04, v33  }
0x2f3: {  	v39 =	vmul.f32 $2.755731880e-06, v31;
	v40 =	vld.idx.msk [tilespmem:v11+s20+$0x0], $0xffff;
	v11 =	vmul.f32 v13, v16;
	v35 =	vadd.f32 $-1.984127010e-04, v35  }
0x2f4: {  	v63 =	vld.idx.msk [tilespmem:v10+s22+$0x0], $0xffff;
	v13 =	vmul.f32 v14, v17;
	v14 =	vadd.f32 $-1.984127010e-04, v36;
	v32 =	vmul.f32 v32, v24  }
0x2f5: {  	s23 =	simm.s32 $0x800;
	v41 =	vld.idx.msk [tilespmem:v12+s20+$0x0], $0xffff;
	v33 =	vmul.f32 v33, v25;
	v37 =	vadd.f32 $-1.984127010e-04, v37;
	v12 =	vadd.f32 $-1.984127010e-04, v39  }
0x2f6: {  	s21 =	simm.s32 $0x6000;
	v38 =	vld.idx.msk [tilespmem:v10+s23+$0x0], $0xffff;
	v11 =	vadd.f32 $8.333333770e-03, v11;
	v35 =	vmul.f32 v35, v28;
	v14 =	vmul.f32 v14, v29  }
0x2f7: {  	s26 =	simm.s32 $0x7800;
	v52 =	vld.idx.msk [tilespmem:v10+s21+$0x0], $0xffff;
	v13 =	vadd.f32 $8.333333770e-03, v13;
	v37 =	vmul.f32 v37, v30;
	v32 =	vadd.f32 $8.333333770e-03, v32  }
0x2f8: {  	v42 =	vld.idx.msk [tilespmem:v10+s26+$0x0], $0xffff;
	s26 =	simm.s32 $0x3000;
	v33 =	vadd.f32 $8.333333770e-03, v33;
	v12 =	vmul.f32 v12, v31;
	v44 =	vmul.f32 v11, v16  }
0x2f9: {  	s21 =	simm.s32 $0x4800;
	v43 =	vld.idx.msk [tilespmem:v10+s26+$0x0], $0xffff;
	v35 =	vadd.f32 $8.333333770e-03, v35;
	v14 =	vadd.f32 $8.333333770e-03, v14;
	v32 =	vmul.f32 v32, v24  }
0x2fa: {  	v45 =	vld.idx.msk [tilespmem:v10+s21+$0x0], $0xffff;
	v10 =	vmul.f32 v13, v17;
	v37 =	vadd.f32 $8.333333770e-03, v37;
	v33 =	vmul.f32 v33, v25  }
0x2fb: {  	v56 =	vld.idx.msk [tilespmem:v15+s22+$0x0], $0xffff;
	v46 =	vadd.f32 $8.333333770e-03, v12;
	v44 =	vadd.f32 $-1.666666720e-01, v44;
	v35 =	vmul.f32 v35, v28  }
0x2fc: {  	s3 =	simm.s32 $0x7800;
	v57 =	vld.idx.msk [tilespmem:v34+s20+$0x0], $0xffff;
	v10 =	vadd.f32 $-1.666666720e-01, v10;
	v47 =	vmul.f32 v14, v29;
	v32 =	vadd.f32 $-1.666666720e-01, v32  }
0x2fd: {  	v61 =	vld.idx.msk [tilespmem:v15+s3+$0x0], $0xffff;
	v33 =	vadd.f32 $-1.666666720e-01, v33;
	v37 =	vmul.f32 v37, v30;
	v46 =	vmul.f32 v46, v31  }
0x2fe: {  	s0 =	simm.s32 $0x5000;
	v60 =	vld.idx.msk [tilespmem:v15+s26+$0x0], $0xffff;
	v44 =	vmul.f32 v44, v16;
	v35 =	vadd.f32 $-1.666666720e-01, v35;
	v47 =	vadd.f32 $-1.666666720e-01, v47  }
0x2ff: {  	s1 =	simm.s32 $0x5800;
	v48 =	vld.idx.msk [tilespmem:v7+s0+$0x0], $0xffff;
	v49 =	vmul.f32 v10, v17;
	v10 =	vadd.f32 $-1.666666720e-01, v37;
	v24 =	vmul.f32 v32, v24  }
0x300: {  	s16 =	simm.s32 $0x7000;
	v11 =	vld.idx.msk [tilespmem:v7+s1+$0x0], $0xffff;
	v25 =	vmul.f32 v33, v25;
	v53 =	vadd.f32 $-1.666666720e-01, v46;
	v58 =	vmul.f32 v44, v27  }
0x301: {  	v62 =	vimm.f32 $0.0e+00;
	s25 =	simm.s32 $0x2800;
	v12 =	vld.idx.msk [tilespmem:v7+s16+$0x0], $0xffff;
	v28 =	vmul.f32 v35, v28;
	v29 =	vmul.f32 v47, v29  }
0x302: {  	s11 =	simm.s32 $0x4000;
	v13 =	vld.idx.msk [tilespmem:v7+s25+$0x0], $0xffff;
	v55 =	vadd.f32 v41, v63;
	v30 =	vmul.f32 v10, v30;
	v31 =	vmul.f32 v53, v31  }
0x303: {  	v54 =	vor.u32 s14, v6;
	s14 =	simm.s32 $0x3;
	s13 =	simm.s32 $0x6800;
	v14 =	vld.idx.msk [tilespmem:v7+s11+$0x0], $0xffff;
	v24 =	vmul.f32 v24, v22;
	v25 =	vmul.f32 v25, v18  }
0x304: {  	s24 =	simm.s32 $0x2000;
	v16 =	vld.idx.msk [tilespmem:v7+s13+$0x0], $0xffff;
	v10 =	vor.u32 s14, v3;
	v59 =	vmul.f32 v49, v21;
	v35 =	vsub.f32 v55, v38  }
0x305: {  	v17 =	vld.idx.msk [tilespmem:v7+s24+$0x0], $0xffff;
	v22 =	vadd.f32 v24, v22;
	v18 =	vadd.f32 v25, v18;
	v25 =	vmul.f32 v28, v19  }
0x306: {  	s2 =	simm.s32 $0x6000;
	v27 =	vadd.f32 v58, v27;
	v24 =	vld.idx.msk [tilespmem:v15+s21+$0x0], $0xffff;
	v28 =	vmul.f32 v30, v20;
	v30 =	vmul.f32 v31, v26  }
0x307: {  	v31 =	vld.idx.msk [tilespmem:v15+s2+$0x0], $0xffff;
	v21 =	vadd.f32 v59, v21;
	v22 =	vmul.f32 v22, v43;
	v18 =	vmul.f32 v18, v45  }
0x308: {  	v15 =	vld.idx.msk [tilespmem:v15+s23+$0x0], $0xffff;
	v29 =	vmul.f32 v29, v23;
	v27 =	vmul.f32 v27, v52;
	v28 =	vadd.f32 v28, v20  }
0x309: {  	s28 =	simm.s32 $0x3800;
	v26 =	vadd.f32 v30, v26;
	v21 =	vmul.f32 v21, v42;
	v30 =	vld.idx.msk [tilespmem:v54+s20+$0x0], $0xffff;
	v22 =	vadd.f32 v18, v22  }
0x30a: {  	v20 =	vld.idx.msk [tilespmem:v7+s28+$0x0], $0xffff;
	v25 =	vadd.f32 v25, v19;
	v23 =	vadd.f32 v29, v23;
	v28 =	vmul.f32 v28, v60  }
0x30b: {  	v19 =	vld.idx.msk [tilespmem:v10+s16+$0x0], $0xffff;
	v21 =	vadd.f32 v21, v27;
	v24 =	vmul.f32 v26, v24;
	v27 =	vadd.f32 v22, v40  }
0x30c: {  	v29 =	vadd.f32 v57, v56;
	v18 =	vld.idx.msk [tilespmem:v10+s1+$0x0], $0xffff;
	v25 =	vmul.f32 v25, v31;
	v31 =	vmul.f32 v23, v61  }
0x30d: {  	v26 =	vand.u32 $0x7FFFFFFF, v35;
	v23 =	vld.idx.msk [tilespmem:v10+s24+$0x0], $0xffff;
	v28 =	vadd.f32 v24, v28;
	v27 =	vsub.f32 v27, v21  }
0x30e: {  	v22 =	vld.idx.msk [tilespmem:v10+s0+$0x0], $0xffff;
	v63 =	vadd.f32 v26, v62;
	v25 =	vadd.f32 v31, v25  }
0x30f: {  	v24 =	vld.idx.msk [tilespmem:v10+s13+$0x0], $0xffff;
	v21 =	vsub.f32 v29, v15;
	v29 =	vand.u32 $0x7FFFFFFF, v27;
	v27 =	vadd.f32 v28, v30  }
0x310: {  	s19 =	simm.s32 $0x4;
	v26 =	vld.idx.msk [tilespmem:v10+s28+$0x0], $0xffff;
	v15 =	vmul.f32 v48, v8;
	v28 =	vadd.f32 v29, v63  }
.LBB2_8:
0x311: {  	p0 =	slt.u32 s19, $0x7E;
	v16 =	vmul.f32 v16, v9;
	v29 =	vld.idx.msk [tilespmem:v10+s25+$0x0], $0xffff;
	v21 =	vand.u32 $0x7FFFFFFF, v21;
	v25 =	vsub.f32 v27, v25  }
0x312: {  	v17 =	vmul.f32 v17, v8;
	v27 =	vmul.f32 v20, v9;
	v30 =	vld.idx.msk [tilespmem:v10+s11+$0x0], $0xffff;
	v28 =	vadd.f32 v28, v21  }
0x313: {  	v21 =	vadd.f32 v11, v15;
	v11 =	vmul.f32 v22, v8;
	v15 =	vand.u32 $0x7FFFFFFF, v25  }
0x314: {  	v20 =	vadd.f32 v12, v16;
	v12 =	vmul.f32 v24, v9;
	v15 =	vadd.f32 v15, v28  }
0x315: {  	v24 =	vadd.f32 v13, v17;
	v25 =	vadd.f32 v14, v27;
	v13 =	vmul.f32 v23, v8  }
0x316: {  	v18 =	vadd.f32 v18, v11;
	v14 =	vmul.f32 v26, v9;
	v19 =	vadd.f32 v19, v12  }
0x317: {  	v16 =	vmul.f32 v21, v21;
	v17 =	vmul.f32 v20, v20;
	v22 =	vadd.f32 v29, v13  }
0x318: {  	v26 =	vmul.f32 v24, v24;
	v27 =	vmul.f32 v25, v25;
	v23 =	vadd.f32 v30, v14  }
0x319: {  	v11 =	vor.u32 s15, v6;
	v28 =	vmul.f32 v18, v18;
	v29 =	vmul.f32 v19, v19  }
0x31a: {  	v12 =	vor.u32 s15, v5;
	s15 =	smov.u32 s19;
	v30 =	vmul.f32 v22, v22;
	v31 =	vmul.f32 v23, v23  }
0x31b: {  	v13 =	vmul.f32 $2.755731880e-06, v16;
	v14 =	vor.u32 s19, v3;
	v32 =	vmul.f32 $2.755731880e-06, v17  }
0x31c: {  	v35 =	vor.u32 s14, v5;
	v33 =	vmul.f32 $2.755731880e-06, v26;
	v34 =	vmul.f32 $2.755731880e-06, v27  }
0x31d: {  	v13 =	vadd.f32 $-1.984127010e-04, v13;
	v36 =	vmul.f32 $2.755731880e-06, v28;
	v37 =	vmul.f32 $2.755731880e-06, v29  }
0x31e: {  	v33 =	vadd.f32 $-1.984127010e-04, v33;
	v32 =	vadd.f32 $-1.984127010e-04, v32;
	v38 =	vmul.f32 $2.755731880e-06, v30  }
0x31f: {  	v34 =	vadd.f32 $-1.984127010e-04, v34;
	v36 =	vadd.f32 $-1.984127010e-04, v36;
	v40 =	vmul.f32 $2.755731880e-06, v31;
	v39 =	vld.idx.msk [tilespmem:v7+s23+$0x0], $0xffff  }
0x320: {  	v41 =	vld.idx.msk [tilespmem:v11+s20+$0x0], $0xffff;
	v11 =	vmul.f32 v13, v16;
	v13 =	vmul.f32 v32, v17;
	v32 =	vadd.f32 $-1.984127010e-04, v37  }
0x321: {  	v33 =	vmul.f32 v33, v26;
	v34 =	vmul.f32 v34, v27;
	v38 =	vadd.f32 $-1.984127010e-04, v38;
	v37 =	vld.idx.msk [tilespmem:v7+s22+$0x0], $0xffff  }
0x322: {  	v36 =	vmul.f32 v36, v28;
	v42 =	vld.idx.msk [tilespmem:v12+s20+$0x0], $0xffff;
	v12 =	vadd.f32 $-1.984127010e-04, v40;
	v32 =	vmul.f32 v32, v29  }
0x323: {  	v38 =	vmul.f32 v38, v30;
	v11 =	vadd.f32 $8.333333770e-03, v11;
	v13 =	vadd.f32 $8.333333770e-03, v13;
	v40 =	vld.idx.msk [tilespmem:v7+s2+$0x0], $0xffff  }
0x324: {  	v33 =	vadd.f32 $8.333333770e-03, v33;
	v34 =	vadd.f32 $8.333333770e-03, v34;
	v43 =	vld.idx.msk [tilespmem:v7+s3+$0x0], $0xffff;
	v12 =	vmul.f32 v12, v31  }
0x325: {  	v36 =	vadd.f32 $8.333333770e-03, v36;
	v45 =	vmul.f32 v11, v16;
	v32 =	vadd.f32 $8.333333770e-03, v32;
	v44 =	vld.idx.msk [tilespmem:v7+s26+$0x0], $0xffff  }
0x326: {  	v33 =	vmul.f32 v33, v26;
	v38 =	vadd.f32 $8.333333770e-03, v38;
	v13 =	vmul.f32 v13, v17;
	v46 =	vld.idx.msk [tilespmem:v7+s21+$0x0], $0xffff;
	v7 =	vmovc v14  }
0x327: {  	v34 =	vmul.f32 v34, v27;
	v36 =	vmul.f32 v36, v28;
	v47 =	vadd.f32 $8.333333770e-03, v12;
	v11 =	vld.idx.msk [tilespmem:v14+s1+$0x0], $0xffff  }
0x328: {  	v45 =	vadd.f32 $-1.666666720e-01, v45;
	v48 =	vadd.f32 $-1.666666720e-01, v13;
	v32 =	vmul.f32 v32, v29;
	v12 =	vld.idx.msk [tilespmem:v14+s16+$0x0], $0xffff  }
0x329: {  	v33 =	vadd.f32 $-1.666666720e-01, v33;
	v34 =	vadd.f32 $-1.666666720e-01, v34;
	v38 =	vmul.f32 v38, v30;
	v13 =	vld.idx.msk [tilespmem:v14+s25+$0x0], $0xffff  }
0x32a: {  	v36 =	vadd.f32 $-1.666666720e-01, v36;
	v47 =	vmul.f32 v47, v31;
	v32 =	vadd.f32 $-1.666666720e-01, v32;
	v14 =	vld.idx.msk [tilespmem:v14+s11+$0x0], $0xffff  }
0x32b: {  	v38 =	vadd.f32 $-1.666666720e-01, v38;
	v45 =	vmul.f32 v45, v16;
	v48 =	vmul.f32 v48, v17;
	v49 =	vld.idx.msk [tilespmem:v7+s0+$0x0], $0xffff  }
0x32c: {  	v26 =	vmul.f32 v33, v26;
	v27 =	vmul.f32 v34, v27;
	v33 =	vadd.f32 $-1.666666720e-01, v47;
	v16 =	vld.idx.msk [tilespmem:v7+s13+$0x0], $0xffff  }
0x32d: {  	v34 =	vor.u32 s14, v6;
	v28 =	vmul.f32 v36, v28;
	v29 =	vmul.f32 v32, v29;
	v17 =	vld.idx.msk [tilespmem:v7+s24+$0x0], $0xffff  }
0x32e: {  	s14 =	sadd.s32 $0x1, s19;
	v30 =	vmul.f32 v38, v30;
	v32 =	vadd.f32 v42, v37;
	v31 =	vmul.f32 v33, v31;
	v36 =	vld.idx.msk [tilespmem:v10+s22+$0x0], $0xffff  }
0x32f: {  	v26 =	vmul.f32 v26, v24;
	v27 =	vmul.f32 v27, v25;
	v33 =	vor.u32 s14, v3;
	v35 =	vld.idx.msk [tilespmem:v35+s20+$0x0], $0xffff  }
0x330: {  	v37 =	vmul.f32 v45, v21;
	v38 =	vmul.f32 v48, v20;
	v32 =	vsub.f32 v32, v39;
	v39 =	vld.idx.msk [tilespmem:v10+s26+$0x0], $0xffff  }
0x331: {  	v24 =	vadd.f32 v26, v24;
	v25 =	vadd.f32 v27, v25;
	v27 =	vmul.f32 v28, v18;
	v26 =	vld.idx.msk [tilespmem:v10+s21+$0x0], $0xffff  }
0x332: {  	v28 =	vmul.f32 v30, v22;
	v21 =	vadd.f32 v37, v21;
	v30 =	vmul.f32 v31, v23;
	v31 =	vld.idx.msk [tilespmem:v10+s2+$0x0], $0xffff  }
0x333: {  	v24 =	vmul.f32 v24, v44;
	v25 =	vmul.f32 v25, v46;
	v20 =	vadd.f32 v38, v20;
	v37 =	vld.idx.msk [tilespmem:v10+s3+$0x0], $0xffff  }
0x334: {  	v38 =	vld.idx.msk [tilespmem:v10+s23+$0x0], $0xffff;
	v10 =	vadd.f32 v28, v22;
	v22 =	vadd.f32 v30, v23;
	v23 =	vmul.f32 v29, v19  }
0x335: {  	v24 =	vadd.f32 v25, v24;
	v21 =	vmul.f32 v21, v40;
	v25 =	vmul.f32 v20, v43;
	v28 =	vld.idx.msk [tilespmem:v34+s20+$0x0], $0xffff  }
0x336: {  	v34 =	vadd.f32 v27, v18;
	v20 =	vld.idx.msk [tilespmem:v7+s28+$0x0], $0xffff;
	v29 =	vmul.f32 v10, v39;
	v23 =	vadd.f32 v23, v19  }
0x337: {  	v24 =	vadd.f32 v24, v41;
	v21 =	vadd.f32 v25, v21;
	v25 =	vmul.f32 v22, v26;
	v18 =	vld.idx.msk [tilespmem:v33+s1+$0x0], $0xffff  }
.Ltmp3:
0x338: {  	v30 =	vadd.f32 v35, v36;
	v26 =	vand.u32 $0x7FFFFFFF, v32;
	v27 =	vmul.f32 v34, v31;
	v19 =	vld.idx.msk [tilespmem:v33+s16+$0x0], $0xffff;
	v10 =	vmovc v33;
	(pc) =	sbr.rel @p0 .LBB2_8-.Ltmp3, $4  }
0x339: {  	v31 =	vsub.f32 v24, v21;
	v29 =	vadd.f32 v25, v29;
	v25 =	vmul.f32 v23, v37;
	v22 =	vld.idx.msk [tilespmem:v33+s0+$0x0], $0xffff  }
0x33a: {  	v32 =	vadd.f32 v26, v15;
	v21 =	vsub.f32 v30, v38;
	v24 =	vld.idx.msk [tilespmem:v33+s13+$0x0], $0xffff  }
0x33b: {  	v30 =	vand.u32 $0x7FFFFFFF, v31;
	v25 =	vadd.f32 v25, v27;
	v27 =	vadd.f32 v29, v28;
	v23 =	vld.idx.msk [tilespmem:v33+s24+$0x0], $0xffff  }
0x33c: {  	s19 =	sadd.s32 $0x2, s19;
	v15 =	vmul.f32 v49, v8;
	v28 =	vadd.f32 v30, v32;
	v26 =	vld.idx.msk [tilespmem:v33+s28+$0x0], $0xffff  }
0x33d: {  	v16 =	vmul.f32 v16, v9  }
0x33e: {  	v21 =	vand.u32 $0x7FFFFFFF, v21;
	v25 =	vsub.f32 v27, v25;
	v17 =	vmul.f32 v17, v8  }
0x33f: {  	v20 =	vmul.f32 v20, v9;
	v33 =	vor.u32 s14, v5;
	v21 =	vadd.f32 v28, v21  }
0x340: {  	v11 =	vadd.f32 v11, v15;
	v15 =	vmul.f32 v22, v8;
	v28 =	vor.u32 s15, v5  }
0x341: {  	v29 =	vld.idx.msk [tilespmem:v10+s25+$0x0], $0xffff;
	v12 =	vadd.f32 v12, v16;
	v16 =	vmul.f32 v24, v9;
	v13 =	vadd.f32 v13, v17  }
0x342: {  	v27 =	vld.idx.msk [tilespmem:v10+s11+$0x0], $0xffff;
	v14 =	vadd.f32 v14, v20;
	v22 =	vand.u32 $0x7FFFFFFF, v25;
	v8 =	vmul.f32 v23, v8  }
0x343: {  	v15 =	vadd.f32 v18, v15;
	v17 =	vmul.f32 v11, v11;
	v9 =	vmul.f32 v26, v9  }
0x344: {  	v16 =	vadd.f32 v19, v16;
	v18 =	vmul.f32 v12, v12;
	v19 =	vmul.f32 v13, v13  }
0x345: {  	v25 =	vor.u32 s15, v6;
	v20 =	vmul.f32 v14, v14;
	v23 =	vmul.f32 v15, v15  }
0x346: {  	v8 =	vadd.f32 v29, v8;
	v29 =	vmul.f32 $2.755731880e-06, v17;
	v24 =	vmul.f32 v16, v16  }
0x347: {  	v9 =	vadd.f32 v27, v9;
	v30 =	vmul.f32 $2.755731880e-06, v18;
	v31 =	vmul.f32 $2.755731880e-06, v19  }
0x348: {  	v32 =	vmul.f32 $2.755731880e-06, v20;
	v26 =	vmul.f32 v8, v8;
	v29 =	vadd.f32 $-1.984127010e-04, v29  }
0x349: {  	v34 =	vmul.f32 $2.755731880e-06, v23;
	v27 =	vmul.f32 v9, v9;
	v31 =	vadd.f32 $-1.984127010e-04, v31  }
0x34a: {  	v35 =	vmul.f32 $2.755731880e-06, v24;
	v30 =	vadd.f32 $-1.984127010e-04, v30;
	v32 =	vadd.f32 $-1.984127010e-04, v32  }
0x34b: {  	v36 =	vmul.f32 $2.755731880e-06, v26;
	v34 =	vadd.f32 $-1.984127010e-04, v34;
	v29 =	vmul.f32 v29, v17  }
0x34c: {  	v37 =	vmul.f32 $2.755731880e-06, v27;
	v30 =	vmul.f32 v30, v18;
	v35 =	vadd.f32 $-1.984127010e-04, v35  }
0x34d: {  	v31 =	vmul.f32 v31, v19;
	v32 =	vmul.f32 v32, v20;
	v36 =	vadd.f32 $-1.984127010e-04, v36  }
0x34e: {  	v34 =	vmul.f32 v34, v23;
	v29 =	vadd.f32 $8.333333770e-03, v29;
	v37 =	vadd.f32 $-1.984127010e-04, v37  }
0x34f: {  	v35 =	vmul.f32 v35, v24;
	v30 =	vadd.f32 $8.333333770e-03, v30;
	v31 =	vadd.f32 $8.333333770e-03, v31  }
0x350: {  	v32 =	vadd.f32 $8.333333770e-03, v32;
	v36 =	vmul.f32 v36, v26;
	v29 =	vmul.f32 v29, v17  }
0x351: {  	v34 =	vadd.f32 $8.333333770e-03, v34;
	v37 =	vmul.f32 v37, v27;
	v31 =	vmul.f32 v31, v19  }
0x352: {  	v35 =	vadd.f32 $8.333333770e-03, v35;
	v30 =	vmul.f32 v30, v18;
	v32 =	vmul.f32 v32, v20  }
0x353: {  	v38 =	vld.idx.msk [tilespmem:v7+s23+$0x0], $0xffff;
	v36 =	vadd.f32 $8.333333770e-03, v36;
	v34 =	vmul.f32 v34, v23;
	v29 =	vadd.f32 $-1.666666720e-01, v29  }
0x354: {  	v39 =	vld.idx.msk [tilespmem:v7+s22+$0x0], $0xffff;
	v37 =	vadd.f32 $8.333333770e-03, v37;
	v30 =	vadd.f32 $-1.666666720e-01, v30;
	v35 =	vmul.f32 v35, v24  }
0x355: {  	v40 =	vld.idx.msk [tilespmem:v7+s2+$0x0], $0xffff;
	v31 =	vadd.f32 $-1.666666720e-01, v31;
	v32 =	vadd.f32 $-1.666666720e-01, v32;
	v36 =	vmul.f32 v36, v26  }
0x356: {  	v28 =	vld.idx.msk [tilespmem:v28+s20+$0x0], $0xffff;
	v34 =	vadd.f32 $-1.666666720e-01, v34;
	v17 =	vmul.f32 v29, v17;
	v37 =	vmul.f32 v37, v27  }
0x357: {  	v54 =	vld.idx.msk [tilespmem:v10+s26+$0x0], $0xffff;
	v35 =	vadd.f32 $-1.666666720e-01, v35;
	v18 =	vmul.f32 v30, v18;
	v19 =	vmul.f32 v31, v19  }
0x358: {  	v21 =	vadd.f32 v22, v21;
	v22 =	vld.idx.msk [tilespmem:v7+s26+$0x0], $0xffff;
	v20 =	vmul.f32 v32, v20;
	v23 =	vmul.f32 v34, v23  }
0x359: {  	v30 =	vld.idx.msk [tilespmem:v7+s3+$0x0], $0xffff;
	v29 =	vadd.f32 $-1.666666720e-01, v36;
	v17 =	vmul.f32 v17, v11;
	v24 =	vmul.f32 v35, v24  }
0x35a: {  	v7 =	vld.idx.msk [tilespmem:v7+s21+$0x0], $0xffff;
	v31 =	vadd.f32 $-1.666666720e-01, v37;
	v19 =	vmul.f32 v19, v13;
	v20 =	vmul.f32 v20, v14  }
0x35b: {  	v53 =	vld.idx.msk [tilespmem:v33+s20+$0x0], $0xffff;
	v28 =	vadd.f32 v28, v39;
	v18 =	vmul.f32 v18, v12;
	v26 =	vmul.f32 v29, v26  }
0x35c: {  	v25 =	vld.idx.msk [tilespmem:v25+s20+$0x0], $0xffff;
	v29 =	vor.u32 s14, v6;
	v11 =	vadd.f32 v17, v11;
	v27 =	vmul.f32 v31, v27  }
0x35d: {  	v31 =	vld.idx.msk [tilespmem:v10+s22+$0x0], $0xffff;
	v13 =	vadd.f32 v19, v13;
	v14 =	vadd.f32 v20, v14;
	v19 =	vmul.f32 v23, v15  }
0x35e: {  	v20 =	vld.idx.msk [tilespmem:v10+s21+$0x0], $0xffff;
	v12 =	vadd.f32 v18, v12;
	v17 =	vmul.f32 v26, v8;
	v23 =	vmul.f32 v27, v9  }
0x35f: {  	v28 =	vsub.f32 v28, v38;
	v26 =	vld.idx.msk [tilespmem:v10+s2+$0x0], $0xffff;
	v13 =	vmul.f32 v13, v22;
	v7 =	vmul.f32 v14, v7  }
0x360: {  	v11 =	vmul.f32 v11, v40;
	v14 =	vld.idx.msk [tilespmem:v10+s3+$0x0], $0xffff;
	v12 =	vmul.f32 v12, v30;
	v8 =	vadd.f32 v17, v8  }
0x361: {  	v10 =	vld.idx.msk [tilespmem:v10+s23+$0x0], $0xffff;
	v17 =	vmul.f32 v24, v16;
	v9 =	vadd.f32 v23, v9;
	v7 =	vadd.f32 v7, v13  }
0x362: {  	v15 =	vadd.f32 v19, v15;
	v13 =	vld.idx.msk [tilespmem:v29+s20+$0x0], $0xffff;
	v11 =	vadd.f32 v12, v11;
	v8 =	vmul.f32 v8, v54  }
0x363: {  	v16 =	vadd.f32 v17, v16;
	v7 =	vadd.f32 v7, v25;
	v9 =	vmul.f32 v9, v20  }
0x364: {  	v12 =	vand.u32 $0x7FFFFFFF, v28;
	v17 =	vadd.f32 v53, v31;
	v15 =	vmul.f32 v15, v26  }
0x365: {  	v7 =	vsub.f32 v7, v11;
	v8 =	vadd.f32 v9, v8;
	v9 =	vmul.f32 v16, v14  }
0x366: {  	v10 =	vsub.f32 v17, v10;
	v11 =	vadd.f32 v12, v21  }
0x367: {  	v7 =	vand.u32 $0x7FFFFFFF, v7;
	v9 =	vadd.f32 v9, v15;
	v8 =	vadd.f32 v8, v13  }
0x368: {  	v7 =	vadd.f32 v7, v11  }
0x369: {  	v10 =	vand.u32 $0x7FFFFFFF, v10;
	v8 =	vsub.f32 v8, v9  }
0x36a: {  	v7 =	vadd.f32 v7, v10  }
0x36b: {  	v8 =	vand.u32 $0x7FFFFFFF, v8  }
0x36c: {  	v7 =	vadd.f32 v8, v7;
	_ =	sdelay $0x1  }
0x36d: {  	v7 =	vsub.f32 $0.0e+00, v7  }
0x36e: {  	s19 =	simm.s32 $0x0  }
0x36f: {  	s0 =	simm.s32 $0x11300;
	s24 =	simm.s32 $0x2;
	s23 =	rddreg [dreg:$0x16];
	[tilespmem:$0x11300] =	vst v7  }
0x370: {  	[hbm4b:s23+s19] =	stream.linear.scatter [tilespmem:s0], [sflag:$0x2], $0x10, $0x38;
	[tilespmem:$0x11380] =	vst v63  }
0x371: {  	_ =	swait.ge [sflag:s24], $0x10  }
0x372: {  	[sflag:s24] =	ssyncset.done $0x0  }
0x373: {  	s25 =	simm.s32 $0x1;
	[sflag:s24] =	ssyncadd.s32 $0xFFFFFFF0  }
0x374: {  	_ =	swait.ge [sflag:s25], $0x800  }
0x375: {  	[sflag:s25] =	ssyncset.done $0x0  }
0x376: {  	[sflag:s25] =	ssyncadd.s32 $0xFFFFF800  }
0x377: {  	_ =	swait.ge [sflag:s25], $0x800  }
0x378: {  	[sflag:s25] =	ssyncset.done $0x0  }
0x379: {  	[sflag:s25] =	ssyncadd.s32 $0xFFFFF800  }
0x37a: {  	_ =	swait.ge [sflag:s25], $0x1000  }
0x37b: {  	[sflag:s25] =	ssyncset.done $0x0  }
0x37c: {  	[sflag:s25] =	ssyncadd.s32 $0xFFFFF000  }
0x37d: {  	_ =	swait.ge [sflag:s25], $0x800  }
0x37e: {  	[sflag:s25] =	ssyncset.done $0x0  }
0x37f: {  	[sflag:s25] =	ssyncadd.s32 $0xFFFFF800  }
0x380: {  	_ =	swait.ge [sflag:s25], $0x800  }
0x381: {  	[sflag:s25] =	ssyncset.done $0x0  }
0x382: {  	[sflag:s25] =	ssyncadd.s32 $0xFFFFF800  }
0x383: {  	_ =	swait.ge [sflag:s25], $0x800  }
0x384: {  	[sflag:s25] =	ssyncset.done $0x0  }
0x385: {  	[sflag:s25] =	ssyncadd.s32 $0xFFFFF800  }
0x386: {  	_ =	swait.ge [sflag:s25], $0x800  }
0x387: {  	[sflag:s25] =	ssyncset.done $0x0  }
0x388: {  	[sflag:s25] =	ssyncadd.s32 $0xFFFFF800  }
0x389: {  	_ =	swait.ge [sflag:s25], $0x800  }
0x38a: {  	[sflag:s25] =	ssyncset.done $0x0  }
0x38b: {  	[sflag:s25] =	ssyncadd.s32 $0xFFFFF800  }
0x38c: {  	_ =	swait.ge [sflag:s25], $0x800  }
0x38d: {  	[sflag:s25] =	ssyncset.done $0x0  }
0x38e: {  	[sflag:s25] =	ssyncadd.s32 $0xFFFFF800  }
0x38f: {  	_ =	swait.ge [sflag:s25], $0x800  }
0x390: {  	[sflag:s25] =	ssyncset.done $0x0  }
0x391: {  	[sflag:s25] =	ssyncadd.s32 $0xFFFFF800  }
0x392: {  	_ =	swait.ge [sflag:s25], $0x800  }
0x393: {  	[sflag:s25] =	ssyncset.done $0x0  }
0x394: {  	[sflag:s25] =	ssyncadd.s32 $0xFFFFF800  }
0x395: {  	_ =	swait.ge [sflag:s25], $0x800  }
0x396: {  	[sflag:s25] =	ssyncset.done $0x0  }
0x397: {  	[sflag:s25] =	ssyncadd.s32 $0xFFFFF800  }
0x398: {  	_ =	swait.ge [sflag:s25], $0x800  }
0x399: {  	[sflag:s25] =	ssyncset.done $0x0  }
0x39a: {  	[sflag:s25] =	ssyncadd.s32 $0xFFFFF800  }
0x39b: {  	_ =	swait.ge [sflag:s25], $0x800  }
0x39c: {  	[sflag:s25] =	ssyncset.done $0x0  }
0x39d: {  	[sflag:s25] =	ssyncadd.s32 $0xFFFFF800  }
0x39e: {  	v10 =	vor.u32 s19, v3;
	_ =	swait.ge [sflag:s25], $0x800  }
0x39f: {  	[sflag:s25] =	ssyncset.done $0x0  }
0x3a0: {  	s26 =	simm.s32 $0x10B00;
	[sflag:s25] =	ssyncadd.s32 $0xFFFFF800  }
0x3a1: {  	v8 =	vld.idx.msk [tilespmem:v3+s26+$0x0], $0xffff  }
0x3a2: {  	v9 =	vld.idx.msk [tilespmem:v4+s26+$0x0], $0xffff  }
0x3a3: {  	v7 =	vld.idx.msk [tilespmem:v10+s7+$0x0], $0xffff  }
0x3a4: {  	v11 =	vld.idx.msk [tilespmem:v10+s18+$0x0], $0xffff  }
0x3a5: {  	s28 =	simm.s32 $0x1;
	v12 =	vld.idx.msk [tilespmem:v10+s6+$0x0], $0xffff  }
0x3a6: {  	v15 =	vor.u32 s28, v3;
	v13 =	vld.idx.msk [tilespmem:v10+s10+$0x0], $0xffff  }
0x3a7: {  	v14 =	vld.idx.msk [tilespmem:v10+s30+$0x0], $0xffff  }
0x3a8: {  	v16 =	vld.idx.msk [tilespmem:v10+s17+$0x0], $0xffff  }
0x3a9: {  	v17 =	vld.idx.msk [tilespmem:v10+s5+$0x0], $0xffff  }
0x3aa: {  	v18 =	vld.idx.msk [tilespmem:v10+s9+$0x0], $0xffff  }
0x3ab: {  	v19 =	vld.idx.msk [tilespmem:v15+s7+$0x0], $0xffff  }
0x3ac: {  	v20 =	vld.idx.msk [tilespmem:v15+s18+$0x0], $0xffff  }
0x3ad: {  	v21 =	vld.idx.msk [tilespmem:v15+s30+$0x0], $0xffff  }
0x3ae: {  	v22 =	vld.idx.msk [tilespmem:v15+s17+$0x0], $0xffff  }
0x3af: {  	v23 =	vld.idx.msk [tilespmem:v15+s5+$0x0], $0xffff  }
0x3b0: {  	v24 =	vld.idx.msk [tilespmem:v15+s9+$0x0], $0xffff;
	v14 =	vmul.f32 v14, v8  }
0x3b1: {  	v57 =	vor.u32 s28, v5;
	v25 =	vld.idx.msk [tilespmem:v15+s6+$0x0], $0xffff;
	v16 =	vmul.f32 v16, v9  }
0x3b2: {  	v26 =	vld.idx.msk [tilespmem:v15+s10+$0x0], $0xffff;
	v17 =	vmul.f32 v17, v8;
	v18 =	vmul.f32 v18, v9;
	v27 =	vadd.f32 v7, v14  }
0x3b3: {  	v7 =	vmul.f32 v21, v8;
	v21 =	vadd.f32 v11, v16;
	v11 =	vmul.f32 v22, v9  }
0x3b4: {  	v22 =	vadd.f32 v12, v17;
	v18 =	vadd.f32 v13, v18;
	v12 =	vmul.f32 v23, v8  }
0x3b5: {  	v13 =	vmul.f32 v24, v9;
	v19 =	vadd.f32 v19, v7;
	v23 =	vadd.f32 v20, v11  }
0x3b6: {  	v16 =	vmul.f32 v27, v27;
	v17 =	vmul.f32 v21, v21;
	v20 =	vadd.f32 v25, v12  }
0x3b7: {  	v24 =	vmul.f32 v22, v22;
	v25 =	vmul.f32 v18, v18;
	v26 =	vadd.f32 v26, v13  }
0x3b8: {  	v54 =	vor.u32 s28, v6;
	v28 =	vmul.f32 v19, v19;
	v29 =	vmul.f32 v23, v23  }
0x3b9: {  	v11 =	vor.u32 s19, v6;
	v30 =	vmul.f32 v20, v20;
	v31 =	vmul.f32 v26, v26  }
0x3ba: {  	s15 =	simm.s32 $0x2;
	v12 =	vor.u32 s19, v5;
	v13 =	vmul.f32 $2.755731880e-06, v16;
	v14 =	vmul.f32 $2.755731880e-06, v17  }
0x3bb: {  	v7 =	vor.u32 s15, v3;
	v55 =	vmul.f32 $2.755731880e-06, v24;
	v56 =	vmul.f32 $2.755731880e-06, v25  }
0x3bc: {  	v13 =	vadd.f32 $-1.984127010e-04, v13;
	v58 =	vmul.f32 $2.755731880e-06, v28;
	v59 =	vmul.f32 $2.755731880e-06, v29  }
0x3bd: {  	s2 =	simm.s32 $0x8800;
	v32 =	vadd.f32 $-1.984127010e-04, v55;
	v14 =	vadd.f32 $-1.984127010e-04, v14;
	v60 =	vmul.f32 $2.755731880e-06, v30  }
0x3be: {  	v61 =	vld.idx.msk [tilespmem:v10+s2+$0x0], $0xffff;
	v33 =	vadd.f32 $-1.984127010e-04, v56;
	v62 =	vmul.f32 $2.755731880e-06, v31;
	v35 =	vadd.f32 $-1.984127010e-04, v58  }
0x3bf: {  	s0 =	simm.s32 $0x8000;
	v40 =	vld.idx.msk [tilespmem:v11+s4+$0x0], $0xffff;
	v11 =	vmul.f32 v13, v16;
	v13 =	vmul.f32 v14, v17;
	v14 =	vadd.f32 $-1.984127010e-04, v59  }
0x3c0: {  	v63 =	vld.idx.msk [tilespmem:v10+s0+$0x0], $0xffff;
	v32 =	vmul.f32 v32, v24;
	v33 =	vmul.f32 v33, v25;
	v37 =	vadd.f32 $-1.984127010e-04, v60  }
0x3c1: {  	v41 =	vld.idx.msk [tilespmem:v12+s4+$0x0], $0xffff;
	v12 =	vadd.f32 $-1.984127010e-04, v62;
	v35 =	vmul.f32 v35, v28;
	v14 =	vmul.f32 v14, v29  }
0x3c2: {  	v52 =	vld.idx.msk [tilespmem:v10+s29+$0x0], $0xffff;
	v11 =	vadd.f32 $8.333333770e-03, v11;
	v13 =	vadd.f32 $8.333333770e-03, v13;
	v37 =	vmul.f32 v37, v30  }
0x3c3: {  	v42 =	vld.idx.msk [tilespmem:v10+s31+$0x0], $0xffff;
	v32 =	vadd.f32 $8.333333770e-03, v32;
	v33 =	vadd.f32 $8.333333770e-03, v33;
	v12 =	vmul.f32 v12, v31  }
0x3c4: {  	v43 =	vld.idx.msk [tilespmem:v10+s8+$0x0], $0xffff;
	v44 =	vmul.f32 v11, v16;
	v35 =	vadd.f32 $8.333333770e-03, v35;
	v14 =	vadd.f32 $8.333333770e-03, v14  }
0x3c5: {  	v45 =	vld.idx.msk [tilespmem:v10+s12+$0x0], $0xffff;
	v32 =	vmul.f32 v32, v24;
	v10 =	vmul.f32 v13, v17;
	v37 =	vadd.f32 $8.333333770e-03, v37  }
0x3c6: {  	v57 =	vld.idx.msk [tilespmem:v57+s4+$0x0], $0xffff;
	v33 =	vmul.f32 v33, v25;
	v46 =	vadd.f32 $8.333333770e-03, v12;
	v35 =	vmul.f32 v35, v28  }
0x3c7: {  	v56 =	vld.idx.msk [tilespmem:v15+s0+$0x0], $0xffff;
	v44 =	vadd.f32 $-1.666666720e-01, v44;
	v10 =	vadd.f32 $-1.666666720e-01, v10;
	v47 =	vmul.f32 v14, v29  }
0x3c8: {  	v48 =	vld.idx.msk [tilespmem:v7+s30+$0x0], $0xffff;
	v32 =	vadd.f32 $-1.666666720e-01, v32;
	v33 =	vadd.f32 $-1.666666720e-01, v33;
	v37 =	vmul.f32 v37, v30  }
0x3c9: {  	v60 =	vld.idx.msk [tilespmem:v15+s8+$0x0], $0xffff;
	v46 =	vmul.f32 v46, v31;
	v35 =	vadd.f32 $-1.666666720e-01, v35;
	v47 =	vadd.f32 $-1.666666720e-01, v47  }
0x3ca: {  	v11 =	vld.idx.msk [tilespmem:v7+s7+$0x0], $0xffff;
	v44 =	vmul.f32 v44, v16;
	v49 =	vmul.f32 v10, v17;
	v10 =	vadd.f32 $-1.666666720e-01, v37  }
0x3cb: {  	v12 =	vld.idx.msk [tilespmem:v7+s18+$0x0], $0xffff;
	v24 =	vmul.f32 v32, v24;
	v25 =	vmul.f32 v33, v25;
	v53 =	vadd.f32 $-1.666666720e-01, v46  }
0x3cc: {  	v62 =	vimm.f32 $0.0e+00;
	v13 =	vld.idx.msk [tilespmem:v7+s6+$0x0], $0xffff;
	v28 =	vmul.f32 v35, v28;
	v29 =	vmul.f32 v47, v29  }
0x3cd: {  	s14 =	simm.s32 $0x3;
	v55 =	vadd.f32 v41, v63;
	v14 =	vld.idx.msk [tilespmem:v7+s10+$0x0], $0xffff;
	v30 =	vmul.f32 v10, v30;
	v31 =	vmul.f32 v53, v31  }
0x3ce: {  	v16 =	vld.idx.msk [tilespmem:v7+s17+$0x0], $0xffff;
	v10 =	vor.u32 s14, v3;
	v24 =	vmul.f32 v24, v22;
	v25 =	vmul.f32 v25, v18  }
0x3cf: {  	v17 =	vld.idx.msk [tilespmem:v7+s5+$0x0], $0xffff;
	v58 =	vmul.f32 v44, v27;
	v59 =	vmul.f32 v49, v21;
	v35 =	vsub.f32 v55, v61  }
0x3d0: {  	v61 =	vld.idx.msk [tilespmem:v15+s31+$0x0], $0xffff;
	v22 =	vadd.f32 v24, v22;
	v18 =	vadd.f32 v25, v18;
	v25 =	vmul.f32 v28, v19  }
0x3d1: {  	v24 =	vld.idx.msk [tilespmem:v15+s12+$0x0], $0xffff;
	v27 =	vadd.f32 v58, v27;
	v28 =	vmul.f32 v30, v20;
	v30 =	vmul.f32 v31, v26  }
0x3d2: {  	v31 =	vld.idx.msk [tilespmem:v15+s29+$0x0], $0xffff;
	v21 =	vadd.f32 v59, v21;
	v22 =	vmul.f32 v22, v43;
	v18 =	vmul.f32 v18, v45  }
0x3d3: {  	v15 =	vld.idx.msk [tilespmem:v15+s2+$0x0], $0xffff;
	v29 =	vmul.f32 v29, v23;
	v28 =	vadd.f32 v28, v20;
	v26 =	vadd.f32 v30, v26  }
0x3d4: {  	v27 =	vmul.f32 v27, v52;
	v21 =	vmul.f32 v21, v42;
	v30 =	vld.idx.msk [tilespmem:v54+s4+$0x0], $0xffff;
	v22 =	vadd.f32 v18, v22  }
0x3d5: {  	v20 =	vld.idx.msk [tilespmem:v7+s9+$0x0], $0xffff;
	v25 =	vadd.f32 v25, v19;
	v23 =	vadd.f32 v29, v23;
	v28 =	vmul.f32 v28, v60  }
0x3d6: {  	v19 =	vld.idx.msk [tilespmem:v10+s18+$0x0], $0xffff;
	v21 =	vadd.f32 v21, v27;
	v24 =	vmul.f32 v26, v24;
	v27 =	vadd.f32 v22, v40  }
0x3d7: {  	v29 =	vadd.f32 v57, v56;
	v18 =	vld.idx.msk [tilespmem:v10+s7+$0x0], $0xffff;
	v25 =	vmul.f32 v25, v31;
	v31 =	vmul.f32 v23, v61  }
0x3d8: {  	v26 =	vand.u32 $0x7FFFFFFF, v35;
	v23 =	vld.idx.msk [tilespmem:v10+s5+$0x0], $0xffff;
	v28 =	vadd.f32 v24, v28;
	v27 =	vsub.f32 v27, v21  }
0x3d9: {  	v22 =	vld.idx.msk [tilespmem:v10+s30+$0x0], $0xffff;
	v63 =	vadd.f32 v26, v62;
	v25 =	vadd.f32 v31, v25  }
0x3da: {  	v24 =	vld.idx.msk [tilespmem:v10+s17+$0x0], $0xffff;
	v21 =	vsub.f32 v29, v15;
	v29 =	vand.u32 $0x7FFFFFFF, v27;
	v27 =	vadd.f32 v28, v30  }
0x3db: {  	s16 =	simm.s32 $0x4000;
	s19 =	simm.s32 $0x4;
	v26 =	vld.idx.msk [tilespmem:v10+s9+$0x0], $0xffff;
	v15 =	vmul.f32 v48, v8;
	v28 =	vadd.f32 v29, v63  }
.LBB2_10:
0x3dc: {  	p0 =	slt.u32 s19, $0x7E;
	v16 =	vmul.f32 v16, v9;
	v29 =	vld.idx.msk [tilespmem:v10+s6+$0x0], $0xffff;
	v21 =	vand.u32 $0x7FFFFFFF, v21;
	v25 =	vsub.f32 v27, v25  }
0x3dd: {  	v17 =	vmul.f32 v17, v8;
	v27 =	vmul.f32 v20, v9;
	v30 =	vld.idx.msk [tilespmem:v10+s10+$0x0], $0xffff;
	v28 =	vadd.f32 v28, v21  }
0x3de: {  	v21 =	vadd.f32 v11, v15;
	v11 =	vmul.f32 v22, v8;
	v15 =	vand.u32 $0x7FFFFFFF, v25  }
0x3df: {  	v20 =	vadd.f32 v12, v16;
	v12 =	vmul.f32 v24, v9;
	v15 =	vadd.f32 v15, v28  }
0x3e0: {  	v24 =	vadd.f32 v13, v17;
	v25 =	vadd.f32 v14, v27;
	v13 =	vmul.f32 v23, v8  }
0x3e1: {  	v18 =	vadd.f32 v18, v11;
	v14 =	vmul.f32 v26, v9;
	v19 =	vadd.f32 v19, v12  }
0x3e2: {  	v16 =	vmul.f32 v21, v21;
	v17 =	vmul.f32 v20, v20;
	v22 =	vadd.f32 v29, v13  }
0x3e3: {  	v26 =	vmul.f32 v24, v24;
	v27 =	vmul.f32 v25, v25;
	v23 =	vadd.f32 v30, v14  }
0x3e4: {  	v11 =	vor.u32 s15, v6;
	v28 =	vmul.f32 v18, v18;
	v29 =	vmul.f32 v19, v19  }
0x3e5: {  	v12 =	vor.u32 s15, v5;
	s15 =	smov.u32 s19;
	v30 =	vmul.f32 v22, v22;
	v31 =	vmul.f32 v23, v23  }
0x3e6: {  	v13 =	vmul.f32 $2.755731880e-06, v16;
	v14 =	vor.u32 s19, v3;
	v32 =	vmul.f32 $2.755731880e-06, v17  }
0x3e7: {  	v35 =	vor.u32 s14, v5;
	v33 =	vmul.f32 $2.755731880e-06, v26;
	v34 =	vmul.f32 $2.755731880e-06, v27  }
0x3e8: {  	v13 =	vadd.f32 $-1.984127010e-04, v13;
	v36 =	vmul.f32 $2.755731880e-06, v28;
	v37 =	vmul.f32 $2.755731880e-06, v29  }
0x3e9: {  	v33 =	vadd.f32 $-1.984127010e-04, v33;
	v32 =	vadd.f32 $-1.984127010e-04, v32;
	v38 =	vmul.f32 $2.755731880e-06, v30  }
0x3ea: {  	v34 =	vadd.f32 $-1.984127010e-04, v34;
	v36 =	vadd.f32 $-1.984127010e-04, v36;
	v40 =	vmul.f32 $2.755731880e-06, v31;
	v39 =	vld.idx.msk [tilespmem:v7+s2+$0x0], $0xffff  }
0x3eb: {  	v41 =	vld.idx.msk [tilespmem:v11+s4+$0x0], $0xffff;
	v11 =	vmul.f32 v13, v16;
	v13 =	vmul.f32 v32, v17;
	v32 =	vadd.f32 $-1.984127010e-04, v37  }
0x3ec: {  	v33 =	vmul.f32 v33, v26;
	v34 =	vmul.f32 v34, v27;
	v38 =	vadd.f32 $-1.984127010e-04, v38;
	v37 =	vld.idx.msk [tilespmem:v7+s0+$0x0], $0xffff  }
0x3ed: {  	v36 =	vmul.f32 v36, v28;
	v42 =	vld.idx.msk [tilespmem:v12+s4+$0x0], $0xffff;
	v12 =	vadd.f32 $-1.984127010e-04, v40;
	v32 =	vmul.f32 v32, v29  }
0x3ee: {  	v38 =	vmul.f32 v38, v30;
	v11 =	vadd.f32 $8.333333770e-03, v11;
	v13 =	vadd.f32 $8.333333770e-03, v13;
	v40 =	vld.idx.msk [tilespmem:v7+s29+$0x0], $0xffff  }
0x3ef: {  	v33 =	vadd.f32 $8.333333770e-03, v33;
	v34 =	vadd.f32 $8.333333770e-03, v34;
	v43 =	vld.idx.msk [tilespmem:v7+s31+$0x0], $0xffff;
	v12 =	vmul.f32 v12, v31  }
0x3f0: {  	v36 =	vadd.f32 $8.333333770e-03, v36;
	v45 =	vmul.f32 v11, v16;
	v32 =	vadd.f32 $8.333333770e-03, v32;
	v44 =	vld.idx.msk [tilespmem:v7+s8+$0x0], $0xffff  }
0x3f1: {  	v33 =	vmul.f32 v33, v26;
	v38 =	vadd.f32 $8.333333770e-03, v38;
	v13 =	vmul.f32 v13, v17;
	v46 =	vld.idx.msk [tilespmem:v7+s12+$0x0], $0xffff;
	v7 =	vmovc v14  }
0x3f2: {  	v34 =	vmul.f32 v34, v27;
	v36 =	vmul.f32 v36, v28;
	v47 =	vadd.f32 $8.333333770e-03, v12;
	v11 =	vld.idx.msk [tilespmem:v14+s7+$0x0], $0xffff  }
0x3f3: {  	v45 =	vadd.f32 $-1.666666720e-01, v45;
	v48 =	vadd.f32 $-1.666666720e-01, v13;
	v32 =	vmul.f32 v32, v29;
	v12 =	vld.idx.msk [tilespmem:v14+s18+$0x0], $0xffff  }
0x3f4: {  	v33 =	vadd.f32 $-1.666666720e-01, v33;
	v34 =	vadd.f32 $-1.666666720e-01, v34;
	v38 =	vmul.f32 v38, v30;
	v13 =	vld.idx.msk [tilespmem:v14+s6+$0x0], $0xffff  }
0x3f5: {  	v36 =	vadd.f32 $-1.666666720e-01, v36;
	v47 =	vmul.f32 v47, v31;
	v32 =	vadd.f32 $-1.666666720e-01, v32;
	v14 =	vld.idx.msk [tilespmem:v14+s10+$0x0], $0xffff  }
0x3f6: {  	v38 =	vadd.f32 $-1.666666720e-01, v38;
	v45 =	vmul.f32 v45, v16;
	v48 =	vmul.f32 v48, v17;
	v49 =	vld.idx.msk [tilespmem:v7+s30+$0x0], $0xffff  }
0x3f7: {  	v26 =	vmul.f32 v33, v26;
	v27 =	vmul.f32 v34, v27;
	v33 =	vadd.f32 $-1.666666720e-01, v47;
	v16 =	vld.idx.msk [tilespmem:v7+s17+$0x0], $0xffff  }
0x3f8: {  	v34 =	vor.u32 s14, v6;
	v28 =	vmul.f32 v36, v28;
	v29 =	vmul.f32 v32, v29;
	v17 =	vld.idx.msk [tilespmem:v7+s5+$0x0], $0xffff  }
0x3f9: {  	s14 =	sadd.s32 $0x1, s19;
	v30 =	vmul.f32 v38, v30;
	v32 =	vadd.f32 v42, v37;
	v31 =	vmul.f32 v33, v31;
	v36 =	vld.idx.msk [tilespmem:v10+s0+$0x0], $0xffff  }
0x3fa: {  	v26 =	vmul.f32 v26, v24;
	v27 =	vmul.f32 v27, v25;
	v33 =	vor.u32 s14, v3;
	v35 =	vld.idx.msk [tilespmem:v35+s4+$0x0], $0xffff  }
0x3fb: {  	v37 =	vmul.f32 v45, v21;
	v38 =	vmul.f32 v48, v20;
	v32 =	vsub.f32 v32, v39;
	v39 =	vld.idx.msk [tilespmem:v10+s8+$0x0], $0xffff  }
0x3fc: {  	v24 =	vadd.f32 v26, v24;
	v25 =	vadd.f32 v27, v25;
	v27 =	vmul.f32 v28, v18;
	v26 =	vld.idx.msk [tilespmem:v10+s12+$0x0], $0xffff  }
0x3fd: {  	v28 =	vmul.f32 v30, v22;
	v21 =	vadd.f32 v37, v21;
	v30 =	vmul.f32 v31, v23;
	v31 =	vld.idx.msk [tilespmem:v10+s29+$0x0], $0xffff  }
0x3fe: {  	v24 =	vmul.f32 v24, v44;
	v25 =	vmul.f32 v25, v46;
	v20 =	vadd.f32 v38, v20;
	v37 =	vld.idx.msk [tilespmem:v10+s31+$0x0], $0xffff  }
0x3ff: {  	v38 =	vld.idx.msk [tilespmem:v10+s2+$0x0], $0xffff;
	v10 =	vadd.f32 v28, v22;
	v22 =	vadd.f32 v30, v23;
	v23 =	vmul.f32 v29, v19  }
0x400: {  	v24 =	vadd.f32 v25, v24;
	v21 =	vmul.f32 v21, v40;
	v25 =	vmul.f32 v20, v43;
	v28 =	vld.idx.msk [tilespmem:v34+s4+$0x0], $0xffff  }
0x401: {  	v34 =	vadd.f32 v27, v18;
	v20 =	vld.idx.msk [tilespmem:v7+s9+$0x0], $0xffff;
	v29 =	vmul.f32 v10, v39;
	v23 =	vadd.f32 v23, v19  }
0x402: {  	v24 =	vadd.f32 v24, v41;
	v21 =	vadd.f32 v25, v21;
	v25 =	vmul.f32 v22, v26;
	v18 =	vld.idx.msk [tilespmem:v33+s7+$0x0], $0xffff  }
.Ltmp4:
0x403: {  	v30 =	vadd.f32 v35, v36;
	v26 =	vand.u32 $0x7FFFFFFF, v32;
	v27 =	vmul.f32 v34, v31;
	v19 =	vld.idx.msk [tilespmem:v33+s18+$0x0], $0xffff;
	v10 =	vmovc v33;
	(pc) =	sbr.rel @p0 .LBB2_10-.Ltmp4, $4  }
0x404: {  	v31 =	vsub.f32 v24, v21;
	v29 =	vadd.f32 v25, v29;
	v25 =	vmul.f32 v23, v37;
	v22 =	vld.idx.msk [tilespmem:v33+s30+$0x0], $0xffff  }
0x405: {  	v32 =	vadd.f32 v26, v15;
	v21 =	vsub.f32 v30, v38;
	v24 =	vld.idx.msk [tilespmem:v33+s17+$0x0], $0xffff  }
0x406: {  	v30 =	vand.u32 $0x7FFFFFFF, v31;
	v25 =	vadd.f32 v25, v27;
	v27 =	vadd.f32 v29, v28;
	v23 =	vld.idx.msk [tilespmem:v33+s5+$0x0], $0xffff  }
0x407: {  	s19 =	sadd.s32 $0x2, s19;
	v15 =	vmul.f32 v49, v8;
	v28 =	vadd.f32 v30, v32;
	v26 =	vld.idx.msk [tilespmem:v33+s9+$0x0], $0xffff  }
0x408: {  	v16 =	vmul.f32 v16, v9;
	v21 =	vand.u32 $0x7FFFFFFF, v21;
	v25 =	vsub.f32 v27, v25  }
0x409: {  	v17 =	vmul.f32 v17, v8;
	v20 =	vmul.f32 v20, v9;
	v61 =	vor.u32 s15, v6  }
0x40a: {  	v63 =	vor.u32 s15, v5;
	v33 =	vor.u32 s14, v5;
	v47 =	vor.u32 s14, v6  }
0x40b: {  	v21 =	vadd.f32 v28, v21;
	v11 =	vadd.f32 v11, v15;
	v52 =	vmul.f32 v22, v8  }
0x40c: {  	v29 =	vld.idx.msk [tilespmem:v10+s6+$0x0], $0xffff;
	v12 =	vadd.f32 v12, v16;
	v53 =	vmul.f32 v24, v9;
	v13 =	vadd.f32 v13, v17  }
0x40d: {  	v51 =	vld.idx.msk [tilespmem:v10+s10+$0x0], $0xffff;
	v14 =	vadd.f32 v14, v20;
	v8 =	vmul.f32 v23, v8;
	v55 =	vmul.f32 v11, v11  }
0x40e: {  	v15 =	vadd.f32 v18, v52;
	v54 =	vmul.f32 v26, v9;
	v56 =	vmul.f32 v12, v12  }
0x40f: {  	v16 =	vadd.f32 v19, v53;
	v57 =	vmul.f32 v13, v13;
	v20 =	vmul.f32 v14, v14  }
0x410: {  	v58 =	vand.u32 $0x7FFFFFFF, v25;
	v59 =	vmul.f32 v15, v15;
	v42 =	vmul.f32 $2.755731880e-06, v55  }
0x411: {  	v8 =	vadd.f32 v29, v8;
	v60 =	vmul.f32 v16, v16;
	v30 =	vmul.f32 $2.755731880e-06, v56  }
0x412: {  	v9 =	vadd.f32 v51, v54;
	v31 =	vmul.f32 $2.755731880e-06, v57;
	v32 =	vmul.f32 $2.755731880e-06, v20  }
0x413: {  	v62 =	vmul.f32 v8, v8;
	v29 =	vadd.f32 $-1.984127010e-04, v42;
	v34 =	vmul.f32 $2.755731880e-06, v59  }
0x414: {  	v27 =	vmul.f32 v9, v9;
	v35 =	vmul.f32 $2.755731880e-06, v60;
	v31 =	vadd.f32 $-1.984127010e-04, v31  }
0x415: {  	v30 =	vadd.f32 $-1.984127010e-04, v30;
	v32 =	vadd.f32 $-1.984127010e-04, v32;
	v36 =	vmul.f32 $2.755731880e-06, v62  }
0x416: {  	v34 =	vadd.f32 $-1.984127010e-04, v34;
	v29 =	vmul.f32 v29, v55;
	v37 =	vmul.f32 $2.755731880e-06, v27  }
0x417: {  	v30 =	vmul.f32 v30, v56;
	v35 =	vadd.f32 $-1.984127010e-04, v35;
	v31 =	vmul.f32 v31, v57  }
0x418: {  	v32 =	vmul.f32 v32, v20;
	v36 =	vadd.f32 $-1.984127010e-04, v36;
	v29 =	vadd.f32 $8.333333770e-03, v29  }
0x419: {  	v34 =	vmul.f32 v34, v59;
	v37 =	vadd.f32 $-1.984127010e-04, v37;
	v30 =	vadd.f32 $8.333333770e-03, v30  }
0x41a: {  	v35 =	vmul.f32 v35, v60;
	v31 =	vadd.f32 $8.333333770e-03, v31;
	v32 =	vadd.f32 $8.333333770e-03, v32  }
0x41b: {  	v36 =	vmul.f32 v36, v62;
	v29 =	vmul.f32 v29, v55;
	v34 =	vadd.f32 $8.333333770e-03, v34  }
0x41c: {  	v37 =	vmul.f32 v37, v27;
	v35 =	vadd.f32 $8.333333770e-03, v35;
	v31 =	vmul.f32 v31, v57  }
0x41d: {  	v30 =	vmul.f32 v30, v56;
	v32 =	vmul.f32 v32, v20;
	v36 =	vadd.f32 $8.333333770e-03, v36  }
0x41e: {  	v38 =	vld.idx.msk [tilespmem:v7+s2+$0x0], $0xffff;
	v34 =	vmul.f32 v34, v59;
	v29 =	vadd.f32 $-1.666666720e-01, v29;
	v37 =	vadd.f32 $8.333333770e-03, v37  }
0x41f: {  	v39 =	vld.idx.msk [tilespmem:v7+s0+$0x0], $0xffff;
	v30 =	vadd.f32 $-1.666666720e-01, v30;
	v35 =	vmul.f32 v35, v60;
	v31 =	vadd.f32 $-1.666666720e-01, v31  }
0x420: {  	v40 =	vld.idx.msk [tilespmem:v7+s29+$0x0], $0xffff;
	v32 =	vadd.f32 $-1.666666720e-01, v32;
	v36 =	vmul.f32 v36, v62;
	v17 =	vmul.f32 v29, v55  }
0x421: {  	v28 =	vld.idx.msk [tilespmem:v63+s4+$0x0], $0xffff;
	v34 =	vadd.f32 $-1.666666720e-01, v34;
	v37 =	vmul.f32 v37, v27;
	v18 =	vmul.f32 v30, v56  }
0x422: {  	v44 =	vld.idx.msk [tilespmem:v7+s31+$0x0], $0xffff;
	v35 =	vadd.f32 $-1.666666720e-01, v35;
	v19 =	vmul.f32 v31, v57;
	v20 =	vmul.f32 v32, v20  }
0x423: {  	v46 =	vld.idx.msk [tilespmem:v7+s8+$0x0], $0xffff;
	v21 =	vadd.f32 v58, v21;
	v23 =	vmul.f32 v34, v59;
	v17 =	vmul.f32 v17, v11  }
0x424: {  	v7 =	vld.idx.msk [tilespmem:v7+s12+$0x0], $0xffff;
	v43 =	vadd.f32 $-1.666666720e-01, v36;
	v24 =	vmul.f32 v35, v60;
	v19 =	vmul.f32 v19, v13  }
0x425: {  	v48 =	vld.idx.msk [tilespmem:v10+s0+$0x0], $0xffff;
	v45 =	vadd.f32 $-1.666666720e-01, v37;
	v20 =	vmul.f32 v20, v14;
	v18 =	vmul.f32 v18, v12  }
0x426: {  	v50 =	vld.idx.msk [tilespmem:v10+s8+$0x0], $0xffff;
	v28 =	vadd.f32 v28, v39;
	v26 =	vmul.f32 v43, v62;
	v51 =	vmul.f32 v23, v15  }
0x427: {  	v52 =	vld.idx.msk [tilespmem:v10+s12+$0x0], $0xffff;
	v11 =	vadd.f32 v17, v11;
	v27 =	vmul.f32 v45, v27;
	v13 =	vadd.f32 v19, v13  }
0x428: {  	v25 =	vld.idx.msk [tilespmem:v61+s4+$0x0], $0xffff;
	v14 =	vadd.f32 v20, v14;
	v57 =	vmul.f32 v24, v16;
	v53 =	vmul.f32 v26, v8  }
0x429: {  	v49 =	vld.idx.msk [tilespmem:v33+s4+$0x0], $0xffff;
	v12 =	vadd.f32 v18, v12;
	v11 =	vmul.f32 v11, v40;
	v54 =	vmul.f32 v27, v9  }
0x42a: {  	v28 =	vsub.f32 v28, v38;
	v55 =	vld.idx.msk [tilespmem:v10+s29+$0x0], $0xffff;
	v13 =	vmul.f32 v13, v46;
	v7 =	vmul.f32 v14, v7  }
0x42b: {  	v56 =	vld.idx.msk [tilespmem:v10+s31+$0x0], $0xffff;
	v15 =	vadd.f32 v51, v15;
	v12 =	vmul.f32 v12, v44;
	v8 =	vadd.f32 v53, v8  }
0x42c: {  	v58 =	vld.idx.msk [tilespmem:v10+s2+$0x0], $0xffff;
	v9 =	vadd.f32 v54, v9;
	v7 =	vadd.f32 v7, v13  }
0x42d: {  	v59 =	vld.idx.msk [tilespmem:v47+s4+$0x0], $0xffff;
	v16 =	vadd.f32 v57, v16;
	v11 =	vadd.f32 v12, v11  }
0x42e: {  	v8 =	vmul.f32 v8, v50;
	v7 =	vadd.f32 v7, v25;
	v9 =	vmul.f32 v9, v52  }
0x42f: {  	v61 =	vadd.f32 v49, v48;
	v60 =	vand.u32 $0x7FFFFFFF, v28;
	v15 =	vmul.f32 v15, v55  }
0x430: {  	v62 =	vmul.f32 v16, v56;
	v7 =	vsub.f32 v7, v11;
	v8 =	vadd.f32 v9, v8  }
0x431: {  	v10 =	vsub.f32 v61, v58;
	v63 =	vadd.f32 v60, v21  }
0x432: {  	v9 =	vadd.f32 v62, v15;
	v7 =	vand.u32 $0x7FFFFFFF, v7;
	v8 =	vadd.f32 v8, v59  }
0x433: {  	v7 =	vadd.f32 v7, v63  }
0x434: {  	v10 =	vand.u32 $0x7FFFFFFF, v10;
	v8 =	vsub.f32 v8, v9  }
0x435: {  	v7 =	vadd.f32 v7, v10  }
0x436: {  	v8 =	vand.u32 $0x7FFFFFFF, v8  }
0x437: {  	v7 =	vadd.f32 v8, v7;
	_ =	sdelay $0x1  }
0x438: {  	v7 =	vsub.f32 $0.0e+00, v7  }
0x439: {  	s15 =	simm.s32 $0x0  }
0x43a: {  	s25 =	rddreg [dreg:$0x19];
	s26 =	simm.s32 $0x11300;
	s19 =	simm.s32 $0x2;
	[tilespmem:$0x11300] =	vst v7  }
0x43b: {  	[hbm4b:s25+s15] =	stream.linear.scatter [tilespmem:s26], [sflag:$0x2], $0x10, $0x38;
	[tilespmem:$0x11380] =	vst v63  }
0x43c: {  	_ =	swait.ge [sflag:s19], $0x10  }
0x43d: {  	s1 =	rddreg [dreg:$0x1c]  }
0x43e: {  	s28 =	rddreg [dreg:$0x1a];
	s1 =	sadd.s32 $0x1, s1  }
0x43f: {  	p0 =	sne.s32 s1, s28  }
.Ltmp5:
0x440: {  	_ = 	snop;
	(pc) =	sbr.rel @p0 .LBB2_1-.Ltmp5, $4  }
0x441: {  	_ = 	snop  }
0x442: {  	s23 =	simm.s32 $0x2000;
	s21 =	simm.s32 $0x5000  }
0x443: {  	s0 =	simm.s32 $0x5800;
	s13 =	simm.s32 $0x7000;
	[sflag:s19] =	ssyncset.done $0x0  }
0x444: {  	s2 =	simm.s32 $0x6800;
	s26 =	simm.s32 $0x3800;
	[sflag:s19] =	ssyncadd.s32 $0xFFFFFFF0  }
0x445: {  	_ =	sfence.sel $0x180000  }
0x446: {  	[bflag:$0x0] =	sbarrier.arrive $0xFFFF  }
0x447: {  	_ =	strace $0x90000047  }
0x448: {  	s0 =	stileid.u32;
	[bflag:$0x2] =	sbarrier.arrive $0xFFFF  }
0x449: {  	p0 =	sne.s32 s0, $0x0;
	s0 =	rddreg [dreg:$0xd]  }
0x44a: {  	s0 =	sadd.s32 @!p0 $0x100000, s0  }
0x44b: {  	[sflag:s0] =	ssyncadd.tile.s32 @!p0 $0x1;
	_ =	shalt  }
.Lfunc_end2:
_tile_overlayer_lowered:
.L_overlay_start_2:
0x44c: {  	(tag) =	ssettag $0x2  }
0x44d: {  	s0 =	rddreg [dreg:$0x0];
	s2 =	stileid.u32  }
0x44e: {  	s1 =	rddreg [dreg:$0x1];
	p0 =	sne.s32 s2, $0x0  }
0x44f: {  	s3 =	rddreg [dreg:$0x2];
	[bflag:$0x3] =	sbarrier.arrive $0xFFFF;
	s2 =	simm.s32 @!p0 $0x1C03  }
0x450: {  	[timem:s3], [sflag:s2] =	dma.local @!p0 [hbm:s0], s1  }
0x451: {  	s0 =	simm.s32 @!p0 $0x3  }
0x452: {  	_ =	swait.ge @!p0 [sflag:s0], s1  }
0x453: {  	s1 =	ssub.s32 @!p0 $0x0, s1;
	[sflag:s0] =	ssyncset.done @!p0 $0x0  }
0x454: {  	[sflag:s0] =	ssyncadd.s32 @!p0 s1  }
0x455: {  	[bflag:$0x3] =	sbarrier.arrive $0xFFFF  }
0x456: {  	_ =	shalt  }

</sc_bundles>
